<compile_context>
chip_gen: v7x
topology: tpu7x:2x2x1
jax: 0.10.2.dev20260603
libtpu: 0.0.44.dev20260713+nightly
codegen_flags: <defaults>
</compile_context>

<pallas_src>
import functools

import numpy as np
import jax
import jax.numpy as jnp
from jax import lax
from jax.experimental import pallas as pl
from jax.experimental.pallas import tpu as pltpu
from jax.experimental.pallas import tpu_sc as plsc

N = 10000
E = 320000
D = 128
H = 8
DH = D // H
SCALE = DH ** -0.5

NC = 2
NS = 16
NW = NC * NS
PER_W = E // NW
CB = 80
NCH = PER_W // CB
NPAD = 10240
ROWS_PER_SUB = NPAD // NS

EBLK = 2560
GE = E // EBLK
NB = 400
GN = N // NB

_EXP_NP = np.kron(np.eye(H, dtype=np.float32), np.ones((1, DH), np.float32))


def _ln(x, g, b, eps=1e-5):
    m = jnp.mean(x, axis=-1, keepdims=True)
    v = jnp.mean((x - m) ** 2, axis=-1, keepdims=True)
    return (x - m) / jnp.sqrt(v + eps) * g + b


def _gelu(x):
    return x * 0.5 * (1.0 + lax.erf(x * np.float32(1.0 / np.sqrt(2.0))))


def _dot(a, b):
    return jnp.dot(a, b, preferred_element_type=jnp.float32)



def _tc_qkv_body(x_ref, wq, bq, wk, bk, wv, bv, q_out, k_out, v_out):
    x = x_ref[...]
    q_out[...] = _dot(x, wq[...]) + bq[...]
    k_out[...] = _dot(x, wk[...]) + bk[...]
    v_out[...] = _dot(x, wv[...]) + bv[...]


def _tc_eb_body(he_ref, w, b, eb_out):
    eb_out[...] = _dot(he_ref[...], w[...]) + b[...]


def _tc_msg_body(qd, ks, eb, hs, expm, exx_out):
    s = _dot(qd[...] * ks[...], hs[...]) * SCALE + eb[...]
    exx_out[...] = _dot(jnp.exp(s), expm[...])


def _tc_node_body(hnode, on0, on1, den0, den1,
                  wo, bo, g1, b1, wf1, bf1, wf2, bf2, g2, b2,
                  w1a, b1u, w1b, hn_out, a_out, b_out):
    agg = (on0[...] + on1[...]) / (den0[...] + den1[...] + 1e-16)
    out_node = _dot(agg, wo[...]) + bo[...]
    h1 = _ln(hnode[...] + out_node, g1[...], b1[...])
    ff = _dot(_gelu(_dot(h1, wf1[...]) + bf1[...]), wf2[...]) + bf2[...]
    hn = _ln(h1 + ff, g2[...], b2[...])
    hn_out[...] = hn
    a_out[...] = _dot(hn, w1a[...]) + b1u[...]
    b_out[...] = _dot(hn, w1b[...])


def _tc_edge_body(anbn, he, w1c, w2, b2, ge, be, he_out):
    t = anbn[...] + _dot(he[...], w1c[...])
    hen = _dot(_gelu(t), w2[...]) + b2[...]
    he_out[...] = _ln(he[...] + hen, ge[...], be[...])



def _pipeline(nch, fire, complete, wait_reuse):
    p = nch // 2
    odd = nch % 2 == 1
    fire(0, 0)
    fire(1, 1)

    def body(j, carry):
        c0 = 2 * j
        complete(c0, 0)
        complete(c0 + 1, 1)
        wait_reuse(c0, 0)
        if odd:
            fire(c0 + 2, 0)
        else:
            @pl.when(j < p - 1)
            def _pf0():
                fire(c0 + 2, 0)
        wait_reuse(c0 + 1, 1)

        @pl.when(j < p - 1)
        def _pf1():
            fire(c0 + 3, 1)

        return carry

    lax.fori_loop(0, p, body, 0)
    if odd:
        complete(nch - 1, 0)
        wait_reuse(nch - 1, 0)


def _vec_binop(dst, src, op):
    def row(i, carry):
        for r in range(D // 16):
            sl = pl.ds(r * 16, 16)
            dst[i, sl] = op(dst[i, sl], src[i, sl])
        return carry

    lax.fori_loop(0, CB, row, 0)


def _make_gather(mesh, use_dst, combine):
    n = len(use_dst)
    n_out = 1 if combine else n

    @functools.partial(
        pl.kernel,
        mesh=mesh,
        out_type=[jax.ShapeDtypeStruct((E, D), jnp.float32)] * n_out,
        scratch_types=(
            [pltpu.VMEM((PER_W,), jnp.int32)] * 2
            + [pltpu.VMEM((CB, D), jnp.float32)] * (2 * n)
            + [pltpu.SemaphoreType.DMA] * 4
        ),
    )
    def gather(*refs):
        tabs = refs[:n]
        src_hbm, dst_hbm = refs[n], refs[n + 1]
        outs = refs[n + 2:n + 2 + n_out]
        scr = refs[n + 2 + n_out:]
        idx_all = scr[0:2]
        bufs = (scr[2:2 + n], scr[2 + n:2 + 2 * n])
        sem_g = scr[2 + 2 * n:4 + 2 * n]
        sem_w = scr[4 + 2 * n:6 + 2 * n]

        wid = lax.axis_index("s") * NC + lax.axis_index("c")
        base = wid * PER_W

        pltpu.sync_copy(src_hbm.at[pl.ds(base, PER_W)], idx_all[0])
        pltpu.sync_copy(dst_hbm.at[pl.ds(base, PER_W)], idx_all[1])

        def gidx(c, t):
            a = idx_all[1] if use_dst[t] else idx_all[0]
            return a.at[pl.ds(c * CB, CB)]

        def fire(c, slot):
            for t in range(n):
                pltpu.async_copy(tabs[t].at[gidx(c, t)], bufs[slot][t],
                                 sem_g[slot])

        def complete(c, slot):
            off = base + c * CB
            for t in range(n):
                pltpu.make_async_copy(tabs[t].at[gidx(c, t)],
                                      bufs[slot][t], sem_g[slot]).wait()
            if combine:
                for t in range(1, n):
                    _vec_binop(bufs[slot][0], bufs[slot][t],
                               lambda a, b: a + b)
            for t in range(n_out):
                pltpu.async_copy(bufs[slot][t], outs[t].at[pl.ds(off, CB)],
                                 sem_w[slot])

        def wait_reuse(c, slot):
            off = base + c * CB
            for t in range(n_out):
                pltpu.make_async_copy(bufs[slot][t],
                                      outs[t].at[pl.ds(off, CB)],
                                      sem_w[slot]).wait()

        _pipeline(NCH, fire, complete, wait_reuse)

    return gather


@functools.cache
def _sc_kernels():
    mesh = plsc.VectorSubcoreMesh(core_axis_name="c", subcore_axis_name="s")

    gather_qk = _make_gather(mesh, (True, False), combine=False)
    gather_ab = _make_gather(mesh, (False, True), combine=True)

    @functools.partial(
        pl.kernel,
        mesh=mesh,
        out_type=[jax.ShapeDtypeStruct((NC, NPAD, D), jnp.float32)] * 2,
        scratch_types=(
            [pltpu.VMEM((CB,), jnp.int32)] * 4
            + [pltpu.VMEM((CB, D), jnp.float32)] * 4
            + [pltpu.VMEM_SHARED((NPAD, D), jnp.float32)]
            + [pltpu.SemaphoreType.DMA] * 4
        ),
    )
    def scatter(src_hbm, dst_hbm, v_hbm, exx_hbm, zero_hbm, on_out, den_out,
                is0, is1, id0, id1, bv0, bv1, be0, be1, sh,
                sem0, sem1, ssc0, ssc1):
        cid = lax.axis_index("c")
        sid = lax.axis_index("s")
        wid = sid * NC + cid
        r0 = sid * ROWS_PER_SUB
        base = wid * PER_W
        idx_s = (is0, is1)
        idx_d = (id0, id1)
        bv = (bv0, bv1)
        be = (be0, be1)
        sems = (sem0, sem1)
        sems_sc = (ssc0, ssc1)

        def zero_init():
            pltpu.sync_copy(zero_hbm.at[pl.ds(r0, ROWS_PER_SUB)],
                            sh.at[pl.ds(r0, ROWS_PER_SUB)])
            plsc.subcore_barrier()

        def drain(out_hbm):
            plsc.subcore_barrier()
            pltpu.sync_copy(sh.at[pl.ds(r0, ROWS_PER_SUB)],
                            out_hbm.at[cid, pl.ds(r0, ROWS_PER_SUB)])
            plsc.subcore_barrier()

        zero_init()

        def fire1(c, slot):
            off = base + c * CB
            pltpu.sync_copy(src_hbm.at[pl.ds(off, CB)], idx_s[slot])
            pltpu.sync_copy(dst_hbm.at[pl.ds(off, CB)], idx_d[slot])
            pltpu.async_copy(v_hbm.at[idx_s[slot]], bv[slot], sems[slot])
            pltpu.async_copy(exx_hbm.at[pl.ds(off, CB)], be[slot],
                             sems[slot])

        def complete1(c, slot):
            off = base + c * CB
            pltpu.make_async_copy(v_hbm.at[idx_s[slot]], bv[slot],
                                  sems[slot]).wait()
            pltpu.make_async_copy(exx_hbm.at[pl.ds(off, CB)], be[slot],
                                  sems[slot]).wait()
            _vec_binop(bv[slot], be[slot], lambda a, b: a * b)
            pltpu.async_copy(bv[slot], sh.at[idx_d[slot]], sems_sc[slot],
                             add=True)

        def reuse1(c, slot):
            pltpu.make_async_copy(bv[slot], sh.at[idx_d[slot]],
                                  sems_sc[slot]).wait()

        _pipeline(NCH, fire1, complete1, reuse1)
        drain(on_out)

        zero_init()

        def fire2(c, slot):
            off = base + c * CB
            pltpu.async_copy(dst_hbm.at[pl.ds(off, CB)], idx_d[slot],
                             sems[slot])
            pltpu.async_copy(exx_hbm.at[pl.ds(off, CB)], be[slot],
                             sems[slot])

        def complete2(c, slot):
            off = base + c * CB
            pltpu.make_async_copy(dst_hbm.at[pl.ds(off, CB)], idx_d[slot],
                                  sems[slot]).wait()
            pltpu.make_async_copy(exx_hbm.at[pl.ds(off, CB)], be[slot],
                                  sems[slot]).wait()
            pltpu.async_copy(be[slot], sh.at[idx_d[slot]], sems_sc[slot],
                             add=True)

        def reuse2(c, slot):
            pltpu.make_async_copy(be[slot], sh.at[idx_d[slot]],
                                  sems_sc[slot]).wait()

        _pipeline(NCH, fire2, complete2, reuse2)
        drain(den_out)

    return gather_qk, gather_ab, scatter



def kernel(h_node, h_edge, edge_index, params):
    p = params
    gqk, gab, sct = _sc_kernels()
    ei = edge_index.astype(jnp.int32)
    e_src, e_dst = ei[0], ei[1]
    expm = jnp.asarray(_EXP_NP)
    hs = jnp.asarray(_EXP_NP.T)
    r2 = lambda t: t.reshape(1, -1)
    wspec = lambda shp: pl.BlockSpec(shp, lambda i: (0, 0))

    q, k, v = pl.pallas_call(
        _tc_qkv_body,
        out_shape=[jax.ShapeDtypeStruct((N, D), jnp.float32)] * 3,
    )(h_node, p["q"]["W"], r2(p["q"]["b"]), p["k"]["W"], r2(p["k"]["b"]),
      p["v"]["W"], r2(p["v"]["b"]))

    eb = pl.pallas_call(
        _tc_eb_body,
        grid=(GE,),
        in_specs=[pl.BlockSpec((EBLK, D), lambda i: (i, 0)),
                  pl.BlockSpec((D, H), lambda i: (0, 0)),
                  pl.BlockSpec((1, H), lambda i: (0, 0))],
        out_specs=pl.BlockSpec((EBLK, H), lambda i: (i, 0)),
        out_shape=jax.ShapeDtypeStruct((E, H), jnp.float32),
    )(h_edge, p["eb"]["W"], r2(p["eb"]["b"]))

    qd, ks = gqk(q, k, e_src, e_dst)

    exx = pl.pallas_call(
        _tc_msg_body,
        grid=(GE,),
        in_specs=[pl.BlockSpec((EBLK, D), lambda i: (i, 0)),
                  pl.BlockSpec((EBLK, D), lambda i: (i, 0)),
                  pl.BlockSpec((EBLK, H), lambda i: (i, 0)),
                  pl.BlockSpec((D, H), lambda i: (0, 0)),
                  pl.BlockSpec((H, D), lambda i: (0, 0))],
        out_specs=pl.BlockSpec((EBLK, D), lambda i: (i, 0)),
        out_shape=jax.ShapeDtypeStruct((E, D), jnp.float32),
    )(qd, ks, eb, hs, expm)

    zero = jnp.zeros((NPAD, D), jnp.float32)
    on_p, den_p = sct(e_src, e_dst, v, exx, zero)

    hn, a_tab, b_tab = pl.pallas_call(
        _tc_node_body,
        grid=(GN,),
        in_specs=[pl.BlockSpec((NB, D), lambda i: (i, 0))] * 5 +
                 [wspec((D, D)), wspec((1, D)),
                  wspec((1, D)), wspec((1, D)),
                  wspec((D, 2 * D)), wspec((1, 2 * D)),
                  wspec((2 * D, D)), wspec((1, D)),
                  wspec((1, D)), wspec((1, D)),
                  wspec((D, D)), wspec((1, D)), wspec((D, D))],
        out_specs=[pl.BlockSpec((NB, D), lambda i: (i, 0))] * 3,
        out_shape=[jax.ShapeDtypeStruct((N, D), jnp.float32)] * 3,
    )(h_node, on_p[0], on_p[1], den_p[0], den_p[1],
      p["o"]["W"], r2(p["o"]["b"]),
      r2(p["ln1"]["g"]), r2(p["ln1"]["b"]),
      p["ffn1"]["W"], r2(p["ffn1"]["b"]),
      p["ffn2"]["W"], r2(p["ffn2"]["b"]),
      r2(p["ln2"]["g"]), r2(p["ln2"]["b"]),
      p["eu1"]["W"][:D], r2(p["eu1"]["b"]), p["eu1"]["W"][D:2 * D])

    res = gab(a_tab, b_tab, e_src, e_dst)
    anbn = res[0] if isinstance(res, (list, tuple)) else res

    he = pl.pallas_call(
        _tc_edge_body,
        grid=(GE,),
        in_specs=[pl.BlockSpec((EBLK, D), lambda i: (i, 0)),
                  pl.BlockSpec((EBLK, D), lambda i: (i, 0)),
                  wspec((D, D)), wspec((D, D)), wspec((1, D)),
                  wspec((1, D)), wspec((1, D))],
        out_specs=pl.BlockSpec((EBLK, D), lambda i: (i, 0)),
        out_shape=jax.ShapeDtypeStruct((E, D), jnp.float32),
    )(anbn, h_edge, p["eu1"]["W"][2 * D:], p["eu2"]["W"], r2(p["eu2"]["b"]),
      r2(p["lne"]["g"]), r2(p["lne"]["b"]))

    return hn, he

# --- scband reference (transcript-rebuilt; emitter-appended) ---
"""Pipeline reference for scband-sparse-egt-layer-7009386627596 (READ-ONLY COPY).

The authoritative reference and input builder live on the scoring server;
editing this copy changes nothing except your own understanding.
"""

import jax, jax.numpy as jnp
import numpy as np

N = 10000
E = 320000
D = 128
H = 8
DH = D // H


def _ln(x, g, b, eps=1e-5):
    m = x.mean(-1, keepdims=True)
    v = ((x - m) ** 2).mean(-1, keepdims=True)
    return (x - m) / jnp.sqrt(v + eps) * g + b


def _lin(p, x):
    return x @ p["W"] + p["b"]


def setup_inputs(seed: int = 0) -> dict:
    key = jax.random.key(seed)
    ks = jax.random.split(key, 16)

    def mk_lin(k, fan_in, fan_out):
        k1, k2 = jax.random.split(k)
        bound = 1.0 / np.sqrt(fan_in)
        return {
            "W": jax.random.uniform(k1, (fan_in, fan_out), jnp.float32, -bound, bound),
            "b": jax.random.uniform(k2, (fan_out,), jnp.float32, -bound, bound),
        }

    params = {
        "q": mk_lin(ks[0], D, D),
        "k": mk_lin(ks[1], D, D),
        "v": mk_lin(ks[2], D, D),
        "o": mk_lin(ks[3], D, D),
        "eb": mk_lin(ks[4], D, H),
        "ffn1": mk_lin(ks[5], D, 2 * D),
        "ffn2": mk_lin(ks[6], 2 * D, D),
        "eu1": mk_lin(ks[7], 3 * D, D),
        "eu2": mk_lin(ks[8], D, D),
        "ln1": {"g": jnp.ones((D,), jnp.float32), "b": jnp.zeros((D,), jnp.float32)},
        "ln2": {"g": jnp.ones((D,), jnp.float32), "b": jnp.zeros((D,), jnp.float32)},
        "lne": {"g": jnp.ones((D,), jnp.float32), "b": jnp.zeros((D,), jnp.float32)},
    }
    h_node = jax.random.normal(ks[9], (N, D), jnp.float32)
    h_edge = jax.random.normal(ks[10], (E, D), jnp.float32)
    edge_index = jax.random.randint(ks[11], (2, E), 0, N)
    return {"h_node": h_node, "h_edge": h_edge, "edge_index": edge_index, "params": params}


def reference(h_node, h_edge, edge_index, params):
    src = edge_index[0]
    dst = edge_index[1]
    scale = DH ** (-0.5)

    # q/k/v projections (dropout is identity in eval mode)
    q = _lin(params["q"], h_node).reshape(N, H, DH)
    k = _lin(params["k"], h_node).reshape(N, H, DH)
    v = _lin(params["v"], h_node).reshape(N, H, DH)

    # message: per-edge attention score + edge bias
    score = (q[dst] * k[src]).sum(-1) * scale  # [E, H]
    score = score + _lin(params["eb"], h_edge)  # [E, H]

    # sparse (segment) softmax over incoming edges of each dst node
    smax = jax.ops.segment_max(score, dst, num_segments=N)  # [N, H]
    ex = jnp.exp(score - smax[dst])
    den = jax.ops.segment_sum(ex, dst, num_segments=N)[dst]
    probs = ex / (den + 1e-16)

    # aggregate messages (scatter-add)
    msg = v[src] * probs[..., None]  # [E, H, DH]
    out_node = jax.ops.segment_sum(msg, dst, num_segments=N).reshape(N, D)
    out_node = _lin(params["o"], out_node)

    hn = _ln(h_node + out_node, params["ln1"]["g"], params["ln1"]["b"])
    ff = _lin(params["ffn2"], jax.nn.gelu(_lin(params["ffn1"], hn), approximate=False))
    hn = _ln(hn + ff, params["ln2"]["g"], params["ln2"]["b"])

    # edge update
    edge_input = jnp.concatenate([hn[src], hn[dst], h_edge], axis=-1)  # [E, 3D]
    he_new = _lin(params["eu2"], jax.nn.gelu(_lin(params["eu1"], edge_input), approximate=False))
    he = _ln(h_edge + he_new, params["lne"]["g"], params["lne"]["b"])
    return (hn, he)

if __name__ == "__main__":
    import jax
    _d = setup_inputs()
    print(jax.jit(kernel)(*tuple(_d.values())))

</pallas_src>

<mosaic_0001>
#map = affine_map<(d0, d1) -> (0)>
#map1 = affine_map<(d0, d1) -> (0, 0)>
#map2 = affine_map<(d0, d1) -> (0, 0, 0)>
module attributes {stable_mosaic.version = 14 : i64} {
  func.func @scatter(%arg0: i32, %arg1: i32, %arg2: memref<320000xi32, #tpu.memory_space<hbm>>, %arg3: memref<320000xi32, #tpu.memory_space<hbm>>, %arg4: memref<10000x128xf32, #tpu.memory_space<hbm>>, %arg5: memref<320000x128xf32, #tpu.memory_space<hbm>>, %arg6: memref<10240x128xf32, #tpu.memory_space<hbm>>, %arg7: memref<2x10240x128xf32, #tpu.memory_space<hbm>>, %arg8: memref<2x10240x128xf32, #tpu.memory_space<hbm>>, %arg9: memref<80xi32, #tpu.memory_space<vmem>>, %arg10: memref<80xi32, #tpu.memory_space<vmem>>, %arg11: memref<80xi32, #tpu.memory_space<vmem>>, %arg12: memref<80xi32, #tpu.memory_space<vmem>>, %arg13: memref<80x128xf32, #tpu.memory_space<vmem>>, %arg14: memref<80x128xf32, #tpu.memory_space<vmem>>, %arg15: memref<80x128xf32, #tpu.memory_space<vmem>>, %arg16: memref<80x128xf32, #tpu.memory_space<vmem>>, %arg17: memref<10240x128xf32, #tpu.memory_space<vmem_shared>>, %arg18: memref<!tpu.dma_semaphore, #tpu.memory_space<semaphore_mem>>, %arg19: memref<!tpu.dma_semaphore, #tpu.memory_space<semaphore_mem>>, %arg20: memref<!tpu.dma_semaphore, #tpu.memory_space<semaphore_mem>>, %arg21: memref<!tpu.dma_semaphore, #tpu.memory_space<semaphore_mem>>) attributes {dimension_semantics = [#tpu.dimension_semantics<core_parallel>, #tpu.dimension_semantics<subcore_parallel>], iteration_bounds = array<i64: 2, 16>, scalar_prefetch = 0 : i64, scratch_operands = 13 : i64, tpu.core_type = #tpu.core_type<sc_vector_subcore>, window_params = [{transform_indices = #map}, {transform_indices = #map}, {transform_indices = #map1}, {transform_indices = #map1}, {transform_indices = #map1}, {transform_indices = #map2}, {transform_indices = #map2}]} {
    %mul3A = arith.constant 2 : i32
    %mul3A_0 = arith.muli %arg1, %mul3A : i32
    %add3A = arith.addi %mul3A_0, %arg0 : i32
    %mul3A_1 = arith.constant 640 : i32
    %mul3A_2 = arith.muli %arg1, %mul3A_1 : i32
    %mul3A_3 = arith.constant 10000 : i32
    %mul3A_4 = arith.muli %add3A, %mul3A_3 : i32
    "tpu.region"() ({
      %run_scoped3A = tpu.sem_alloc : memref<!tpu.dma_semaphore, #tpu.memory_space<semaphore_mem>>
      %dma_start3A_88 = arith.constant 0 : i32
      %dma_start3A_89 = tpu.memref_slice %arg17[%mul3A_2, %dma_start3A_88] : memref<10240x128xf32, #tpu.memory_space<vmem_shared>> -> memref<640x128xf32, #tpu.memory_space<vmem_shared>>
      %dma_start3A_90 = arith.constant 0 : i32
      %dma_start3A_91 = tpu.memref_slice %arg6[%mul3A_2, %dma_start3A_90] : memref<10240x128xf32, #tpu.memory_space<hbm>> -> memref<640x128xf32, #tpu.memory_space<hbm>>
      tpu.enqueue_dma source(%dma_start3A_91 : memref<640x128xf32, #tpu.memory_space<hbm>>) target(%dma_start3A_89 : memref<640x128xf32, #tpu.memory_space<vmem_shared>>) target_semaphore(%run_scoped3A : memref<!tpu.dma_semaphore, #tpu.memory_space<semaphore_mem>>)
      %dma_wait3A_92 = arith.constant 0 : i32
      %dma_wait3A_93 = tpu.memref_slice %arg17[%mul3A_2, %dma_wait3A_92] : memref<10240x128xf32, #tpu.memory_space<vmem_shared>> -> memref<640x128xf32, #tpu.memory_space<vmem_shared>>
      %dma_wait3A_94 = arith.constant 0 : i32
      %dma_wait3A_95 = tpu.memref_slice %arg6[%mul3A_2, %dma_wait3A_94] : memref<10240x128xf32, #tpu.memory_space<hbm>> -> memref<640x128xf32, #tpu.memory_space<hbm>>
      tpu.wait_dma2 semaphore(%run_scoped3A : memref<!tpu.dma_semaphore, #tpu.memory_space<semaphore_mem>>) src(%dma_wait3A_95 : memref<640x128xf32, #tpu.memory_space<hbm>>) dst(%dma_wait3A_93 : memref<640x128xf32, #tpu.memory_space<vmem_shared>>)
      tpu.yield
    }) : () -> ()
    %barrier3A = arith.constant 0 : index
    tpu.barrier barrier_id(%barrier3A)
    %add3A_5 = arith.constant 0 : i32
    %add3A_6 = arith.addi %mul3A_4, %add3A_5 : i32
    "tpu.region"() ({
      %run_scoped3A = tpu.sem_alloc : memref<!tpu.dma_semaphore, #tpu.memory_space<semaphore_mem>>
      %dma_start3A_88 = tpu.memref_slice %arg2[%add3A_6] : memref<320000xi32, #tpu.memory_space<hbm>> -> memref<80xi32, #tpu.memory_space<hbm>>
      %dma_start3A_89 = tpu.memref_slice %arg2[%add3A_6] : memref<320000xi32, #tpu.memory_space<hbm>> -> memref<80xi32, #tpu.memory_space<hbm>>
      tpu.enqueue_dma source(%dma_start3A_89 : memref<80xi32, #tpu.memory_space<hbm>>) target(%arg9 : memref<80xi32, #tpu.memory_space<vmem>>) target_semaphore(%run_scoped3A : memref<!tpu.dma_semaphore, #tpu.memory_space<semaphore_mem>>)
      %dma_wait3A_90 = tpu.memref_slice %arg2[%add3A_6] : memref<320000xi32, #tpu.memory_space<hbm>> -> memref<80xi32, #tpu.memory_space<hbm>>
      %dma_wait3A_91 = tpu.memref_slice %arg2[%add3A_6] : memref<320000xi32, #tpu.memory_space<hbm>> -> memref<80xi32, #tpu.memory_space<hbm>>
      tpu.wait_dma2 semaphore(%run_scoped3A : memref<!tpu.dma_semaphore, #tpu.memory_space<semaphore_mem>>) src(%dma_wait3A_91 : memref<80xi32, #tpu.memory_space<hbm>>) dst(%arg9 : memref<80xi32, #tpu.memory_space<vmem>>)
      tpu.yield
    }) : () -> ()
    "tpu.region"() ({
      %run_scoped3A = tpu.sem_alloc : memref<!tpu.dma_semaphore, #tpu.memory_space<semaphore_mem>>
      %dma_start3A_88 = tpu.memref_slice %arg3[%add3A_6] : memref<320000xi32, #tpu.memory_space<hbm>> -> memref<80xi32, #tpu.memory_space<hbm>>
      %dma_start3A_89 = tpu.memref_slice %arg3[%add3A_6] : memref<320000xi32, #tpu.memory_space<hbm>> -> memref<80xi32, #tpu.memory_space<hbm>>
      tpu.enqueue_dma source(%dma_start3A_89 : memref<80xi32, #tpu.memory_space<hbm>>) target(%arg11 : memref<80xi32, #tpu.memory_space<vmem>>) target_semaphore(%run_scoped3A : memref<!tpu.dma_semaphore, #tpu.memory_space<semaphore_mem>>)
      %dma_wait3A_90 = tpu.memref_slice %arg3[%add3A_6] : memref<320000xi32, #tpu.memory_space<hbm>> -> memref<80xi32, #tpu.memory_space<hbm>>
      %dma_wait3A_91 = tpu.memref_slice %arg3[%add3A_6] : memref<320000xi32, #tpu.memory_space<hbm>> -> memref<80xi32, #tpu.memory_space<hbm>>
      tpu.wait_dma2 semaphore(%run_scoped3A : memref<!tpu.dma_semaphore, #tpu.memory_space<semaphore_mem>>) src(%dma_wait3A_91 : memref<80xi32, #tpu.memory_space<hbm>>) dst(%arg11 : memref<80xi32, #tpu.memory_space<vmem>>)
      tpu.yield
    }) : () -> ()
    %dma_start3A = arith.constant 0 : i32
    %dma_start3A_7 = arith.constant 0 : i32
    %dma_start3A_8 = tpu.memref_slice %arg4[%dma_start3A, %dma_start3A_7] : memref<10000x128xf32, #tpu.memory_space<hbm>> -> memref<10000x128xf32, #tpu.memory_space<hbm>>
    tpu.enqueue_indirect_dma source(%dma_start3A_8 : memref<10000x128xf32, #tpu.memory_space<hbm>>) target(%arg13 : memref<80x128xf32, #tpu.memory_space<vmem>>) offsets(%arg9 : memref<80xi32, #tpu.memory_space<vmem>>) semaphore(%arg18 : memref<!tpu.dma_semaphore, #tpu.memory_space<semaphore_mem>>)
    %dma_start3A_9 = arith.constant 0 : i32
    %dma_start3A_10 = tpu.memref_slice %arg5[%add3A_6, %dma_start3A_9] : memref<320000x128xf32, #tpu.memory_space<hbm>> -> memref<80x128xf32, #tpu.memory_space<hbm>>
    %dma_start3A_11 = arith.constant 0 : i32
    %dma_start3A_12 = tpu.memref_slice %arg5[%add3A_6, %dma_start3A_11] : memref<320000x128xf32, #tpu.memory_space<hbm>> -> memref<80x128xf32, #tpu.memory_space<hbm>>
    tpu.enqueue_dma source(%dma_start3A_12 : memref<80x128xf32, #tpu.memory_space<hbm>>) target(%arg15 : memref<80x128xf32, #tpu.memory_space<vmem>>) target_semaphore(%arg18 : memref<!tpu.dma_semaphore, #tpu.memory_space<semaphore_mem>>)
    %add3A_13 = arith.constant 80 : i32
    %add3A_14 = arith.addi %mul3A_4, %add3A_13 : i32
    "tpu.region"() ({
      %run_scoped3A = tpu.sem_alloc : memref<!tpu.dma_semaphore, #tpu.memory_space<semaphore_mem>>
      %dma_start3A_88 = tpu.memref_slice %arg2[%add3A_14] : memref<320000xi32, #tpu.memory_space<hbm>> -> memref<80xi32, #tpu.memory_space<hbm>>
      %dma_start3A_89 = tpu.memref_slice %arg2[%add3A_14] : memref<320000xi32, #tpu.memory_space<hbm>> -> memref<80xi32, #tpu.memory_space<hbm>>
      tpu.enqueue_dma source(%dma_start3A_89 : memref<80xi32, #tpu.memory_space<hbm>>) target(%arg10 : memref<80xi32, #tpu.memory_space<vmem>>) target_semaphore(%run_scoped3A : memref<!tpu.dma_semaphore, #tpu.memory_space<semaphore_mem>>)
      %dma_wait3A_90 = tpu.memref_slice %arg2[%add3A_14] : memref<320000xi32, #tpu.memory_space<hbm>> -> memref<80xi32, #tpu.memory_space<hbm>>
      %dma_wait3A_91 = tpu.memref_slice %arg2[%add3A_14] : memref<320000xi32, #tpu.memory_space<hbm>> -> memref<80xi32, #tpu.memory_space<hbm>>
      tpu.wait_dma2 semaphore(%run_scoped3A : memref<!tpu.dma_semaphore, #tpu.memory_space<semaphore_mem>>) src(%dma_wait3A_91 : memref<80xi32, #tpu.memory_space<hbm>>) dst(%arg10 : memref<80xi32, #tpu.memory_space<vmem>>)
      tpu.yield
    }) : () -> ()
    "tpu.region"() ({
      %run_scoped3A = tpu.sem_alloc : memref<!tpu.dma_semaphore, #tpu.memory_space<semaphore_mem>>
      %dma_start3A_88 = tpu.memref_slice %arg3[%add3A_14] : memref<320000xi32, #tpu.memory_space<hbm>> -> memref<80xi32, #tpu.memory_space<hbm>>
      %dma_start3A_89 = tpu.memref_slice %arg3[%add3A_14] : memref<320000xi32, #tpu.memory_space<hbm>> -> memref<80xi32, #tpu.memory_space<hbm>>
      tpu.enqueue_dma source(%dma_start3A_89 : memref<80xi32, #tpu.memory_space<hbm>>) target(%arg12 : memref<80xi32, #tpu.memory_space<vmem>>) target_semaphore(%run_scoped3A : memref<!tpu.dma_semaphore, #tpu.memory_space<semaphore_mem>>)
      %dma_wait3A_90 = tpu.memref_slice %arg3[%add3A_14] : memref<320000xi32, #tpu.memory_space<hbm>> -> memref<80xi32, #tpu.memory_space<hbm>>
      %dma_wait3A_91 = tpu.memref_slice %arg3[%add3A_14] : memref<320000xi32, #tpu.memory_space<hbm>> -> memref<80xi32, #tpu.memory_space<hbm>>
      tpu.wait_dma2 semaphore(%run_scoped3A : memref<!tpu.dma_semaphore, #tpu.memory_space<semaphore_mem>>) src(%dma_wait3A_91 : memref<80xi32, #tpu.memory_space<hbm>>) dst(%arg12 : memref<80xi32, #tpu.memory_space<vmem>>)
      tpu.yield
    }) : () -> ()
    %dma_start3A_15 = arith.constant 0 : i32
    %dma_start3A_16 = arith.constant 0 : i32
    %dma_start3A_17 = tpu.memref_slice %arg4[%dma_start3A_15, %dma_start3A_16] : memref<10000x128xf32, #tpu.memory_space<hbm>> -> memref<10000x128xf32, #tpu.memory_space<hbm>>
    tpu.enqueue_indirect_dma source(%dma_start3A_17 : memref<10000x128xf32, #tpu.memory_space<hbm>>) target(%arg14 : memref<80x128xf32, #tpu.memory_space<vmem>>) offsets(%arg10 : memref<80xi32, #tpu.memory_space<vmem>>) semaphore(%arg19 : memref<!tpu.dma_semaphore, #tpu.memory_space<semaphore_mem>>)
    %dma_start3A_18 = arith.constant 0 : i32
    %dma_start3A_19 = tpu.memref_slice %arg5[%add3A_14, %dma_start3A_18] : memref<320000x128xf32, #tpu.memory_space<hbm>> -> memref<80x128xf32, #tpu.memory_space<hbm>>
    %dma_start3A_20 = arith.constant 0 : i32
    %dma_start3A_21 = tpu.memref_slice %arg5[%add3A_14, %dma_start3A_20] : memref<320000x128xf32, #tpu.memory_space<hbm>> -> memref<80x128xf32, #tpu.memory_space<hbm>>
    tpu.enqueue_dma source(%dma_start3A_21 : memref<80x128xf32, #tpu.memory_space<hbm>>) target(%arg16 : memref<80x128xf32, #tpu.memory_space<vmem>>) target_semaphore(%arg19 : memref<!tpu.dma_semaphore, #tpu.memory_space<semaphore_mem>>)
    %scan3A = arith.constant 0 : i32
    %scan3A_22 = arith.constant 0 : i32
    %scan3A_23 = arith.constant 62 : i32
    %scan3A_24 = arith.addi %scan3A_22, %scan3A_23 : i32
    %scan3A_25 = arith.constant 1 : i32
    scf.for %scan3A_88 = %scan3A_22 to %scan3A_24 step %scan3A_25  : i32 {
      %mul3A_89 = arith.constant 2 : i32
      %mul3A_90 = arith.muli %mul3A_89, %scan3A_88 : i32
      %mul3A_91 = arith.constant 80 : i32
      %mul3A_92 = arith.muli %mul3A_90, %mul3A_91 : i32
      %add3A_93 = arith.addi %mul3A_4, %mul3A_92 : i32
      %dma_wait3A_94 = arith.constant 0 : i32
      %dma_wait3A_95 = arith.constant 0 : i32
      %dma_wait3A_96 = tpu.memref_slice %arg4[%dma_wait3A_94, %dma_wait3A_95] : memref<10000x128xf32, #tpu.memory_space<hbm>> -> memref<10000x128xf32, #tpu.memory_space<hbm>>
      tpu.wait_indirect_dma semaphore(%arg18 : memref<!tpu.dma_semaphore, #tpu.memory_space<semaphore_mem>>) src(%dma_wait3A_96 : memref<10000x128xf32, #tpu.memory_space<hbm>>) dst(%arg13 : memref<80x128xf32, #tpu.memory_space<vmem>>)
      %dma_wait3A_97 = arith.constant 0 : i32
      %dma_wait3A_98 = tpu.memref_slice %arg5[%add3A_93, %dma_wait3A_97] : memref<320000x128xf32, #tpu.memory_space<hbm>> -> memref<80x128xf32, #tpu.memory_space<hbm>>
      %dma_wait3A_99 = arith.constant 0 : i32
      %dma_wait3A_100 = tpu.memref_slice %arg5[%add3A_93, %dma_wait3A_99] : memref<320000x128xf32, #tpu.memory_space<hbm>> -> memref<80x128xf32, #tpu.memory_space<hbm>>
      tpu.wait_dma2 semaphore(%arg18 : memref<!tpu.dma_semaphore, #tpu.memory_space<semaphore_mem>>) src(%dma_wait3A_100 : memref<80x128xf32, #tpu.memory_space<hbm>>) dst(%arg15 : memref<80x128xf32, #tpu.memory_space<vmem>>)
      %scan3A_101 = arith.constant 0 : i32
      %scan3A_102 = arith.constant 0 : i32
      %scan3A_103 = arith.constant 80 : i32
      %scan3A_104 = arith.addi %scan3A_102, %scan3A_103 : i32
      %scan3A_105 = arith.constant 1 : i32
      scf.for %scan3A_153 = %scan3A_102 to %scan3A_104 step %scan3A_105  : i32 {
        %get3A = arith.index_cast %scan3A_153 : i32 to index
        %get3A_154 = arith.constant 0 : index
        %get3A_155 = tpu.vector_load %arg13[%get3A, %get3A_154] {strides = array<i32>} : memref<80x128xf32, #tpu.memory_space<vmem>>, vector<1x16xf32>,
        %get3A_156 = vector.shape_cast %get3A_155 : vector<1x16xf32> to vector<16xf32>
        %get3A_157 = arith.index_cast %scan3A_153 : i32 to index
        %get3A_158 = arith.constant 0 : index
        %get3A_159 = tpu.vector_load %arg15[%get3A_157, %get3A_158] {strides = array<i32>} : memref<80x128xf32, #tpu.memory_space<vmem>>, vector<1x16xf32>,
        %get3A_160 = vector.shape_cast %get3A_159 : vector<1x16xf32> to vector<16xf32>
        %mul3A_161 = arith.mulf %get3A_156, %get3A_160 : vector<16xf32>
        %swap3A = arith.index_cast %scan3A_153 : i32 to index
        %swap3A_162 = arith.constant 0 : index
        %swap3A_163 = tpu.vector_load %arg13[%swap3A, %swap3A_162] {strides = array<i32>} : memref<80x128xf32, #tpu.memory_space<vmem>>, vector<1x16xf32>,
        %swap3A_164 = vector.shape_cast %swap3A_163 : vector<1x16xf32> to vector<16xf32>
        %swap3A_165 = vector.shape_cast %mul3A_161 : vector<16xf32> to vector<1x16xf32>
        tpu.vector_store %arg13[%swap3A, %swap3A_162], %swap3A_165 {strides = array<i32>} : memref<80x128xf32, #tpu.memory_space<vmem>>, vector<1x16xf32>,
        %get3A_166 = arith.index_cast %scan3A_153 : i32 to index
        %get3A_167 = arith.constant 16 : index
        %get3A_168 = tpu.vector_load %arg13[%get3A_166, %get3A_167] {strides = array<i32>} : memref<80x128xf32, #tpu.memory_space<vmem>>, vector<1x16xf32>,
        %get3A_169 = vector.shape_cast %get3A_168 : vector<1x16xf32> to vector<16xf32>
        %get3A_170 = arith.index_cast %scan3A_153 : i32 to index
        %get3A_171 = arith.constant 16 : index
        %get3A_172 = tpu.vector_load %arg15[%get3A_170, %get3A_171] {strides = array<i32>} : memref<80x128xf32, #tpu.memory_space<vmem>>, vector<1x16xf32>,
        %get3A_173 = vector.shape_cast %get3A_172 : vector<1x16xf32> to vector<16xf32>
        %mul3A_174 = arith.mulf %get3A_169, %get3A_173 : vector<16xf32>
        %swap3A_175 = arith.index_cast %scan3A_153 : i32 to index
        %swap3A_176 = arith.constant 16 : index
        %swap3A_177 = tpu.vector_load %arg13[%swap3A_175, %swap3A_176] {strides = array<i32>} : memref<80x128xf32, #tpu.memory_space<vmem>>, vector<1x16xf32>,
        %swap3A_178 = vector.shape_cast %swap3A_177 : vector<1x16xf32> to vector<16xf32>
        %swap3A_179 = vector.shape_cast %mul3A_174 : vector<16xf32> to vector<1x16xf32>
        tpu.vector_store %arg13[%swap3A_175, %swap3A_176], %swap3A_179 {strides = array<i32>} : memref<80x128xf32, #tpu.memory_space<vmem>>, vector<1x16xf32>,
        %get3A_180 = arith.index_cast %scan3A_153 : i32 to index
        %get3A_181 = arith.constant 32 : index
        %get3A_182 = tpu.vector_load %arg13[%get3A_180, %get3A_181] {strides = array<i32>} : memref<80x128xf32, #tpu.memory_space<vmem>>, vector<1x16xf32>,
        %get3A_183 = vector.shape_cast %get3A_182 : vector<1x16xf32> to vector<16xf32>
        %get3A_184 = arith.index_cast %scan3A_153 : i32 to index
        %get3A_185 = arith.constant 32 : index
        %get3A_186 = tpu.vector_load %arg15[%get3A_184, %get3A_185] {strides = array<i32>} : memref<80x128xf32, #tpu.memory_space<vmem>>, vector<1x16xf32>,
        %get3A_187 = vector.shape_cast %get3A_186 : vector<1x16xf32> to vector<16xf32>
        %mul3A_188 = arith.mulf %get3A_183, %get3A_187 : vector<16xf32>
        %swap3A_189 = arith.index_cast %scan3A_153 : i32 to index
        %swap3A_190 = arith.constant 32 : index
        %swap3A_191 = tpu.vector_load %arg13[%swap3A_189, %swap3A_190] {strides = array<i32>} : memref<80x128xf32, #tpu.memory_space<vmem>>, vector<1x16xf32>,
        %swap3A_192 = vector.shape_cast %swap3A_191 : vector<1x16xf32> to vector<16xf32>
        %swap3A_193 = vector.shape_cast %mul3A_188 : vector<16xf32> to vector<1x16xf32>
        tpu.vector_store %arg13[%swap3A_189, %swap3A_190], %swap3A_193 {strides = array<i32>} : memref<80x128xf32, #tpu.memory_space<vmem>>, vector<1x16xf32>,
        %get3A_194 = arith.index_cast %scan3A_153 : i32 to index
        %get3A_195 = arith.constant 48 : index
        %get3A_196 = tpu.vector_load %arg13[%get3A_194, %get3A_195] {strides = array<i32>} : memref<80x128xf32, #tpu.memory_space<vmem>>, vector<1x16xf32>,
        %get3A_197 = vector.shape_cast %get3A_196 : vector<1x16xf32> to vector<16xf32>
        %get3A_198 = arith.index_cast %scan3A_153 : i32 to index
        %get3A_199 = arith.constant 48 : index
        %get3A_200 = tpu.vector_load %arg15[%get3A_198, %get3A_199] {strides = array<i32>} : memref<80x128xf32, #tpu.memory_space<vmem>>, vector<1x16xf32>,
        %get3A_201 = vector.shape_cast %get3A_200 : vector<1x16xf32> to vector<16xf32>
        %mul3A_202 = arith.mulf %get3A_197, %get3A_201 : vector<16xf32>
        %swap3A_203 = arith.index_cast %scan3A_153 : i32 to index
        %swap3A_204 = arith.constant 48 : index
        %swap3A_205 = tpu.vector_load %arg13[%swap3A_203, %swap3A_204] {strides = array<i32>} : memref<80x128xf32, #tpu.memory_space<vmem>>, vector<1x16xf32>,
        %swap3A_206 = vector.shape_cast %swap3A_205 : vector<1x16xf32> to vector<16xf32>
        %swap3A_207 = vector.shape_cast %mul3A_202 : vector<16xf32> to vector<1x16xf32>
        tpu.vector_store %arg13[%swap3A_203, %swap3A_204], %swap3A_207 {strides = array<i32>} : memref<80x128xf32, #tpu.memory_space<vmem>>, vector<1x16xf32>,
        %get3A_208 = arith.index_cast %scan3A_153 : i32 to index
        %get3A_209 = arith.constant 64 : index
        %get3A_210 = tpu.vector_load %arg13[%get3A_208, %get3A_209] {strides = array<i32>} : memref<80x128xf32, #tpu.memory_space<vmem>>, vector<1x16xf32>,
        %get3A_211 = vector.shape_cast %get3A_210 : vector<1x16xf32> to vector<16xf32>
        %get3A_212 = arith.index_cast %scan3A_153 : i32 to index
        %get3A_213 = arith.constant 64 : index
        %get3A_214 = tpu.vector_load %arg15[%get3A_212, %get3A_213] {strides = array<i32>} : memref<80x128xf32, #tpu.memory_space<vmem>>, vector<1x16xf32>,
        %get3A_215 = vector.shape_cast %get3A_214 : vector<1x16xf32> to vector<16xf32>
        %mul3A_216 = arith.mulf %get3A_211, %get3A_215 : vector<16xf32>
        %swap3A_217 = arith.index_cast %scan3A_153 : i32 to index
        %swap3A_218 = arith.constant 64 : index
        %swap3A_219 = tpu.vector_load %arg13[%swap3A_217, %swap3A_218] {strides = array<i32>} : memref<80x128xf32, #tpu.memory_space<vmem>>, vector<1x16xf32>,
        %swap3A_220 = vector.shape_cast %swap3A_219 : vector<1x16xf32> to vector<16xf32>
        %swap3A_221 = vector.shape_cast %mul3A_216 : vector<16xf32> to vector<1x16xf32>
        tpu.vector_store %arg13[%swap3A_217, %swap3A_218], %swap3A_221 {strides = array<i32>} : memref<80x128xf32, #tpu.memory_space<vmem>>, vector<1x16xf32>,
        %get3A_222 = arith.index_cast %scan3A_153 : i32 to index
        %get3A_223 = arith.constant 80 : index
        %get3A_224 = tpu.vector_load %arg13[%get3A_222, %get3A_223] {strides = array<i32>} : memref<80x128xf32, #tpu.memory_space<vmem>>, vector<1x16xf32>,
        %get3A_225 = vector.shape_cast %get3A_224 : vector<1x16xf32> to vector<16xf32>
        %get3A_226 = arith.index_cast %scan3A_153 : i32 to index
        %get3A_227 = arith.constant 80 : index
        %get3A_228 = tpu.vector_load %arg15[%get3A_226, %get3A_227] {strides = array<i32>} : memref<80x128xf32, #tpu.memory_space<vmem>>, vector<1x16xf32>,
        %get3A_229 = vector.shape_cast %get3A_228 : vector<1x16xf32> to vector<16xf32>
        %mul3A_230 = arith.mulf %get3A_225, %get3A_229 : vector<16xf32>
        %swap3A_231 = arith.index_cast %scan3A_153 : i32 to index
        %swap3A_232 = arith.constant 80 : index
        %swap3A_233 = tpu.vector_load %arg13[%swap3A_231, %swap3A_232] {strides = array<i32>} : memref<80x128xf32, #tpu.memory_space<vmem>>, vector<1x16xf32>,
        %swap3A_234 = vector.shape_cast %swap3A_233 : vector<1x16xf32> to vector<16xf32>
        %swap3A_235 = vector.shape_cast %mul3A_230 : vector<16xf32> to vector<1x16xf32>
        tpu.vector_store %arg13[%swap3A_231, %swap3A_232], %swap3A_235 {strides = array<i32>} : memref<80x128xf32, #tpu.memory_space<vmem>>, vector<1x16xf32>,
        %get3A_236 = arith.index_cast %scan3A_153 : i32 to index
        %get3A_237 = arith.constant 96 : index
        %get3A_238 = tpu.vector_load %arg13[%get3A_236, %get3A_237] {strides = array<i32>} : memref<80x128xf32, #tpu.memory_space<vmem>>, vector<1x16xf32>,
        %get3A_239 = vector.shape_cast %get3A_238 : vector<1x16xf32> to vector<16xf32>
        %get3A_240 = arith.index_cast %scan3A_153 : i32 to index
        %get3A_241 = arith.constant 96 : index
        %get3A_242 = tpu.vector_load %arg15[%get3A_240, %get3A_241] {strides = array<i32>} : memref<80x128xf32, #tpu.memory_space<vmem>>, vector<1x16xf32>,
        %get3A_243 = vector.shape_cast %get3A_242 : vector<1x16xf32> to vector<16xf32>
        %mul3A_244 = arith.mulf %get3A_239, %get3A_243 : vector<16xf32>
        %swap3A_245 = arith.index_cast %scan3A_153 : i32 to index
        %swap3A_246 = arith.constant 96 : index
        %swap3A_247 = tpu.vector_load %arg13[%swap3A_245, %swap3A_246] {strides = array<i32>} : memref<80x128xf32, #tpu.memory_space<vmem>>, vector<1x16xf32>,
        %swap3A_248 = vector.shape_cast %swap3A_247 : vector<1x16xf32> to vector<16xf32>
        %swap3A_249 = vector.shape_cast %mul3A_244 : vector<16xf32> to vector<1x16xf32>
        tpu.vector_store %arg13[%swap3A_245, %swap3A_246], %swap3A_249 {strides = array<i32>} : memref<80x128xf32, #tpu.memory_space<vmem>>, vector<1x16xf32>,
        %get3A_250 = arith.index_cast %scan3A_153 : i32 to index
        %get3A_251 = arith.constant 112 : index
        %get3A_252 = tpu.vector_load %arg13[%get3A_250, %get3A_251] {strides = array<i32>} : memref<80x128xf32, #tpu.memory_space<vmem>>, vector<1x16xf32>,
        %get3A_253 = vector.shape_cast %get3A_252 : vector<1x16xf32> to vector<16xf32>
        %get3A_254 = arith.index_cast %scan3A_153 : i32 to index
        %get3A_255 = arith.constant 112 : index
        %get3A_256 = tpu.vector_load %arg15[%get3A_254, %get3A_255] {strides = array<i32>} : memref<80x128xf32, #tpu.memory_space<vmem>>, vector<1x16xf32>,
        %get3A_257 = vector.shape_cast %get3A_256 : vector<1x16xf32> to vector<16xf32>
        %mul3A_258 = arith.mulf %get3A_253, %get3A_257 : vector<16xf32>
        %swap3A_259 = arith.index_cast %scan3A_153 : i32 to index
        %swap3A_260 = arith.constant 112 : index
        %swap3A_261 = tpu.vector_load %arg13[%swap3A_259, %swap3A_260] {strides = array<i32>} : memref<80x128xf32, #tpu.memory_space<vmem>>, vector<1x16xf32>,
        %swap3A_262 = vector.shape_cast %swap3A_261 : vector<1x16xf32> to vector<16xf32>
        %swap3A_263 = vector.shape_cast %mul3A_258 : vector<16xf32> to vector<1x16xf32>
        tpu.vector_store %arg13[%swap3A_259, %swap3A_260], %swap3A_263 {strides = array<i32>} : memref<80x128xf32, #tpu.memory_space<vmem>>, vector<1x16xf32>,
      }
      %scan3A_106 = arith.constant 80 : i32
      %dma_start3A_107 = arith.constant 0 : i32
      %dma_start3A_108 = arith.constant 0 : i32
      %dma_start3A_109 = tpu.memref_slice %arg17[%dma_start3A_107, %dma_start3A_108] : memref<10240x128xf32, #tpu.memory_space<vmem_shared>> -> memref<10240x128xf32, #tpu.memory_space<vmem_shared>>
      tpu.enqueue_indirect_dma source(%arg13 : memref<80x128xf32, #tpu.memory_space<vmem>>) target(%dma_start3A_109 : memref<10240x128xf32, #tpu.memory_space<vmem_shared>>) offsets(%arg11 : memref<80xi32, #tpu.memory_space<vmem>>) semaphore(%arg20 : memref<!tpu.dma_semaphore, #tpu.memory_space<semaphore_mem>>) {add = true}
      %add3A_110 = arith.constant 1 : i32
      %add3A_111 = arith.addi %mul3A_90, %add3A_110 : i32
      %mul3A_112 = arith.constant 80 : i32
      %mul3A_113 = arith.muli %add3A_111, %mul3A_112 : i32
      %add3A_114 = arith.addi %mul3A_4, %mul3A_113 : i32
      %dma_wait3A_115 = arith.constant 0 : i32
      %dma_wait3A_116 = arith.constant 0 : i32
      %dma_wait3A_117 = tpu.memref_slice %arg4[%dma_wait3A_115, %dma_wait3A_116] : memref<10000x128xf32, #tpu.memory_space<hbm>> -> memref<10000x128xf32, #tpu.memory_space<hbm>>
      tpu.wait_indirect_dma semaphore(%arg19 : memref<!tpu.dma_semaphore, #tpu.memory_space<semaphore_mem>>) src(%dma_wait3A_117 : memref<10000x128xf32, #tpu.memory_space<hbm>>) dst(%arg14 : memref<80x128xf32, #tpu.memory_space<vmem>>)
      %dma_wait3A_118 = arith.constant 0 : i32
      %dma_wait3A_119 = tpu.memref_slice %arg5[%add3A_114, %dma_wait3A_118] : memref<320000x128xf32, #tpu.memory_space<hbm>> -> memref<80x128xf32, #tpu.memory_space<hbm>>
      %dma_wait3A_120 = arith.constant 0 : i32
      %dma_wait3A_121 = tpu.memref_slice %arg5[%add3A_114, %dma_wait3A_120] : memref<320000x128xf32, #tpu.memory_space<hbm>> -> memref<80x128xf32, #tpu.memory_space<hbm>>
      tpu.wait_dma2 semaphore(%arg19 : memref<!tpu.dma_semaphore, #tpu.memory_space<semaphore_mem>>) src(%dma_wait3A_121 : memref<80x128xf32, #tpu.memory_space<hbm>>) dst(%arg16 : memref<80x128xf32, #tpu.memory_space<vmem>>)
      %scan3A_122 = arith.constant 0 : i32
      %scan3A_123 = arith.constant 0 : i32
      %scan3A_124 = arith.constant 80 : i32
      %scan3A_125 = arith.addi %scan3A_123, %scan3A_124 : i32
      %scan3A_126 = arith.constant 1 : i32
      scf.for %scan3A_153 = %scan3A_123 to %scan3A_125 step %scan3A_126  : i32 {
        %get3A = arith.index_cast %scan3A_153 : i32 to index
        %get3A_154 = arith.constant 0 : index
        %get3A_155 = tpu.vector_load %arg14[%get3A, %get3A_154] {strides = array<i32>} : memref<80x128xf32, #tpu.memory_space<vmem>>, vector<1x16xf32>,
        %get3A_156 = vector.shape_cast %get3A_155 : vector<1x16xf32> to vector<16xf32>
        %get3A_157 = arith.index_cast %scan3A_153 : i32 to index
        %get3A_158 = arith.constant 0 : index
        %get3A_159 = tpu.vector_load %arg16[%get3A_157, %get3A_158] {strides = array<i32>} : memref<80x128xf32, #tpu.memory_space<vmem>>, vector<1x16xf32>,
        %get3A_160 = vector.shape_cast %get3A_159 : vector<1x16xf32> to vector<16xf32>
        %mul3A_161 = arith.mulf %get3A_156, %get3A_160 : vector<16xf32>
        %swap3A = arith.index_cast %scan3A_153 : i32 to index
        %swap3A_162 = arith.constant 0 : index
        %swap3A_163 = tpu.vector_load %arg14[%swap3A, %swap3A_162] {strides = array<i32>} : memref<80x128xf32, #tpu.memory_space<vmem>>, vector<1x16xf32>,
        %swap3A_164 = vector.shape_cast %swap3A_163 : vector<1x16xf32> to vector<16xf32>
        %swap3A_165 = vector.shape_cast %mul3A_161 : vector<16xf32> to vector<1x16xf32>
        tpu.vector_store %arg14[%swap3A, %swap3A_162], %swap3A_165 {strides = array<i32>} : memref<80x128xf32, #tpu.memory_space<vmem>>, vector<1x16xf32>,
        %get3A_166 = arith.index_cast %scan3A_153 : i32 to index
        %get3A_167 = arith.constant 16 : index
        %get3A_168 = tpu.vector_load %arg14[%get3A_166, %get3A_167] {strides = array<i32>} : memref<80x128xf32, #tpu.memory_space<vmem>>, vector<1x16xf32>,
        %get3A_169 = vector.shape_cast %get3A_168 : vector<1x16xf32> to vector<16xf32>
        %get3A_170 = arith.index_cast %scan3A_153 : i32 to index
        %get3A_171 = arith.constant 16 : index
        %get3A_172 = tpu.vector_load %arg16[%get3A_170, %get3A_171] {strides = array<i32>} : memref<80x128xf32, #tpu.memory_space<vmem>>, vector<1x16xf32>,
        %get3A_173 = vector.shape_cast %get3A_172 : vector<1x16xf32> to vector<16xf32>
        %mul3A_174 = arith.mulf %get3A_169, %get3A_173 : vector<16xf32>
        %swap3A_175 = arith.index_cast %scan3A_153 : i32 to index
        %swap3A_176 = arith.constant 16 : index
        %swap3A_177 = tpu.vector_load %arg14[%swap3A_175, %swap3A_176] {strides = array<i32>} : memref<80x128xf32, #tpu.memory_space<vmem>>, vector<1x16xf32>,
        %swap3A_178 = vector.shape_cast %swap3A_177 : vector<1x16xf32> to vector<16xf32>
        %swap3A_179 = vector.shape_cast %mul3A_174 : vector<16xf32> to vector<1x16xf32>
        tpu.vector_store %arg14[%swap3A_175, %swap3A_176], %swap3A_179 {strides = array<i32>} : memref<80x128xf32, #tpu.memory_space<vmem>>, vector<1x16xf32>,
        %get3A_180 = arith.index_cast %scan3A_153 : i32 to index
        %get3A_181 = arith.constant 32 : index
        %get3A_182 = tpu.vector_load %arg14[%get3A_180, %get3A_181] {strides = array<i32>} : memref<80x128xf32, #tpu.memory_space<vmem>>, vector<1x16xf32>,
        %get3A_183 = vector.shape_cast %get3A_182 : vector<1x16xf32> to vector<16xf32>
        %get3A_184 = arith.index_cast %scan3A_153 : i32 to index
        %get3A_185 = arith.constant 32 : index
        %get3A_186 = tpu.vector_load %arg16[%get3A_184, %get3A_185] {strides = array<i32>} : memref<80x128xf32, #tpu.memory_space<vmem>>, vector<1x16xf32>,
        %get3A_187 = vector.shape_cast %get3A_186 : vector<1x16xf32> to vector<16xf32>
        %mul3A_188 = arith.mulf %get3A_183, %get3A_187 : vector<16xf32>
        %swap3A_189 = arith.index_cast %scan3A_153 : i32 to index
        %swap3A_190 = arith.constant 32 : index
        %swap3A_191 = tpu.vector_load %arg14[%swap3A_189, %swap3A_190] {strides = array<i32>} : memref<80x128xf32, #tpu.memory_space<vmem>>, vector<1x16xf32>,
        %swap3A_192 = vector.shape_cast %swap3A_191 : vector<1x16xf32> to vector<16xf32>
        %swap3A_193 = vector.shape_cast %mul3A_188 : vector<16xf32> to vector<1x16xf32>
        tpu.vector_store %arg14[%swap3A_189, %swap3A_190], %swap3A_193 {strides = array<i32>} : memref<80x128xf32, #tpu.memory_space<vmem>>, vector<1x16xf32>,
        %get3A_194 = arith.index_cast %scan3A_153 : i32 to index
        %get3A_195 = arith.constant 48 : index
        %get3A_196 = tpu.vector_load %arg14[%get3A_194, %get3A_195] {strides = array<i32>} : memref<80x128xf32, #tpu.memory_space<vmem>>, vector<1x16xf32>,
        %get3A_197 = vector.shape_cast %get3A_196 : vector<1x16xf32> to vector<16xf32>
        %get3A_198 = arith.index_cast %scan3A_153 : i32 to index
        %get3A_199 = arith.constant 48 : index
        %get3A_200 = tpu.vector_load %arg16[%get3A_198, %get3A_199] {strides = array<i32>} : memref<80x128xf32, #tpu.memory_space<vmem>>, vector<1x16xf32>,
        %get3A_201 = vector.shape_cast %get3A_200 : vector<1x16xf32> to vector<16xf32>
        %mul3A_202 = arith.mulf %get3A_197, %get3A_201 : vector<16xf32>
        %swap3A_203 = arith.index_cast %scan3A_153 : i32 to index
        %swap3A_204 = arith.constant 48 : index
        %swap3A_205 = tpu.vector_load %arg14[%swap3A_203, %swap3A_204] {strides = array<i32>} : memref<80x128xf32, #tpu.memory_space<vmem>>, vector<1x16xf32>,
        %swap3A_206 = vector.shape_cast %swap3A_205 : vector<1x16xf32> to vector<16xf32>
        %swap3A_207 = vector.shape_cast %mul3A_202 : vector<16xf32> to vector<1x16xf32>
        tpu.vector_store %arg14[%swap3A_203, %swap3A_204], %swap3A_207 {strides = array<i32>} : memref<80x128xf32, #tpu.memory_space<vmem>>, vector<1x16xf32>,
        %get3A_208 = arith.index_cast %scan3A_153 : i32 to index
        %get3A_209 = arith.constant 64 : index
        %get3A_210 = tpu.vector_load %arg14[%get3A_208, %get3A_209] {strides = array<i32>} : memref<80x128xf32, #tpu.memory_space<vmem>>, vector<1x16xf32>,
        %get3A_211 = vector.shape_cast %get3A_210 : vector<1x16xf32> to vector<16xf32>
        %get3A_212 = arith.index_cast %scan3A_153 : i32 to index
        %get3A_213 = arith.constant 64 : index
        %get3A_214 = tpu.vector_load %arg16[%get3A_212, %get3A_213] {strides = array<i32>} : memref<80x128xf32, #tpu.memory_space<vmem>>, vector<1x16xf32>,
        %get3A_215 = vector.shape_cast %get3A_214 : vector<1x16xf32> to vector<16xf32>
        %mul3A_216 = arith.mulf %get3A_211, %get3A_215 : vector<16xf32>
        %swap3A_217 = arith.index_cast %scan3A_153 : i32 to index
        %swap3A_218 = arith.constant 64 : index
        %swap3A_219 = tpu.vector_load %arg14[%swap3A_217, %swap3A_218] {strides = array<i32>} : memref<80x128xf32, #tpu.memory_space<vmem>>, vector<1x16xf32>,
        %swap3A_220 = vector.shape_cast %swap3A_219 : vector<1x16xf32> to vector<16xf32>
        %swap3A_221 = vector.shape_cast %mul3A_216 : vector<16xf32> to vector<1x16xf32>
        tpu.vector_store %arg14[%swap3A_217, %swap3A_218], %swap3A_221 {strides = array<i32>} : memref<80x128xf32, #tpu.memory_space<vmem>>, vector<1x16xf32>,
        %get3A_222 = arith.index_cast %scan3A_153 : i32 to index
        %get3A_223 = arith.constant 80 : index
        %get3A_224 = tpu.vector_load %arg14[%get3A_222, %get3A_223] {strides = array<i32>} : memref<80x128xf32, #tpu.memory_space<vmem>>, vector<1x16xf32>,
        %get3A_225 = vector.shape_cast %get3A_224 : vector<1x16xf32> to vector<16xf32>
        %get3A_226 = arith.index_cast %scan3A_153 : i32 to index
        %get3A_227 = arith.constant 80 : index
        %get3A_228 = tpu.vector_load %arg16[%get3A_226, %get3A_227] {strides = array<i32>} : memref<80x128xf32, #tpu.memory_space<vmem>>, vector<1x16xf32>,
        %get3A_229 = vector.shape_cast %get3A_228 : vector<1x16xf32> to vector<16xf32>
        %mul3A_230 = arith.mulf %get3A_225, %get3A_229 : vector<16xf32>
        %swap3A_231 = arith.index_cast %scan3A_153 : i32 to index
        %swap3A_232 = arith.constant 80 : index
        %swap3A_233 = tpu.vector_load %arg14[%swap3A_231, %swap3A_232] {strides = array<i32>} : memref<80x128xf32, #tpu.memory_space<vmem>>, vector<1x16xf32>,
        %swap3A_234 = vector.shape_cast %swap3A_233 : vector<1x16xf32> to vector<16xf32>
        %swap3A_235 = vector.shape_cast %mul3A_230 : vector<16xf32> to vector<1x16xf32>
        tpu.vector_store %arg14[%swap3A_231, %swap3A_232], %swap3A_235 {strides = array<i32>} : memref<80x128xf32, #tpu.memory_space<vmem>>, vector<1x16xf32>,
        %get3A_236 = arith.index_cast %scan3A_153 : i32 to index
        %get3A_237 = arith.constant 96 : index
        %get3A_238 = tpu.vector_load %arg14[%get3A_236, %get3A_237] {strides = array<i32>} : memref<80x128xf32, #tpu.memory_space<vmem>>, vector<1x16xf32>,
        %get3A_239 = vector.shape_cast %get3A_238 : vector<1x16xf32> to vector<16xf32>
        %get3A_240 = arith.index_cast %scan3A_153 : i32 to index
        %get3A_241 = arith.constant 96 : index
        %get3A_242 = tpu.vector_load %arg16[%get3A_240, %get3A_241] {strides = array<i32>} : memref<80x128xf32, #tpu.memory_space<vmem>>, vector<1x16xf32>,
        %get3A_243 = vector.shape_cast %get3A_242 : vector<1x16xf32> to vector<16xf32>
        %mul3A_244 = arith.mulf %get3A_239, %get3A_243 : vector<16xf32>
        %swap3A_245 = arith.index_cast %scan3A_153 : i32 to index
        %swap3A_246 = arith.constant 96 : index
        %swap3A_247 = tpu.vector_load %arg14[%swap3A_245, %swap3A_246] {strides = array<i32>} : memref<80x128xf32, #tpu.memory_space<vmem>>, vector<1x16xf32>,
        %swap3A_248 = vector.shape_cast %swap3A_247 : vector<1x16xf32> to vector<16xf32>
        %swap3A_249 = vector.shape_cast %mul3A_244 : vector<16xf32> to vector<1x16xf32>
        tpu.vector_store %arg14[%swap3A_245, %swap3A_246], %swap3A_249 {strides = array<i32>} : memref<80x128xf32, #tpu.memory_space<vmem>>, vector<1x16xf32>,
        %get3A_250 = arith.index_cast %scan3A_153 : i32 to index
        %get3A_251 = arith.constant 112 : index
        %get3A_252 = tpu.vector_load %arg14[%get3A_250, %get3A_251] {strides = array<i32>} : memref<80x128xf32, #tpu.memory_space<vmem>>, vector<1x16xf32>,
        %get3A_253 = vector.shape_cast %get3A_252 : vector<1x16xf32> to vector<16xf32>
        %get3A_254 = arith.index_cast %scan3A_153 : i32 to index
        %get3A_255 = arith.constant 112 : index
        %get3A_256 = tpu.vector_load %arg16[%get3A_254, %get3A_255] {strides = array<i32>} : memref<80x128xf32, #tpu.memory_space<vmem>>, vector<1x16xf32>,
        %get3A_257 = vector.shape_cast %get3A_256 : vector<1x16xf32> to vector<16xf32>
        %mul3A_258 = arith.mulf %get3A_253, %get3A_257 : vector<16xf32>
        %swap3A_259 = arith.index_cast %scan3A_153 : i32 to index
        %swap3A_260 = arith.constant 112 : index
        %swap3A_261 = tpu.vector_load %arg14[%swap3A_259, %swap3A_260] {strides = array<i32>} : memref<80x128xf32, #tpu.memory_space<vmem>>, vector<1x16xf32>,
        %swap3A_262 = vector.shape_cast %swap3A_261 : vector<1x16xf32> to vector<16xf32>
        %swap3A_263 = vector.shape_cast %mul3A_258 : vector<16xf32> to vector<1x16xf32>
        tpu.vector_store %arg14[%swap3A_259, %swap3A_260], %swap3A_263 {strides = array<i32>} : memref<80x128xf32, #tpu.memory_space<vmem>>, vector<1x16xf32>,
      }
      %scan3A_127 = arith.constant 80 : i32
      %dma_start3A_128 = arith.constant 0 : i32
      %dma_start3A_129 = arith.constant 0 : i32
      %dma_start3A_130 = tpu.memref_slice %arg17[%dma_start3A_128, %dma_start3A_129] : memref<10240x128xf32, #tpu.memory_space<vmem_shared>> -> memref<10240x128xf32, #tpu.memory_space<vmem_shared>>
      tpu.enqueue_indirect_dma source(%arg14 : memref<80x128xf32, #tpu.memory_space<vmem>>) target(%dma_start3A_130 : memref<10240x128xf32, #tpu.memory_space<vmem_shared>>) offsets(%arg12 : memref<80xi32, #tpu.memory_space<vmem>>) semaphore(%arg21 : memref<!tpu.dma_semaphore, #tpu.memory_space<semaphore_mem>>) {add = true}
      %dma_wait3A_131 = arith.constant 0 : i32
      %dma_wait3A_132 = arith.constant 0 : i32
      %dma_wait3A_133 = tpu.memref_slice %arg17[%dma_wait3A_131, %dma_wait3A_132] : memref<10240x128xf32, #tpu.memory_space<vmem_shared>> -> memref<10240x128xf32, #tpu.memory_space<vmem_shared>>
      tpu.wait_indirect_dma semaphore(%arg20 : memref<!tpu.dma_semaphore, #tpu.memory_space<semaphore_mem>>) src(%arg13 : memref<80x128xf32, #tpu.memory_space<vmem>>) dst(%dma_wait3A_133 : memref<10240x128xf32, #tpu.memory_space<vmem_shared>>)
      %add3A_134 = arith.constant 2 : i32
      %add3A_135 = arith.addi %mul3A_90, %add3A_134 : i32
      %mul3A_136 = arith.constant 80 : i32
      %mul3A_137 = arith.muli %add3A_135, %mul3A_136 : i32
      %add3A_138 = arith.addi %mul3A_4, %mul3A_137 : i32
      "tpu.region"() ({
        %run_scoped3A = tpu.sem_alloc : memref<!tpu.dma_semaphore, #tpu.memory_space<semaphore_mem>>
        %dma_start3A_153 = tpu.memref_slice %arg2[%add3A_138] : memref<320000xi32, #tpu.memory_space<hbm>> -> memref<80xi32, #tpu.memory_space<hbm>>
        %dma_start3A_154 = tpu.memref_slice %arg2[%add3A_138] : memref<320000xi32, #tpu.memory_space<hbm>> -> memref<80xi32, #tpu.memory_space<hbm>>
        tpu.enqueue_dma source(%dma_start3A_154 : memref<80xi32, #tpu.memory_space<hbm>>) target(%arg9 : memref<80xi32, #tpu.memory_space<vmem>>) target_semaphore(%run_scoped3A : memref<!tpu.dma_semaphore, #tpu.memory_space<semaphore_mem>>)
        %dma_wait3A_155 = tpu.memref_slice %arg2[%add3A_138] : memref<320000xi32, #tpu.memory_space<hbm>> -> memref<80xi32, #tpu.memory_space<hbm>>
        %dma_wait3A_156 = tpu.memref_slice %arg2[%add3A_138] : memref<320000xi32, #tpu.memory_space<hbm>> -> memref<80xi32, #tpu.memory_space<hbm>>
        tpu.wait_dma2 semaphore(%run_scoped3A : memref<!tpu.dma_semaphore, #tpu.memory_space<semaphore_mem>>) src(%dma_wait3A_156 : memref<80xi32, #tpu.memory_space<hbm>>) dst(%arg9 : memref<80xi32, #tpu.memory_space<vmem>>)
        tpu.yield
      }) : () -> ()
      "tpu.region"() ({
        %run_scoped3A = tpu.sem_alloc : memref<!tpu.dma_semaphore, #tpu.memory_space<semaphore_mem>>
        %dma_start3A_153 = tpu.memref_slice %arg3[%add3A_138] : memref<320000xi32, #tpu.memory_space<hbm>> -> memref<80xi32, #tpu.memory_space<hbm>>
        %dma_start3A_154 = tpu.memref_slice %arg3[%add3A_138] : memref<320000xi32, #tpu.memory_space<hbm>> -> memref<80xi32, #tpu.memory_space<hbm>>
        tpu.enqueue_dma source(%dma_start3A_154 : memref<80xi32, #tpu.memory_space<hbm>>) target(%arg11 : memref<80xi32, #tpu.memory_space<vmem>>) target_semaphore(%run_scoped3A : memref<!tpu.dma_semaphore, #tpu.memory_space<semaphore_mem>>)
        %dma_wait3A_155 = tpu.memref_slice %arg3[%add3A_138] : memref<320000xi32, #tpu.memory_space<hbm>> -> memref<80xi32, #tpu.memory_space<hbm>>
        %dma_wait3A_156 = tpu.memref_slice %arg3[%add3A_138] : memref<320000xi32, #tpu.memory_space<hbm>> -> memref<80xi32, #tpu.memory_space<hbm>>
        tpu.wait_dma2 semaphore(%run_scoped3A : memref<!tpu.dma_semaphore, #tpu.memory_space<semaphore_mem>>) src(%dma_wait3A_156 : memref<80xi32, #tpu.memory_space<hbm>>) dst(%arg11 : memref<80xi32, #tpu.memory_space<vmem>>)
        tpu.yield
      }) : () -> ()
      %dma_start3A_139 = arith.constant 0 : i32
      %dma_start3A_140 = arith.constant 0 : i32
      %dma_start3A_141 = tpu.memref_slice %arg4[%dma_start3A_139, %dma_start3A_140] : memref<10000x128xf32, #tpu.memory_space<hbm>> -> memref<10000x128xf32, #tpu.memory_space<hbm>>
      tpu.enqueue_indirect_dma source(%dma_start3A_141 : memref<10000x128xf32, #tpu.memory_space<hbm>>) target(%arg13 : memref<80x128xf32, #tpu.memory_space<vmem>>) offsets(%arg9 : memref<80xi32, #tpu.memory_space<vmem>>) semaphore(%arg18 : memref<!tpu.dma_semaphore, #tpu.memory_space<semaphore_mem>>)
      %dma_start3A_142 = arith.constant 0 : i32
      %dma_start3A_143 = tpu.memref_slice %arg5[%add3A_138, %dma_start3A_142] : memref<320000x128xf32, #tpu.memory_space<hbm>> -> memref<80x128xf32, #tpu.memory_space<hbm>>
      %dma_start3A_144 = arith.constant 0 : i32
      %dma_start3A_145 = tpu.memref_slice %arg5[%add3A_138, %dma_start3A_144] : memref<320000x128xf32, #tpu.memory_space<hbm>> -> memref<80x128xf32, #tpu.memory_space<hbm>>
      tpu.enqueue_dma source(%dma_start3A_145 : memref<80x128xf32, #tpu.memory_space<hbm>>) target(%arg15 : memref<80x128xf32, #tpu.memory_space<vmem>>) target_semaphore(%arg18 : memref<!tpu.dma_semaphore, #tpu.memory_space<semaphore_mem>>)
      %add3A_146 = arith.constant 1 : i32
      %add3A_147 = arith.addi %mul3A_90, %add3A_146 : i32
      %dma_wait3A_148 = arith.constant 0 : i32
      %dma_wait3A_149 = arith.constant 0 : i32
      %dma_wait3A_150 = tpu.memref_slice %arg17[%dma_wait3A_148, %dma_wait3A_149] : memref<10240x128xf32, #tpu.memory_space<vmem_shared>> -> memref<10240x128xf32, #tpu.memory_space<vmem_shared>>
      tpu.wait_indirect_dma semaphore(%arg21 : memref<!tpu.dma_semaphore, #tpu.memory_space<semaphore_mem>>) src(%arg14 : memref<80x128xf32, #tpu.memory_space<vmem>>) dst(%dma_wait3A_150 : memref<10240x128xf32, #tpu.memory_space<vmem_shared>>)
      %lt3A = arith.constant 61 : i32
      %lt3A_151 = arith.cmpi slt, %scan3A_88, %lt3A : i32
      %convert_element_type3A = arith.extui %lt3A_151 : i1 to i32
      %cond3A = arith.constant 0 : i32
      %cond3A_152 = arith.cmpi ne, %convert_element_type3A, %cond3A : i32
      scf.if %cond3A_152 {
        %add3A_153 = arith.constant 3 : i32
        %add3A_154 = arith.addi %mul3A_90, %add3A_153 : i32
        %mul3A_155 = arith.constant 80 : i32
        %mul3A_156 = arith.muli %add3A_154, %mul3A_155 : i32
        %add3A_157 = arith.addi %mul3A_4, %mul3A_156 : i32
        "tpu.region"() ({
          %run_scoped3A = tpu.sem_alloc : memref<!tpu.dma_semaphore, #tpu.memory_space<semaphore_mem>>
          %dma_start3A_165 = tpu.memref_slice %arg2[%add3A_157] : memref<320000xi32, #tpu.memory_space<hbm>> -> memref<80xi32, #tpu.memory_space<hbm>>
          %dma_start3A_166 = tpu.memref_slice %arg2[%add3A_157] : memref<320000xi32, #tpu.memory_space<hbm>> -> memref<80xi32, #tpu.memory_space<hbm>>
          tpu.enqueue_dma source(%dma_start3A_166 : memref<80xi32, #tpu.memory_space<hbm>>) target(%arg10 : memref<80xi32, #tpu.memory_space<vmem>>) target_semaphore(%run_scoped3A : memref<!tpu.dma_semaphore, #tpu.memory_space<semaphore_mem>>)
          %dma_wait3A_167 = tpu.memref_slice %arg2[%add3A_157] : memref<320000xi32, #tpu.memory_space<hbm>> -> memref<80xi32, #tpu.memory_space<hbm>>
          %dma_wait3A_168 = tpu.memref_slice %arg2[%add3A_157] : memref<320000xi32, #tpu.memory_space<hbm>> -> memref<80xi32, #tpu.memory_space<hbm>>
          tpu.wait_dma2 semaphore(%run_scoped3A : memref<!tpu.dma_semaphore, #tpu.memory_space<semaphore_mem>>) src(%dma_wait3A_168 : memref<80xi32, #tpu.memory_space<hbm>>) dst(%arg10 : memref<80xi32, #tpu.memory_space<vmem>>)
          tpu.yield
        }) : () -> ()
        "tpu.region"() ({
          %run_scoped3A = tpu.sem_alloc : memref<!tpu.dma_semaphore, #tpu.memory_space<semaphore_mem>>
          %dma_start3A_165 = tpu.memref_slice %arg3[%add3A_157] : memref<320000xi32, #tpu.memory_space<hbm>> -> memref<80xi32, #tpu.memory_space<hbm>>
          %dma_start3A_166 = tpu.memref_slice %arg3[%add3A_157] : memref<320000xi32, #tpu.memory_space<hbm>> -> memref<80xi32, #tpu.memory_space<hbm>>
          tpu.enqueue_dma source(%dma_start3A_166 : memref<80xi32, #tpu.memory_space<hbm>>) target(%arg12 : memref<80xi32, #tpu.memory_space<vmem>>) target_semaphore(%run_scoped3A : memref<!tpu.dma_semaphore, #tpu.memory_space<semaphore_mem>>)
          %dma_wait3A_167 = tpu.memref_slice %arg3[%add3A_157] : memref<320000xi32, #tpu.memory_space<hbm>> -> memref<80xi32, #tpu.memory_space<hbm>>
          %dma_wait3A_168 = tpu.memref_slice %arg3[%add3A_157] : memref<320000xi32, #tpu.memory_space<hbm>> -> memref<80xi32, #tpu.memory_space<hbm>>
          tpu.wait_dma2 semaphore(%run_scoped3A : memref<!tpu.dma_semaphore, #tpu.memory_space<semaphore_mem>>) src(%dma_wait3A_168 : memref<80xi32, #tpu.memory_space<hbm>>) dst(%arg12 : memref<80xi32, #tpu.memory_space<vmem>>)
          tpu.yield
        }) : () -> ()
        %dma_start3A_158 = arith.constant 0 : i32
        %dma_start3A_159 = arith.constant 0 : i32
        %dma_start3A_160 = tpu.memref_slice %arg4[%dma_start3A_158, %dma_start3A_159] : memref<10000x128xf32, #tpu.memory_space<hbm>> -> memref<10000x128xf32, #tpu.memory_space<hbm>>
        tpu.enqueue_indirect_dma source(%dma_start3A_160 : memref<10000x128xf32, #tpu.memory_space<hbm>>) target(%arg14 : memref<80x128xf32, #tpu.memory_space<vmem>>) offsets(%arg10 : memref<80xi32, #tpu.memory_space<vmem>>) semaphore(%arg19 : memref<!tpu.dma_semaphore, #tpu.memory_space<semaphore_mem>>)
        %dma_start3A_161 = arith.constant 0 : i32
        %dma_start3A_162 = tpu.memref_slice %arg5[%add3A_157, %dma_start3A_161] : memref<320000x128xf32, #tpu.memory_space<hbm>> -> memref<80x128xf32, #tpu.memory_space<hbm>>
        %dma_start3A_163 = arith.constant 0 : i32
        %dma_start3A_164 = tpu.memref_slice %arg5[%add3A_157, %dma_start3A_163] : memref<320000x128xf32, #tpu.memory_space<hbm>> -> memref<80x128xf32, #tpu.memory_space<hbm>>
        tpu.enqueue_dma source(%dma_start3A_164 : memref<80x128xf32, #tpu.memory_space<hbm>>) target(%arg16 : memref<80x128xf32, #tpu.memory_space<vmem>>) target_semaphore(%arg19 : memref<!tpu.dma_semaphore, #tpu.memory_space<semaphore_mem>>)
      } else {
      }
    }
    %scan3A_26 = arith.constant 62 : i32
    %add3A_27 = arith.constant 9920 : i32
    %add3A_28 = arith.addi %mul3A_4, %add3A_27 : i32
    %dma_wait3A = arith.constant 0 : i32
    %dma_wait3A_29 = arith.constant 0 : i32
    %dma_wait3A_30 = tpu.memref_slice %arg4[%dma_wait3A, %dma_wait3A_29] : memref<10000x128xf32, #tpu.memory_space<hbm>> -> memref<10000x128xf32, #tpu.memory_space<hbm>>
    tpu.wait_indirect_dma semaphore(%arg18 : memref<!tpu.dma_semaphore, #tpu.memory_space<semaphore_mem>>) src(%dma_wait3A_30 : memref<10000x128xf32, #tpu.memory_space<hbm>>) dst(%arg13 : memref<80x128xf32, #tpu.memory_space<vmem>>)
    %dma_wait3A_31 = arith.constant 0 : i32
    %dma_wait3A_32 = tpu.memref_slice %arg5[%add3A_28, %dma_wait3A_31] : memref<320000x128xf32, #tpu.memory_space<hbm>> -> memref<80x128xf32, #tpu.memory_space<hbm>>
    %dma_wait3A_33 = arith.constant 0 : i32
    %dma_wait3A_34 = tpu.memref_slice %arg5[%add3A_28, %dma_wait3A_33] : memref<320000x128xf32, #tpu.memory_space<hbm>> -> memref<80x128xf32, #tpu.memory_space<hbm>>
    tpu.wait_dma2 semaphore(%arg18 : memref<!tpu.dma_semaphore, #tpu.memory_space<semaphore_mem>>) src(%dma_wait3A_34 : memref<80x128xf32, #tpu.memory_space<hbm>>) dst(%arg15 : memref<80x128xf32, #tpu.memory_space<vmem>>)
    %scan3A_35 = arith.constant 0 : i32
    %scan3A_36 = arith.constant 0 : i32
    %scan3A_37 = arith.constant 80 : i32
    %scan3A_38 = arith.addi %scan3A_36, %scan3A_37 : i32
    %scan3A_39 = arith.constant 1 : i32
    scf.for %scan3A_88 = %scan3A_36 to %scan3A_38 step %scan3A_39  : i32 {
      %get3A = arith.index_cast %scan3A_88 : i32 to index
      %get3A_89 = arith.constant 0 : index
      %get3A_90 = tpu.vector_load %arg13[%get3A, %get3A_89] {strides = array<i32>} : memref<80x128xf32, #tpu.memory_space<vmem>>, vector<1x16xf32>,
      %get3A_91 = vector.shape_cast %get3A_90 : vector<1x16xf32> to vector<16xf32>
      %get3A_92 = arith.index_cast %scan3A_88 : i32 to index
      %get3A_93 = arith.constant 0 : index
      %get3A_94 = tpu.vector_load %arg15[%get3A_92, %get3A_93] {strides = array<i32>} : memref<80x128xf32, #tpu.memory_space<vmem>>, vector<1x16xf32>,
      %get3A_95 = vector.shape_cast %get3A_94 : vector<1x16xf32> to vector<16xf32>
      %mul3A_96 = arith.mulf %get3A_91, %get3A_95 : vector<16xf32>
      %swap3A = arith.index_cast %scan3A_88 : i32 to index
      %swap3A_97 = arith.constant 0 : index
      %swap3A_98 = tpu.vector_load %arg13[%swap3A, %swap3A_97] {strides = array<i32>} : memref<80x128xf32, #tpu.memory_space<vmem>>, vector<1x16xf32>,
      %swap3A_99 = vector.shape_cast %swap3A_98 : vector<1x16xf32> to vector<16xf32>
      %swap3A_100 = vector.shape_cast %mul3A_96 : vector<16xf32> to vector<1x16xf32>
      tpu.vector_store %arg13[%swap3A, %swap3A_97], %swap3A_100 {strides = array<i32>} : memref<80x128xf32, #tpu.memory_space<vmem>>, vector<1x16xf32>,
      %get3A_101 = arith.index_cast %scan3A_88 : i32 to index
      %get3A_102 = arith.constant 16 : index
      %get3A_103 = tpu.vector_load %arg13[%get3A_101, %get3A_102] {strides = array<i32>} : memref<80x128xf32, #tpu.memory_space<vmem>>, vector<1x16xf32>,
      %get3A_104 = vector.shape_cast %get3A_103 : vector<1x16xf32> to vector<16xf32>
      %get3A_105 = arith.index_cast %scan3A_88 : i32 to index
      %get3A_106 = arith.constant 16 : index
      %get3A_107 = tpu.vector_load %arg15[%get3A_105, %get3A_106] {strides = array<i32>} : memref<80x128xf32, #tpu.memory_space<vmem>>, vector<1x16xf32>,
      %get3A_108 = vector.shape_cast %get3A_107 : vector<1x16xf32> to vector<16xf32>
      %mul3A_109 = arith.mulf %get3A_104, %get3A_108 : vector<16xf32>
      %swap3A_110 = arith.index_cast %scan3A_88 : i32 to index
      %swap3A_111 = arith.constant 16 : index
      %swap3A_112 = tpu.vector_load %arg13[%swap3A_110, %swap3A_111] {strides = array<i32>} : memref<80x128xf32, #tpu.memory_space<vmem>>, vector<1x16xf32>,
      %swap3A_113 = vector.shape_cast %swap3A_112 : vector<1x16xf32> to vector<16xf32>
      %swap3A_114 = vector.shape_cast %mul3A_109 : vector<16xf32> to vector<1x16xf32>
      tpu.vector_store %arg13[%swap3A_110, %swap3A_111], %swap3A_114 {strides = array<i32>} : memref<80x128xf32, #tpu.memory_space<vmem>>, vector<1x16xf32>,
      %get3A_115 = arith.index_cast %scan3A_88 : i32 to index
      %get3A_116 = arith.constant 32 : index
      %get3A_117 = tpu.vector_load %arg13[%get3A_115, %get3A_116] {strides = array<i32>} : memref<80x128xf32, #tpu.memory_space<vmem>>, vector<1x16xf32>,
      %get3A_118 = vector.shape_cast %get3A_117 : vector<1x16xf32> to vector<16xf32>
      %get3A_119 = arith.index_cast %scan3A_88 : i32 to index
      %get3A_120 = arith.constant 32 : index
      %get3A_121 = tpu.vector_load %arg15[%get3A_119, %get3A_120] {strides = array<i32>} : memref<80x128xf32, #tpu.memory_space<vmem>>, vector<1x16xf32>,
      %get3A_122 = vector.shape_cast %get3A_121 : vector<1x16xf32> to vector<16xf32>
      %mul3A_123 = arith.mulf %get3A_118, %get3A_122 : vector<16xf32>
      %swap3A_124 = arith.index_cast %scan3A_88 : i32 to index
      %swap3A_125 = arith.constant 32 : index
      %swap3A_126 = tpu.vector_load %arg13[%swap3A_124, %swap3A_125] {strides = array<i32>} : memref<80x128xf32, #tpu.memory_space<vmem>>, vector<1x16xf32>,
      %swap3A_127 = vector.shape_cast %swap3A_126 : vector<1x16xf32> to vector<16xf32>
      %swap3A_128 = vector.shape_cast %mul3A_123 : vector<16xf32> to vector<1x16xf32>
      tpu.vector_store %arg13[%swap3A_124, %swap3A_125], %swap3A_128 {strides = array<i32>} : memref<80x128xf32, #tpu.memory_space<vmem>>, vector<1x16xf32>,
      %get3A_129 = arith.index_cast %scan3A_88 : i32 to index
      %get3A_130 = arith.constant 48 : index
      %get3A_131 = tpu.vector_load %arg13[%get3A_129, %get3A_130] {strides = array<i32>} : memref<80x128xf32, #tpu.memory_space<vmem>>, vector<1x16xf32>,
      %get3A_132 = vector.shape_cast %get3A_131 : vector<1x16xf32> to vector<16xf32>
      %get3A_133 = arith.index_cast %scan3A_88 : i32 to index
      %get3A_134 = arith.constant 48 : index
      %get3A_135 = tpu.vector_load %arg15[%get3A_133, %get3A_134] {strides = array<i32>} : memref<80x128xf32, #tpu.memory_space<vmem>>, vector<1x16xf32>,
      %get3A_136 = vector.shape_cast %get3A_135 : vector<1x16xf32> to vector<16xf32>
      %mul3A_137 = arith.mulf %get3A_132, %get3A_136 : vector<16xf32>
      %swap3A_138 = arith.index_cast %scan3A_88 : i32 to index
      %swap3A_139 = arith.constant 48 : index
      %swap3A_140 = tpu.vector_load %arg13[%swap3A_138, %swap3A_139] {strides = array<i32>} : memref<80x128xf32, #tpu.memory_space<vmem>>, vector<1x16xf32>,
      %swap3A_141 = vector.shape_cast %swap3A_140 : vector<1x16xf32> to vector<16xf32>
      %swap3A_142 = vector.shape_cast %mul3A_137 : vector<16xf32> to vector<1x16xf32>
      tpu.vector_store %arg13[%swap3A_138, %swap3A_139], %swap3A_142 {strides = array<i32>} : memref<80x128xf32, #tpu.memory_space<vmem>>, vector<1x16xf32>,
      %get3A_143 = arith.index_cast %scan3A_88 : i32 to index
      %get3A_144 = arith.constant 64 : index
      %get3A_145 = tpu.vector_load %arg13[%get3A_143, %get3A_144] {strides = array<i32>} : memref<80x128xf32, #tpu.memory_space<vmem>>, vector<1x16xf32>,
      %get3A_146 = vector.shape_cast %get3A_145 : vector<1x16xf32> to vector<16xf32>
      %get3A_147 = arith.index_cast %scan3A_88 : i32 to index
      %get3A_148 = arith.constant 64 : index
      %get3A_149 = tpu.vector_load %arg15[%get3A_147, %get3A_148] {strides = array<i32>} : memref<80x128xf32, #tpu.memory_space<vmem>>, vector<1x16xf32>,
      %get3A_150 = vector.shape_cast %get3A_149 : vector<1x16xf32> to vector<16xf32>
      %mul3A_151 = arith.mulf %get3A_146, %get3A_150 : vector<16xf32>
      %swap3A_152 = arith.index_cast %scan3A_88 : i32 to index
      %swap3A_153 = arith.constant 64 : index
      %swap3A_154 = tpu.vector_load %arg13[%swap3A_152, %swap3A_153] {strides = array<i32>} : memref<80x128xf32, #tpu.memory_space<vmem>>, vector<1x16xf32>,
      %swap3A_155 = vector.shape_cast %swap3A_154 : vector<1x16xf32> to vector<16xf32>
      %swap3A_156 = vector.shape_cast %mul3A_151 : vector<16xf32> to vector<1x16xf32>
      tpu.vector_store %arg13[%swap3A_152, %swap3A_153], %swap3A_156 {strides = array<i32>} : memref<80x128xf32, #tpu.memory_space<vmem>>, vector<1x16xf32>,
      %get3A_157 = arith.index_cast %scan3A_88 : i32 to index
      %get3A_158 = arith.constant 80 : index
      %get3A_159 = tpu.vector_load %arg13[%get3A_157, %get3A_158] {strides = array<i32>} : memref<80x128xf32, #tpu.memory_space<vmem>>, vector<1x16xf32>,
      %get3A_160 = vector.shape_cast %get3A_159 : vector<1x16xf32> to vector<16xf32>
      %get3A_161 = arith.index_cast %scan3A_88 : i32 to index
      %get3A_162 = arith.constant 80 : index
      %get3A_163 = tpu.vector_load %arg15[%get3A_161, %get3A_162] {strides = array<i32>} : memref<80x128xf32, #tpu.memory_space<vmem>>, vector<1x16xf32>,
      %get3A_164 = vector.shape_cast %get3A_163 : vector<1x16xf32> to vector<16xf32>
      %mul3A_165 = arith.mulf %get3A_160, %get3A_164 : vector<16xf32>
      %swap3A_166 = arith.index_cast %scan3A_88 : i32 to index
      %swap3A_167 = arith.constant 80 : index
      %swap3A_168 = tpu.vector_load %arg13[%swap3A_166, %swap3A_167] {strides = array<i32>} : memref<80x128xf32, #tpu.memory_space<vmem>>, vector<1x16xf32>,
      %swap3A_169 = vector.shape_cast %swap3A_168 : vector<1x16xf32> to vector<16xf32>
      %swap3A_170 = vector.shape_cast %mul3A_165 : vector<16xf32> to vector<1x16xf32>
      tpu.vector_store %arg13[%swap3A_166, %swap3A_167], %swap3A_170 {strides = array<i32>} : memref<80x128xf32, #tpu.memory_space<vmem>>, vector<1x16xf32>,
      %get3A_171 = arith.index_cast %scan3A_88 : i32 to index
      %get3A_172 = arith.constant 96 : index
      %get3A_173 = tpu.vector_load %arg13[%get3A_171, %get3A_172] {strides = array<i32>} : memref<80x128xf32, #tpu.memory_space<vmem>>, vector<1x16xf32>,
      %get3A_174 = vector.shape_cast %get3A_173 : vector<1x16xf32> to vector<16xf32>
      %get3A_175 = arith.index_cast %scan3A_88 : i32 to index
      %get3A_176 = arith.constant 96 : index
      %get3A_177 = tpu.vector_load %arg15[%get3A_175, %get3A_176] {strides = array<i32>} : memref<80x128xf32, #tpu.memory_space<vmem>>, vector<1x16xf32>,
      %get3A_178 = vector.shape_cast %get3A_177 : vector<1x16xf32> to vector<16xf32>
      %mul3A_179 = arith.mulf %get3A_174, %get3A_178 : vector<16xf32>
      %swap3A_180 = arith.index_cast %scan3A_88 : i32 to index
      %swap3A_181 = arith.constant 96 : index
      %swap3A_182 = tpu.vector_load %arg13[%swap3A_180, %swap3A_181] {strides = array<i32>} : memref<80x128xf32, #tpu.memory_space<vmem>>, vector<1x16xf32>,
      %swap3A_183 = vector.shape_cast %swap3A_182 : vector<1x16xf32> to vector<16xf32>
      %swap3A_184 = vector.shape_cast %mul3A_179 : vector<16xf32> to vector<1x16xf32>
      tpu.vector_store %arg13[%swap3A_180, %swap3A_181], %swap3A_184 {strides = array<i32>} : memref<80x128xf32, #tpu.memory_space<vmem>>, vector<1x16xf32>,
      %get3A_185 = arith.index_cast %scan3A_88 : i32 to index
      %get3A_186 = arith.constant 112 : index
      %get3A_187 = tpu.vector_load %arg13[%get3A_185, %get3A_186] {strides = array<i32>} : memref<80x128xf32, #tpu.memory_space<vmem>>, vector<1x16xf32>,
      %get3A_188 = vector.shape_cast %get3A_187 : vector<1x16xf32> to vector<16xf32>
      %get3A_189 = arith.index_cast %scan3A_88 : i32 to index
      %get3A_190 = arith.constant 112 : index
      %get3A_191 = tpu.vector_load %arg15[%get3A_189, %get3A_190] {strides = array<i32>} : memref<80x128xf32, #tpu.memory_space<vmem>>, vector<1x16xf32>,
      %get3A_192 = vector.shape_cast %get3A_191 : vector<1x16xf32> to vector<16xf32>
      %mul3A_193 = arith.mulf %get3A_188, %get3A_192 : vector<16xf32>
      %swap3A_194 = arith.index_cast %scan3A_88 : i32 to index
      %swap3A_195 = arith.constant 112 : index
      %swap3A_196 = tpu.vector_load %arg13[%swap3A_194, %swap3A_195] {strides = array<i32>} : memref<80x128xf32, #tpu.memory_space<vmem>>, vector<1x16xf32>,
      %swap3A_197 = vector.shape_cast %swap3A_196 : vector<1x16xf32> to vector<16xf32>
      %swap3A_198 = vector.shape_cast %mul3A_193 : vector<16xf32> to vector<1x16xf32>
      tpu.vector_store %arg13[%swap3A_194, %swap3A_195], %swap3A_198 {strides = array<i32>} : memref<80x128xf32, #tpu.memory_space<vmem>>, vector<1x16xf32>,
    }
    %scan3A_40 = arith.constant 80 : i32
    %dma_start3A_41 = arith.constant 0 : i32
    %dma_start3A_42 = arith.constant 0 : i32
    %dma_start3A_43 = tpu.memref_slice %arg17[%dma_start3A_41, %dma_start3A_42] : memref<10240x128xf32, #tpu.memory_space<vmem_shared>> -> memref<10240x128xf32, #tpu.memory_space<vmem_shared>>
    tpu.enqueue_indirect_dma source(%arg13 : memref<80x128xf32, #tpu.memory_space<vmem>>) target(%dma_start3A_43 : memref<10240x128xf32, #tpu.memory_space<vmem_shared>>) offsets(%arg11 : memref<80xi32, #tpu.memory_space<vmem>>) semaphore(%arg20 : memref<!tpu.dma_semaphore, #tpu.memory_space<semaphore_mem>>) {add = true}
    %dma_wait3A_44 = arith.constant 0 : i32
    %dma_wait3A_45 = arith.constant 0 : i32
    %dma_wait3A_46 = tpu.memref_slice %arg17[%dma_wait3A_44, %dma_wait3A_45] : memref<10240x128xf32, #tpu.memory_space<vmem_shared>> -> memref<10240x128xf32, #tpu.memory_space<vmem_shared>>
    tpu.wait_indirect_dma semaphore(%arg20 : memref<!tpu.dma_semaphore, #tpu.memory_space<semaphore_mem>>) src(%arg13 : memref<80x128xf32, #tpu.memory_space<vmem>>) dst(%dma_wait3A_46 : memref<10240x128xf32, #tpu.memory_space<vmem_shared>>)
    %barrier3A_47 = arith.constant 0 : index
    tpu.barrier barrier_id(%barrier3A_47)
    "tpu.region"() ({
      %run_scoped3A = tpu.sem_alloc : memref<!tpu.dma_semaphore, #tpu.memory_space<semaphore_mem>>
      %dma_start3A_88 = arith.constant 0 : i32
      %dma_start3A_89 = tpu.memref_slice %arg7[%arg0, %mul3A_2, %dma_start3A_88] : memref<2x10240x128xf32, #tpu.memory_space<hbm>> -> memref<1x640x128xf32, #tpu.memory_space<hbm>>
      %dma_start3A_90 = tpu.memref_squeeze %dma_start3A_89 : memref<1x640x128xf32, #tpu.memory_space<hbm>> -> memref<640x128xf32, #tpu.memory_space<hbm>>
      %dma_start3A_91 = arith.constant 0 : i32
      %dma_start3A_92 = tpu.memref_slice %arg17[%mul3A_2, %dma_start3A_91] : memref<10240x128xf32, #tpu.memory_space<vmem_shared>> -> memref<640x128xf32, #tpu.memory_space<vmem_shared>>
      tpu.enqueue_dma source(%dma_start3A_92 : memref<640x128xf32, #tpu.memory_space<vmem_shared>>) target(%dma_start3A_90 : memref<640x128xf32, #tpu.memory_space<hbm>>) target_semaphore(%run_scoped3A : memref<!tpu.dma_semaphore, #tpu.memory_space<semaphore_mem>>)
      %dma_wait3A_93 = arith.constant 0 : i32
      %dma_wait3A_94 = tpu.memref_slice %arg7[%arg0, %mul3A_2, %dma_wait3A_93] : memref<2x10240x128xf32, #tpu.memory_space<hbm>> -> memref<1x640x128xf32, #tpu.memory_space<hbm>>
      %dma_wait3A_95 = tpu.memref_squeeze %dma_wait3A_94 : memref<1x640x128xf32, #tpu.memory_space<hbm>> -> memref<640x128xf32, #tpu.memory_space<hbm>>
      %dma_wait3A_96 = arith.constant 0 : i32
      %dma_wait3A_97 = tpu.memref_slice %arg17[%mul3A_2, %dma_wait3A_96] : memref<10240x128xf32, #tpu.memory_space<vmem_shared>> -> memref<640x128xf32, #tpu.memory_space<vmem_shared>>
      tpu.wait_dma2 semaphore(%run_scoped3A : memref<!tpu.dma_semaphore, #tpu.memory_space<semaphore_mem>>) src(%dma_wait3A_97 : memref<640x128xf32, #tpu.memory_space<vmem_shared>>) dst(%dma_wait3A_95 : memref<640x128xf32, #tpu.memory_space<hbm>>)
      tpu.yield
    }) : () -> ()
    %barrier3A_48 = arith.constant 0 : index
    tpu.barrier barrier_id(%barrier3A_48)
    "tpu.region"() ({
      %run_scoped3A = tpu.sem_alloc : memref<!tpu.dma_semaphore, #tpu.memory_space<semaphore_mem>>
      %dma_start3A_88 = arith.constant 0 : i32
      %dma_start3A_89 = tpu.memref_slice %arg17[%mul3A_2, %dma_start3A_88] : memref<10240x128xf32, #tpu.memory_space<vmem_shared>> -> memref<640x128xf32, #tpu.memory_space<vmem_shared>>
      %dma_start3A_90 = arith.constant 0 : i32
      %dma_start3A_91 = tpu.memref_slice %arg6[%mul3A_2, %dma_start3A_90] : memref<10240x128xf32, #tpu.memory_space<hbm>> -> memref<640x128xf32, #tpu.memory_space<hbm>>
      tpu.enqueue_dma source(%dma_start3A_91 : memref<640x128xf32, #tpu.memory_space<hbm>>) target(%dma_start3A_89 : memref<640x128xf32, #tpu.memory_space<vmem_shared>>) target_semaphore(%run_scoped3A : memref<!tpu.dma_semaphore, #tpu.memory_space<semaphore_mem>>)
      %dma_wait3A_92 = arith.constant 0 : i32
      %dma_wait3A_93 = tpu.memref_slice %arg17[%mul3A_2, %dma_wait3A_92] : memref<10240x128xf32, #tpu.memory_space<vmem_shared>> -> memref<640x128xf32, #tpu.memory_space<vmem_shared>>
      %dma_wait3A_94 = arith.constant 0 : i32
      %dma_wait3A_95 = tpu.memref_slice %arg6[%mul3A_2, %dma_wait3A_94] : memref<10240x128xf32, #tpu.memory_space<hbm>> -> memref<640x128xf32, #tpu.memory_space<hbm>>
      tpu.wait_dma2 semaphore(%run_scoped3A : memref<!tpu.dma_semaphore, #tpu.memory_space<semaphore_mem>>) src(%dma_wait3A_95 : memref<640x128xf32, #tpu.memory_space<hbm>>) dst(%dma_wait3A_93 : memref<640x128xf32, #tpu.memory_space<vmem_shared>>)
      tpu.yield
    }) : () -> ()
    %barrier3A_49 = arith.constant 0 : index
    tpu.barrier barrier_id(%barrier3A_49)
    %add3A_50 = arith.constant 0 : i32
    %add3A_51 = arith.addi %mul3A_4, %add3A_50 : i32
    %dma_start3A_52 = tpu.memref_slice %arg3[%add3A_51] : memref<320000xi32, #tpu.memory_space<hbm>> -> memref<80xi32, #tpu.memory_space<hbm>>
    %dma_start3A_53 = tpu.memref_slice %arg3[%add3A_51] : memref<320000xi32, #tpu.memory_space<hbm>> -> memref<80xi32, #tpu.memory_space<hbm>>
    tpu.enqueue_dma source(%dma_start3A_53 : memref<80xi32, #tpu.memory_space<hbm>>) target(%arg11 : memref<80xi32, #tpu.memory_space<vmem>>) target_semaphore(%arg18 : memref<!tpu.dma_semaphore, #tpu.memory_space<semaphore_mem>>)
    %dma_start3A_54 = arith.constant 0 : i32
    %dma_start3A_55 = tpu.memref_slice %arg5[%add3A_51, %dma_start3A_54] : memref<320000x128xf32, #tpu.memory_space<hbm>> -> memref<80x128xf32, #tpu.memory_space<hbm>>
    %dma_start3A_56 = arith.constant 0 : i32
    %dma_start3A_57 = tpu.memref_slice %arg5[%add3A_51, %dma_start3A_56] : memref<320000x128xf32, #tpu.memory_space<hbm>> -> memref<80x128xf32, #tpu.memory_space<hbm>>
    tpu.enqueue_dma source(%dma_start3A_57 : memref<80x128xf32, #tpu.memory_space<hbm>>) target(%arg15 : memref<80x128xf32, #tpu.memory_space<vmem>>) target_semaphore(%arg18 : memref<!tpu.dma_semaphore, #tpu.memory_space<semaphore_mem>>)
    %add3A_58 = arith.constant 80 : i32
    %add3A_59 = arith.addi %mul3A_4, %add3A_58 : i32
    %dma_start3A_60 = tpu.memref_slice %arg3[%add3A_59] : memref<320000xi32, #tpu.memory_space<hbm>> -> memref<80xi32, #tpu.memory_space<hbm>>
    %dma_start3A_61 = tpu.memref_slice %arg3[%add3A_59] : memref<320000xi32, #tpu.memory_space<hbm>> -> memref<80xi32, #tpu.memory_space<hbm>>
    tpu.enqueue_dma source(%dma_start3A_61 : memref<80xi32, #tpu.memory_space<hbm>>) target(%arg12 : memref<80xi32, #tpu.memory_space<vmem>>) target_semaphore(%arg19 : memref<!tpu.dma_semaphore, #tpu.memory_space<semaphore_mem>>)
    %dma_start3A_62 = arith.constant 0 : i32
    %dma_start3A_63 = tpu.memref_slice %arg5[%add3A_59, %dma_start3A_62] : memref<320000x128xf32, #tpu.memory_space<hbm>> -> memref<80x128xf32, #tpu.memory_space<hbm>>
    %dma_start3A_64 = arith.constant 0 : i32
    %dma_start3A_65 = tpu.memref_slice %arg5[%add3A_59, %dma_start3A_64] : memref<320000x128xf32, #tpu.memory_space<hbm>> -> memref<80x128xf32, #tpu.memory_space<hbm>>
    tpu.enqueue_dma source(%dma_start3A_65 : memref<80x128xf32, #tpu.memory_space<hbm>>) target(%arg16 : memref<80x128xf32, #tpu.memory_space<vmem>>) target_semaphore(%arg19 : memref<!tpu.dma_semaphore, #tpu.memory_space<semaphore_mem>>)
    %scan3A_66 = arith.constant 0 : i32
    %scan3A_67 = arith.constant 0 : i32
    %scan3A_68 = arith.constant 62 : i32
    %scan3A_69 = arith.addi %scan3A_67, %scan3A_68 : i32
    %scan3A_70 = arith.constant 1 : i32
    scf.for %scan3A_88 = %scan3A_67 to %scan3A_69 step %scan3A_70  : i32 {
      %mul3A_89 = arith.constant 2 : i32
      %mul3A_90 = arith.muli %mul3A_89, %scan3A_88 : i32
      %mul3A_91 = arith.constant 80 : i32
      %mul3A_92 = arith.muli %mul3A_90, %mul3A_91 : i32
      %add3A_93 = arith.addi %mul3A_4, %mul3A_92 : i32
      %dma_wait3A_94 = tpu.memref_slice %arg3[%add3A_93] : memref<320000xi32, #tpu.memory_space<hbm>> -> memref<80xi32, #tpu.memory_space<hbm>>
      %dma_wait3A_95 = tpu.memref_slice %arg3[%add3A_93] : memref<320000xi32, #tpu.memory_space<hbm>> -> memref<80xi32, #tpu.memory_space<hbm>>
      tpu.wait_dma2 semaphore(%arg18 : memref<!tpu.dma_semaphore, #tpu.memory_space<semaphore_mem>>) src(%dma_wait3A_95 : memref<80xi32, #tpu.memory_space<hbm>>) dst(%arg11 : memref<80xi32, #tpu.memory_space<vmem>>)
      %dma_wait3A_96 = arith.constant 0 : i32
      %dma_wait3A_97 = tpu.memref_slice %arg5[%add3A_93, %dma_wait3A_96] : memref<320000x128xf32, #tpu.memory_space<hbm>> -> memref<80x128xf32, #tpu.memory_space<hbm>>
      %dma_wait3A_98 = arith.constant 0 : i32
      %dma_wait3A_99 = tpu.memref_slice %arg5[%add3A_93, %dma_wait3A_98] : memref<320000x128xf32, #tpu.memory_space<hbm>> -> memref<80x128xf32, #tpu.memory_space<hbm>>
      tpu.wait_dma2 semaphore(%arg18 : memref<!tpu.dma_semaphore, #tpu.memory_space<semaphore_mem>>) src(%dma_wait3A_99 : memref<80x128xf32, #tpu.memory_space<hbm>>) dst(%arg15 : memref<80x128xf32, #tpu.memory_space<vmem>>)
      %dma_start3A_100 = arith.constant 0 : i32
      %dma_start3A_101 = arith.constant 0 : i32
      %dma_start3A_102 = tpu.memref_slice %arg17[%dma_start3A_100, %dma_start3A_101] : memref<10240x128xf32, #tpu.memory_space<vmem_shared>> -> memref<10240x128xf32, #tpu.memory_space<vmem_shared>>
      tpu.enqueue_indirect_dma source(%arg15 : memref<80x128xf32, #tpu.memory_space<vmem>>) target(%dma_start3A_102 : memref<10240x128xf32, #tpu.memory_space<vmem_shared>>) offsets(%arg11 : memref<80xi32, #tpu.memory_space<vmem>>) semaphore(%arg20 : memref<!tpu.dma_semaphore, #tpu.memory_space<semaphore_mem>>) {add = true}
      %add3A_103 = arith.constant 1 : i32
      %add3A_104 = arith.addi %mul3A_90, %add3A_103 : i32
      %mul3A_105 = arith.constant 80 : i32
      %mul3A_106 = arith.muli %add3A_104, %mul3A_105 : i32
      %add3A_107 = arith.addi %mul3A_4, %mul3A_106 : i32
      %dma_wait3A_108 = tpu.memref_slice %arg3[%add3A_107] : memref<320000xi32, #tpu.memory_space<hbm>> -> memref<80xi32, #tpu.memory_space<hbm>>
      %dma_wait3A_109 = tpu.memref_slice %arg3[%add3A_107] : memref<320000xi32, #tpu.memory_space<hbm>> -> memref<80xi32, #tpu.memory_space<hbm>>
      tpu.wait_dma2 semaphore(%arg19 : memref<!tpu.dma_semaphore, #tpu.memory_space<semaphore_mem>>) src(%dma_wait3A_109 : memref<80xi32, #tpu.memory_space<hbm>>) dst(%arg12 : memref<80xi32, #tpu.memory_space<vmem>>)
      %dma_wait3A_110 = arith.constant 0 : i32
      %dma_wait3A_111 = tpu.memref_slice %arg5[%add3A_107, %dma_wait3A_110] : memref<320000x128xf32, #tpu.memory_space<hbm>> -> memref<80x128xf32, #tpu.memory_space<hbm>>
      %dma_wait3A_112 = arith.constant 0 : i32
      %dma_wait3A_113 = tpu.memref_slice %arg5[%add3A_107, %dma_wait3A_112] : memref<320000x128xf32, #tpu.memory_space<hbm>> -> memref<80x128xf32, #tpu.memory_space<hbm>>
      tpu.wait_dma2 semaphore(%arg19 : memref<!tpu.dma_semaphore, #tpu.memory_space<semaphore_mem>>) src(%dma_wait3A_113 : memref<80x128xf32, #tpu.memory_space<hbm>>) dst(%arg16 : memref<80x128xf32, #tpu.memory_space<vmem>>)
      %dma_start3A_114 = arith.constant 0 : i32
      %dma_start3A_115 = arith.constant 0 : i32
      %dma_start3A_116 = tpu.memref_slice %arg17[%dma_start3A_114, %dma_start3A_115] : memref<10240x128xf32, #tpu.memory_space<vmem_shared>> -> memref<10240x128xf32, #tpu.memory_space<vmem_shared>>
      tpu.enqueue_indirect_dma source(%arg16 : memref<80x128xf32, #tpu.memory_space<vmem>>) target(%dma_start3A_116 : memref<10240x128xf32, #tpu.memory_space<vmem_shared>>) offsets(%arg12 : memref<80xi32, #tpu.memory_space<vmem>>) semaphore(%arg21 : memref<!tpu.dma_semaphore, #tpu.memory_space<semaphore_mem>>) {add = true}
      %dma_wait3A_117 = arith.constant 0 : i32
      %dma_wait3A_118 = arith.constant 0 : i32
      %dma_wait3A_119 = tpu.memref_slice %arg17[%dma_wait3A_117, %dma_wait3A_118] : memref<10240x128xf32, #tpu.memory_space<vmem_shared>> -> memref<10240x128xf32, #tpu.memory_space<vmem_shared>>
      tpu.wait_indirect_dma semaphore(%arg20 : memref<!tpu.dma_semaphore, #tpu.memory_space<semaphore_mem>>) src(%arg15 : memref<80x128xf32, #tpu.memory_space<vmem>>) dst(%dma_wait3A_119 : memref<10240x128xf32, #tpu.memory_space<vmem_shared>>)
      %add3A_120 = arith.constant 2 : i32
      %add3A_121 = arith.addi %mul3A_90, %add3A_120 : i32
      %mul3A_122 = arith.constant 80 : i32
      %mul3A_123 = arith.muli %add3A_121, %mul3A_122 : i32
      %add3A_124 = arith.addi %mul3A_4, %mul3A_123 : i32
      %dma_start3A_125 = tpu.memref_slice %arg3[%add3A_124] : memref<320000xi32, #tpu.memory_space<hbm>> -> memref<80xi32, #tpu.memory_space<hbm>>
      %dma_start3A_126 = tpu.memref_slice %arg3[%add3A_124] : memref<320000xi32, #tpu.memory_space<hbm>> -> memref<80xi32, #tpu.memory_space<hbm>>
      tpu.enqueue_dma source(%dma_start3A_126 : memref<80xi32, #tpu.memory_space<hbm>>) target(%arg11 : memref<80xi32, #tpu.memory_space<vmem>>) target_semaphore(%arg18 : memref<!tpu.dma_semaphore, #tpu.memory_space<semaphore_mem>>)
      %dma_start3A_127 = arith.constant 0 : i32
      %dma_start3A_128 = tpu.memref_slice %arg5[%add3A_124, %dma_start3A_127] : memref<320000x128xf32, #tpu.memory_space<hbm>> -> memref<80x128xf32, #tpu.memory_space<hbm>>
      %dma_start3A_129 = arith.constant 0 : i32
      %dma_start3A_130 = tpu.memref_slice %arg5[%add3A_124, %dma_start3A_129] : memref<320000x128xf32, #tpu.memory_space<hbm>> -> memref<80x128xf32, #tpu.memory_space<hbm>>
      tpu.enqueue_dma source(%dma_start3A_130 : memref<80x128xf32, #tpu.memory_space<hbm>>) target(%arg15 : memref<80x128xf32, #tpu.memory_space<vmem>>) target_semaphore(%arg18 : memref<!tpu.dma_semaphore, #tpu.memory_space<semaphore_mem>>)
      %add3A_131 = arith.constant 1 : i32
      %add3A_132 = arith.addi %mul3A_90, %add3A_131 : i32
      %dma_wait3A_133 = arith.constant 0 : i32
      %dma_wait3A_134 = arith.constant 0 : i32
      %dma_wait3A_135 = tpu.memref_slice %arg17[%dma_wait3A_133, %dma_wait3A_134] : memref<10240x128xf32, #tpu.memory_space<vmem_shared>> -> memref<10240x128xf32, #tpu.memory_space<vmem_shared>>
      tpu.wait_indirect_dma semaphore(%arg21 : memref<!tpu.dma_semaphore, #tpu.memory_space<semaphore_mem>>) src(%arg16 : memref<80x128xf32, #tpu.memory_space<vmem>>) dst(%dma_wait3A_135 : memref<10240x128xf32, #tpu.memory_space<vmem_shared>>)
      %lt3A = arith.constant 61 : i32
      %lt3A_136 = arith.cmpi slt, %scan3A_88, %lt3A : i32
      %convert_element_type3A = arith.extui %lt3A_136 : i1 to i32
      %cond3A = arith.constant 0 : i32
      %cond3A_137 = arith.cmpi ne, %convert_element_type3A, %cond3A : i32
      scf.if %cond3A_137 {
        %add3A_138 = arith.constant 3 : i32
        %add3A_139 = arith.addi %mul3A_90, %add3A_138 : i32
        %mul3A_140 = arith.constant 80 : i32
        %mul3A_141 = arith.muli %add3A_139, %mul3A_140 : i32
        %add3A_142 = arith.addi %mul3A_4, %mul3A_141 : i32
        %dma_start3A_143 = tpu.memref_slice %arg3[%add3A_142] : memref<320000xi32, #tpu.memory_space<hbm>> -> memref<80xi32, #tpu.memory_space<hbm>>
        %dma_start3A_144 = tpu.memref_slice %arg3[%add3A_142] : memref<320000xi32, #tpu.memory_space<hbm>> -> memref<80xi32, #tpu.memory_space<hbm>>
        tpu.enqueue_dma source(%dma_start3A_144 : memref<80xi32, #tpu.memory_space<hbm>>) target(%arg12 : memref<80xi32, #tpu.memory_space<vmem>>) target_semaphore(%arg19 : memref<!tpu.dma_semaphore, #tpu.memory_space<semaphore_mem>>)
        %dma_start3A_145 = arith.constant 0 : i32
        %dma_start3A_146 = tpu.memref_slice %arg5[%add3A_142, %dma_start3A_145] : memref<320000x128xf32, #tpu.memory_space<hbm>> -> memref<80x128xf32, #tpu.memory_space<hbm>>
        %dma_start3A_147 = arith.constant 0 : i32
        %dma_start3A_148 = tpu.memref_slice %arg5[%add3A_142, %dma_start3A_147] : memref<320000x128xf32, #tpu.memory_space<hbm>> -> memref<80x128xf32, #tpu.memory_space<hbm>>
        tpu.enqueue_dma source(%dma_start3A_148 : memref<80x128xf32, #tpu.memory_space<hbm>>) target(%arg16 : memref<80x128xf32, #tpu.memory_space<vmem>>) target_semaphore(%arg19 : memref<!tpu.dma_semaphore, #tpu.memory_space<semaphore_mem>>)
      } else {
      }
    }
    %scan3A_71 = arith.constant 62 : i32
    %add3A_72 = arith.constant 9920 : i32
    %add3A_73 = arith.addi %mul3A_4, %add3A_72 : i32
    %dma_wait3A_74 = tpu.memref_slice %arg3[%add3A_73] : memref<320000xi32, #tpu.memory_space<hbm>> -> memref<80xi32, #tpu.memory_space<hbm>>
    %dma_wait3A_75 = tpu.memref_slice %arg3[%add3A_73] : memref<320000xi32, #tpu.memory_space<hbm>> -> memref<80xi32, #tpu.memory_space<hbm>>
    tpu.wait_dma2 semaphore(%arg18 : memref<!tpu.dma_semaphore, #tpu.memory_space<semaphore_mem>>) src(%dma_wait3A_75 : memref<80xi32, #tpu.memory_space<hbm>>) dst(%arg11 : memref<80xi32, #tpu.memory_space<vmem>>)
    %dma_wait3A_76 = arith.constant 0 : i32
    %dma_wait3A_77 = tpu.memref_slice %arg5[%add3A_73, %dma_wait3A_76] : memref<320000x128xf32, #tpu.memory_space<hbm>> -> memref<80x128xf32, #tpu.memory_space<hbm>>
    %dma_wait3A_78 = arith.constant 0 : i32
    %dma_wait3A_79 = tpu.memref_slice %arg5[%add3A_73, %dma_wait3A_78] : memref<320000x128xf32, #tpu.memory_space<hbm>> -> memref<80x128xf32, #tpu.memory_space<hbm>>
    tpu.wait_dma2 semaphore(%arg18 : memref<!tpu.dma_semaphore, #tpu.memory_space<semaphore_mem>>) src(%dma_wait3A_79 : memref<80x128xf32, #tpu.memory_space<hbm>>) dst(%arg15 : memref<80x128xf32, #tpu.memory_space<vmem>>)
    %dma_start3A_80 = arith.constant 0 : i32
    %dma_start3A_81 = arith.constant 0 : i32
    %dma_start3A_82 = tpu.memref_slice %arg17[%dma_start3A_80, %dma_start3A_81] : memref<10240x128xf32, #tpu.memory_space<vmem_shared>> -> memref<10240x128xf32, #tpu.memory_space<vmem_shared>>
    tpu.enqueue_indirect_dma source(%arg15 : memref<80x128xf32, #tpu.memory_space<vmem>>) target(%dma_start3A_82 : memref<10240x128xf32, #tpu.memory_space<vmem_shared>>) offsets(%arg11 : memref<80xi32, #tpu.memory_space<vmem>>) semaphore(%arg20 : memref<!tpu.dma_semaphore, #tpu.memory_space<semaphore_mem>>) {add = true}
    %dma_wait3A_83 = arith.constant 0 : i32
    %dma_wait3A_84 = arith.constant 0 : i32
    %dma_wait3A_85 = tpu.memref_slice %arg17[%dma_wait3A_83, %dma_wait3A_84] : memref<10240x128xf32, #tpu.memory_space<vmem_shared>> -> memref<10240x128xf32, #tpu.memory_space<vmem_shared>>
    tpu.wait_indirect_dma semaphore(%arg20 : memref<!tpu.dma_semaphore, #tpu.memory_space<semaphore_mem>>) src(%arg15 : memref<80x128xf32, #tpu.memory_space<vmem>>) dst(%dma_wait3A_85 : memref<10240x128xf32, #tpu.memory_space<vmem_shared>>)
    %barrier3A_86 = arith.constant 0 : index
    tpu.barrier barrier_id(%barrier3A_86)
    "tpu.region"() ({
      %run_scoped3A = tpu.sem_alloc : memref<!tpu.dma_semaphore, #tpu.memory_space<semaphore_mem>>
      %dma_start3A_88 = arith.constant 0 : i32
      %dma_start3A_89 = tpu.memref_slice %arg8[%arg0, %mul3A_2, %dma_start3A_88] : memref<2x10240x128xf32, #tpu.memory_space<hbm>> -> memref<1x640x128xf32, #tpu.memory_space<hbm>>
      %dma_start3A_90 = tpu.memref_squeeze %dma_start3A_89 : memref<1x640x128xf32, #tpu.memory_space<hbm>> -> memref<640x128xf32, #tpu.memory_space<hbm>>
      %dma_start3A_91 = arith.constant 0 : i32
      %dma_start3A_92 = tpu.memref_slice %arg17[%mul3A_2, %dma_start3A_91] : memref<10240x128xf32, #tpu.memory_space<vmem_shared>> -> memref<640x128xf32, #tpu.memory_space<vmem_shared>>
      tpu.enqueue_dma source(%dma_start3A_92 : memref<640x128xf32, #tpu.memory_space<vmem_shared>>) target(%dma_start3A_90 : memref<640x128xf32, #tpu.memory_space<hbm>>) target_semaphore(%run_scoped3A : memref<!tpu.dma_semaphore, #tpu.memory_space<semaphore_mem>>)
      %dma_wait3A_93 = arith.constant 0 : i32
      %dma_wait3A_94 = tpu.memref_slice %arg8[%arg0, %mul3A_2, %dma_wait3A_93] : memref<2x10240x128xf32, #tpu.memory_space<hbm>> -> memref<1x640x128xf32, #tpu.memory_space<hbm>>
      %dma_wait3A_95 = tpu.memref_squeeze %dma_wait3A_94 : memref<1x640x128xf32, #tpu.memory_space<hbm>> -> memref<640x128xf32, #tpu.memory_space<hbm>>
      %dma_wait3A_96 = arith.constant 0 : i32
      %dma_wait3A_97 = tpu.memref_slice %arg17[%mul3A_2, %dma_wait3A_96] : memref<10240x128xf32, #tpu.memory_space<vmem_shared>> -> memref<640x128xf32, #tpu.memory_space<vmem_shared>>
      tpu.wait_dma2 semaphore(%run_scoped3A : memref<!tpu.dma_semaphore, #tpu.memory_space<semaphore_mem>>) src(%dma_wait3A_97 : memref<640x128xf32, #tpu.memory_space<vmem_shared>>) dst(%dma_wait3A_95 : memref<640x128xf32, #tpu.memory_space<hbm>>)
      tpu.yield
    }) : () -> ()
    %barrier3A_87 = arith.constant 0 : index
    tpu.barrier barrier_id(%barrier3A_87)
    return
  }
}

#map = affine_map<(d0, d1) -> (0, 0)>
#map1 = affine_map<(d0, d1) -> (0)>
module attributes {stable_mosaic.version = 14 : i64} {
  func.func @gather(%arg0: i32, %arg1: i32, %arg2: memref<10000x128xf32, #tpu.memory_space<hbm>>, %arg3: memref<10000x128xf32, #tpu.memory_space<hbm>>, %arg4: memref<320000xi32, #tpu.memory_space<hbm>>, %arg5: memref<320000xi32, #tpu.memory_space<hbm>>, %arg6: memref<320000x128xf32, #tpu.memory_space<hbm>>, %arg7: memref<320000x128xf32, #tpu.memory_space<hbm>>, %arg8: memref<10000xi32, #tpu.memory_space<vmem>>, %arg9: memref<10000xi32, #tpu.memory_space<vmem>>, %arg10: memref<80x128xf32, #tpu.memory_space<vmem>>, %arg11: memref<80x128xf32, #tpu.memory_space<vmem>>, %arg12: memref<80x128xf32, #tpu.memory_space<vmem>>, %arg13: memref<80x128xf32, #tpu.memory_space<vmem>>, %arg14: memref<!tpu.dma_semaphore, #tpu.memory_space<semaphore_mem>>, %arg15: memref<!tpu.dma_semaphore, #tpu.memory_space<semaphore_mem>>, %arg16: memref<!tpu.dma_semaphore, #tpu.memory_space<semaphore_mem>>, %arg17: memref<!tpu.dma_semaphore, #tpu.memory_space<semaphore_mem>>) attributes {dimension_semantics = [#tpu.dimension_semantics<core_parallel>, #tpu.dimension_semantics<subcore_parallel>], iteration_bounds = array<i64: 2, 16>, scalar_prefetch = 0 : i64, scratch_operands = 10 : i64, tpu.core_type = #tpu.core_type<sc_vector_subcore>, window_params = [{transform_indices = #map}, {transform_indices = #map}, {transform_indices = #map1}, {transform_indices = #map1}, {transform_indices = #map}, {transform_indices = #map}]} {
    %mul3A = arith.constant 2 : i32
    %mul3A_0 = arith.muli %arg1, %mul3A : i32
    %add3A = arith.addi %mul3A_0, %arg0 : i32
    %mul3A_1 = arith.constant 10000 : i32
    %mul3A_2 = arith.muli %add3A, %mul3A_1 : i32
    "tpu.region"() ({
      %run_scoped3A = tpu.sem_alloc : memref<!tpu.dma_semaphore, #tpu.memory_space<semaphore_mem>>
      %dma_start3A_56 = tpu.memref_slice %arg4[%mul3A_2] : memref<320000xi32, #tpu.memory_space<hbm>> -> memref<10000xi32, #tpu.memory_space<hbm>>
      %dma_start3A_57 = tpu.memref_slice %arg4[%mul3A_2] : memref<320000xi32, #tpu.memory_space<hbm>> -> memref<10000xi32, #tpu.memory_space<hbm>>
      tpu.enqueue_dma source(%dma_start3A_57 : memref<10000xi32, #tpu.memory_space<hbm>>) target(%arg8 : memref<10000xi32, #tpu.memory_space<vmem>>) target_semaphore(%run_scoped3A : memref<!tpu.dma_semaphore, #tpu.memory_space<semaphore_mem>>)
      %dma_wait3A_58 = tpu.memref_slice %arg4[%mul3A_2] : memref<320000xi32, #tpu.memory_space<hbm>> -> memref<10000xi32, #tpu.memory_space<hbm>>
      %dma_wait3A_59 = tpu.memref_slice %arg4[%mul3A_2] : memref<320000xi32, #tpu.memory_space<hbm>> -> memref<10000xi32, #tpu.memory_space<hbm>>
      tpu.wait_dma2 semaphore(%run_scoped3A : memref<!tpu.dma_semaphore, #tpu.memory_space<semaphore_mem>>) src(%dma_wait3A_59 : memref<10000xi32, #tpu.memory_space<hbm>>) dst(%arg8 : memref<10000xi32, #tpu.memory_space<vmem>>)
      tpu.yield
    }) : () -> ()
    "tpu.region"() ({
      %run_scoped3A = tpu.sem_alloc : memref<!tpu.dma_semaphore, #tpu.memory_space<semaphore_mem>>
      %dma_start3A_56 = tpu.memref_slice %arg5[%mul3A_2] : memref<320000xi32, #tpu.memory_space<hbm>> -> memref<10000xi32, #tpu.memory_space<hbm>>
      %dma_start3A_57 = tpu.memref_slice %arg5[%mul3A_2] : memref<320000xi32, #tpu.memory_space<hbm>> -> memref<10000xi32, #tpu.memory_space<hbm>>
      tpu.enqueue_dma source(%dma_start3A_57 : memref<10000xi32, #tpu.memory_space<hbm>>) target(%arg9 : memref<10000xi32, #tpu.memory_space<vmem>>) target_semaphore(%run_scoped3A : memref<!tpu.dma_semaphore, #tpu.memory_space<semaphore_mem>>)
      %dma_wait3A_58 = tpu.memref_slice %arg5[%mul3A_2] : memref<320000xi32, #tpu.memory_space<hbm>> -> memref<10000xi32, #tpu.memory_space<hbm>>
      %dma_wait3A_59 = tpu.memref_slice %arg5[%mul3A_2] : memref<320000xi32, #tpu.memory_space<hbm>> -> memref<10000xi32, #tpu.memory_space<hbm>>
      tpu.wait_dma2 semaphore(%run_scoped3A : memref<!tpu.dma_semaphore, #tpu.memory_space<semaphore_mem>>) src(%dma_wait3A_59 : memref<10000xi32, #tpu.memory_space<hbm>>) dst(%arg9 : memref<10000xi32, #tpu.memory_space<vmem>>)
      tpu.yield
    }) : () -> ()
    %dma_start3A = arith.constant 0 : i32
    %dma_start3A_3 = tpu.memref_slice %arg9[%dma_start3A] : memref<10000xi32, #tpu.memory_space<vmem>> -> memref<80xi32, #tpu.memory_space<vmem>>
    %dma_start3A_4 = arith.constant 0 : i32
    %dma_start3A_5 = arith.constant 0 : i32
    %dma_start3A_6 = tpu.memref_slice %arg2[%dma_start3A_4, %dma_start3A_5] : memref<10000x128xf32, #tpu.memory_space<hbm>> -> memref<10000x128xf32, #tpu.memory_space<hbm>>
    tpu.enqueue_indirect_dma source(%dma_start3A_6 : memref<10000x128xf32, #tpu.memory_space<hbm>>) target(%arg10 : memref<80x128xf32, #tpu.memory_space<vmem>>) offsets(%dma_start3A_3 : memref<80xi32, #tpu.memory_space<vmem>>) semaphore(%arg14 : memref<!tpu.dma_semaphore, #tpu.memory_space<semaphore_mem>>)
    %dma_start3A_7 = arith.constant 0 : i32
    %dma_start3A_8 = tpu.memref_slice %arg8[%dma_start3A_7] : memref<10000xi32, #tpu.memory_space<vmem>> -> memref<80xi32, #tpu.memory_space<vmem>>
    %dma_start3A_9 = arith.constant 0 : i32
    %dma_start3A_10 = arith.constant 0 : i32
    %dma_start3A_11 = tpu.memref_slice %arg3[%dma_start3A_9, %dma_start3A_10] : memref<10000x128xf32, #tpu.memory_space<hbm>> -> memref<10000x128xf32, #tpu.memory_space<hbm>>
    tpu.enqueue_indirect_dma source(%dma_start3A_11 : memref<10000x128xf32, #tpu.memory_space<hbm>>) target(%arg11 : memref<80x128xf32, #tpu.memory_space<vmem>>) offsets(%dma_start3A_8 : memref<80xi32, #tpu.memory_space<vmem>>) semaphore(%arg14 : memref<!tpu.dma_semaphore, #tpu.memory_space<semaphore_mem>>)
    %dma_start3A_12 = arith.constant 80 : i32
    %dma_start3A_13 = tpu.memref_slice %arg9[%dma_start3A_12] : memref<10000xi32, #tpu.memory_space<vmem>> -> memref<80xi32, #tpu.memory_space<vmem>>
    %dma_start3A_14 = arith.constant 0 : i32
    %dma_start3A_15 = arith.constant 0 : i32
    %dma_start3A_16 = tpu.memref_slice %arg2[%dma_start3A_14, %dma_start3A_15] : memref<10000x128xf32, #tpu.memory_space<hbm>> -> memref<10000x128xf32, #tpu.memory_space<hbm>>
    tpu.enqueue_indirect_dma source(%dma_start3A_16 : memref<10000x128xf32, #tpu.memory_space<hbm>>) target(%arg12 : memref<80x128xf32, #tpu.memory_space<vmem>>) offsets(%dma_start3A_13 : memref<80xi32, #tpu.memory_space<vmem>>) semaphore(%arg15 : memref<!tpu.dma_semaphore, #tpu.memory_space<semaphore_mem>>)
    %dma_start3A_17 = arith.constant 80 : i32
    %dma_start3A_18 = tpu.memref_slice %arg8[%dma_start3A_17] : memref<10000xi32, #tpu.memory_space<vmem>> -> memref<80xi32, #tpu.memory_space<vmem>>
    %dma_start3A_19 = arith.constant 0 : i32
    %dma_start3A_20 = arith.constant 0 : i32
    %dma_start3A_21 = tpu.memref_slice %arg3[%dma_start3A_19, %dma_start3A_20] : memref<10000x128xf32, #tpu.memory_space<hbm>> -> memref<10000x128xf32, #tpu.memory_space<hbm>>
    tpu.enqueue_indirect_dma source(%dma_start3A_21 : memref<10000x128xf32, #tpu.memory_space<hbm>>) target(%arg13 : memref<80x128xf32, #tpu.memory_space<vmem>>) offsets(%dma_start3A_18 : memref<80xi32, #tpu.memory_space<vmem>>) semaphore(%arg15 : memref<!tpu.dma_semaphore, #tpu.memory_space<semaphore_mem>>)
    %scan3A = arith.constant 0 : i32
    %scan3A_22 = arith.constant 0 : i32
    %scan3A_23 = arith.constant 62 : i32
    %scan3A_24 = arith.addi %scan3A_22, %scan3A_23 : i32
    %scan3A_25 = arith.constant 1 : i32
    scf.for %scan3A_56 = %scan3A_22 to %scan3A_24 step %scan3A_25  : i32 {
      %mul3A_57 = arith.constant 2 : i32
      %mul3A_58 = arith.muli %mul3A_57, %scan3A_56 : i32
      %mul3A_59 = arith.constant 80 : i32
      %mul3A_60 = arith.muli %mul3A_58, %mul3A_59 : i32
      %add3A_61 = arith.addi %mul3A_2, %mul3A_60 : i32
      %mul3A_62 = arith.constant 80 : i32
      %mul3A_63 = arith.muli %mul3A_58, %mul3A_62 : i32
      %dma_wait3A_64 = tpu.memref_slice %arg9[%mul3A_63] : memref<10000xi32, #tpu.memory_space<vmem>> -> memref<80xi32, #tpu.memory_space<vmem>>
      %dma_wait3A_65 = arith.constant 0 : i32
      %dma_wait3A_66 = arith.constant 0 : i32
      %dma_wait3A_67 = tpu.memref_slice %arg2[%dma_wait3A_65, %dma_wait3A_66] : memref<10000x128xf32, #tpu.memory_space<hbm>> -> memref<10000x128xf32, #tpu.memory_space<hbm>>
      tpu.wait_indirect_dma semaphore(%arg14 : memref<!tpu.dma_semaphore, #tpu.memory_space<semaphore_mem>>) src(%dma_wait3A_67 : memref<10000x128xf32, #tpu.memory_space<hbm>>) dst(%arg10 : memref<80x128xf32, #tpu.memory_space<vmem>>)
      %mul3A_68 = arith.constant 80 : i32
      %mul3A_69 = arith.muli %mul3A_58, %mul3A_68 : i32
      %dma_wait3A_70 = tpu.memref_slice %arg8[%mul3A_69] : memref<10000xi32, #tpu.memory_space<vmem>> -> memref<80xi32, #tpu.memory_space<vmem>>
      %dma_wait3A_71 = arith.constant 0 : i32
      %dma_wait3A_72 = arith.constant 0 : i32
      %dma_wait3A_73 = tpu.memref_slice %arg3[%dma_wait3A_71, %dma_wait3A_72] : memref<10000x128xf32, #tpu.memory_space<hbm>> -> memref<10000x128xf32, #tpu.memory_space<hbm>>
      tpu.wait_indirect_dma semaphore(%arg14 : memref<!tpu.dma_semaphore, #tpu.memory_space<semaphore_mem>>) src(%dma_wait3A_73 : memref<10000x128xf32, #tpu.memory_space<hbm>>) dst(%arg11 : memref<80x128xf32, #tpu.memory_space<vmem>>)
      %dma_start3A_74 = arith.constant 0 : i32
      %dma_start3A_75 = tpu.memref_slice %arg6[%add3A_61, %dma_start3A_74] : memref<320000x128xf32, #tpu.memory_space<hbm>> -> memref<80x128xf32, #tpu.memory_space<hbm>>
      %dma_start3A_76 = arith.constant 0 : i32
      %dma_start3A_77 = tpu.memref_slice %arg6[%add3A_61, %dma_start3A_76] : memref<320000x128xf32, #tpu.memory_space<hbm>> -> memref<80x128xf32, #tpu.memory_space<hbm>>
      tpu.enqueue_dma source(%arg10 : memref<80x128xf32, #tpu.memory_space<vmem>>) target(%dma_start3A_77 : memref<80x128xf32, #tpu.memory_space<hbm>>) target_semaphore(%arg16 : memref<!tpu.dma_semaphore, #tpu.memory_space<semaphore_mem>>)
      %dma_start3A_78 = arith.constant 0 : i32
      %dma_start3A_79 = tpu.memref_slice %arg7[%add3A_61, %dma_start3A_78] : memref<320000x128xf32, #tpu.memory_space<hbm>> -> memref<80x128xf32, #tpu.memory_space<hbm>>
      %dma_start3A_80 = arith.constant 0 : i32
      %dma_start3A_81 = tpu.memref_slice %arg7[%add3A_61, %dma_start3A_80] : memref<320000x128xf32, #tpu.memory_space<hbm>> -> memref<80x128xf32, #tpu.memory_space<hbm>>
      tpu.enqueue_dma source(%arg11 : memref<80x128xf32, #tpu.memory_space<vmem>>) target(%dma_start3A_81 : memref<80x128xf32, #tpu.memory_space<hbm>>) target_semaphore(%arg16 : memref<!tpu.dma_semaphore, #tpu.memory_space<semaphore_mem>>)
      %add3A_82 = arith.constant 1 : i32
      %add3A_83 = arith.addi %mul3A_58, %add3A_82 : i32
      %mul3A_84 = arith.constant 80 : i32
      %mul3A_85 = arith.muli %add3A_83, %mul3A_84 : i32
      %add3A_86 = arith.addi %mul3A_2, %mul3A_85 : i32
      %mul3A_87 = arith.constant 80 : i32
      %mul3A_88 = arith.muli %add3A_83, %mul3A_87 : i32
      %dma_wait3A_89 = tpu.memref_slice %arg9[%mul3A_88] : memref<10000xi32, #tpu.memory_space<vmem>> -> memref<80xi32, #tpu.memory_space<vmem>>
      %dma_wait3A_90 = arith.constant 0 : i32
      %dma_wait3A_91 = arith.constant 0 : i32
      %dma_wait3A_92 = tpu.memref_slice %arg2[%dma_wait3A_90, %dma_wait3A_91] : memref<10000x128xf32, #tpu.memory_space<hbm>> -> memref<10000x128xf32, #tpu.memory_space<hbm>>
      tpu.wait_indirect_dma semaphore(%arg15 : memref<!tpu.dma_semaphore, #tpu.memory_space<semaphore_mem>>) src(%dma_wait3A_92 : memref<10000x128xf32, #tpu.memory_space<hbm>>) dst(%arg12 : memref<80x128xf32, #tpu.memory_space<vmem>>)
      %mul3A_93 = arith.constant 80 : i32
      %mul3A_94 = arith.muli %add3A_83, %mul3A_93 : i32
      %dma_wait3A_95 = tpu.memref_slice %arg8[%mul3A_94] : memref<10000xi32, #tpu.memory_space<vmem>> -> memref<80xi32, #tpu.memory_space<vmem>>
      %dma_wait3A_96 = arith.constant 0 : i32
      %dma_wait3A_97 = arith.constant 0 : i32
      %dma_wait3A_98 = tpu.memref_slice %arg3[%dma_wait3A_96, %dma_wait3A_97] : memref<10000x128xf32, #tpu.memory_space<hbm>> -> memref<10000x128xf32, #tpu.memory_space<hbm>>
      tpu.wait_indirect_dma semaphore(%arg15 : memref<!tpu.dma_semaphore, #tpu.memory_space<semaphore_mem>>) src(%dma_wait3A_98 : memref<10000x128xf32, #tpu.memory_space<hbm>>) dst(%arg13 : memref<80x128xf32, #tpu.memory_space<vmem>>)
      %dma_start3A_99 = arith.constant 0 : i32
      %dma_start3A_100 = tpu.memref_slice %arg6[%add3A_86, %dma_start3A_99] : memref<320000x128xf32, #tpu.memory_space<hbm>> -> memref<80x128xf32, #tpu.memory_space<hbm>>
      %dma_start3A_101 = arith.constant 0 : i32
      %dma_start3A_102 = tpu.memref_slice %arg6[%add3A_86, %dma_start3A_101] : memref<320000x128xf32, #tpu.memory_space<hbm>> -> memref<80x128xf32, #tpu.memory_space<hbm>>
      tpu.enqueue_dma source(%arg12 : memref<80x128xf32, #tpu.memory_space<vmem>>) target(%dma_start3A_102 : memref<80x128xf32, #tpu.memory_space<hbm>>) target_semaphore(%arg17 : memref<!tpu.dma_semaphore, #tpu.memory_space<semaphore_mem>>)
      %dma_start3A_103 = arith.constant 0 : i32
      %dma_start3A_104 = tpu.memref_slice %arg7[%add3A_86, %dma_start3A_103] : memref<320000x128xf32, #tpu.memory_space<hbm>> -> memref<80x128xf32, #tpu.memory_space<hbm>>
      %dma_start3A_105 = arith.constant 0 : i32
      %dma_start3A_106 = tpu.memref_slice %arg7[%add3A_86, %dma_start3A_105] : memref<320000x128xf32, #tpu.memory_space<hbm>> -> memref<80x128xf32, #tpu.memory_space<hbm>>
      tpu.enqueue_dma source(%arg13 : memref<80x128xf32, #tpu.memory_space<vmem>>) target(%dma_start3A_106 : memref<80x128xf32, #tpu.memory_space<hbm>>) target_semaphore(%arg17 : memref<!tpu.dma_semaphore, #tpu.memory_space<semaphore_mem>>)
      %mul3A_107 = arith.constant 80 : i32
      %mul3A_108 = arith.muli %mul3A_58, %mul3A_107 : i32
      %add3A_109 = arith.addi %mul3A_2, %mul3A_108 : i32
      %dma_wait3A_110 = arith.constant 0 : i32
      %dma_wait3A_111 = tpu.memref_slice %arg6[%add3A_109, %dma_wait3A_110] : memref<320000x128xf32, #tpu.memory_space<hbm>> -> memref<80x128xf32, #tpu.memory_space<hbm>>
      %dma_wait3A_112 = arith.constant 0 : i32
      %dma_wait3A_113 = tpu.memref_slice %arg6[%add3A_109, %dma_wait3A_112] : memref<320000x128xf32, #tpu.memory_space<hbm>> -> memref<80x128xf32, #tpu.memory_space<hbm>>
      tpu.wait_dma2 semaphore(%arg16 : memref<!tpu.dma_semaphore, #tpu.memory_space<semaphore_mem>>) src(%arg10 : memref<80x128xf32, #tpu.memory_space<vmem>>) dst(%dma_wait3A_113 : memref<80x128xf32, #tpu.memory_space<hbm>>)
      %dma_wait3A_114 = arith.constant 0 : i32
      %dma_wait3A_115 = tpu.memref_slice %arg7[%add3A_109, %dma_wait3A_114] : memref<320000x128xf32, #tpu.memory_space<hbm>> -> memref<80x128xf32, #tpu.memory_space<hbm>>
      %dma_wait3A_116 = arith.constant 0 : i32
      %dma_wait3A_117 = tpu.memref_slice %arg7[%add3A_109, %dma_wait3A_116] : memref<320000x128xf32, #tpu.memory_space<hbm>> -> memref<80x128xf32, #tpu.memory_space<hbm>>
      tpu.wait_dma2 semaphore(%arg16 : memref<!tpu.dma_semaphore, #tpu.memory_space<semaphore_mem>>) src(%arg11 : memref<80x128xf32, #tpu.memory_space<vmem>>) dst(%dma_wait3A_117 : memref<80x128xf32, #tpu.memory_space<hbm>>)
      %add3A_118 = arith.constant 2 : i32
      %add3A_119 = arith.addi %mul3A_58, %add3A_118 : i32
      %mul3A_120 = arith.constant 80 : i32
      %mul3A_121 = arith.muli %add3A_119, %mul3A_120 : i32
      %dma_start3A_122 = tpu.memref_slice %arg9[%mul3A_121] : memref<10000xi32, #tpu.memory_space<vmem>> -> memref<80xi32, #tpu.memory_space<vmem>>
      %dma_start3A_123 = arith.constant 0 : i32
      %dma_start3A_124 = arith.constant 0 : i32
      %dma_start3A_125 = tpu.memref_slice %arg2[%dma_start3A_123, %dma_start3A_124] : memref<10000x128xf32, #tpu.memory_space<hbm>> -> memref<10000x128xf32, #tpu.memory_space<hbm>>
      tpu.enqueue_indirect_dma source(%dma_start3A_125 : memref<10000x128xf32, #tpu.memory_space<hbm>>) target(%arg10 : memref<80x128xf32, #tpu.memory_space<vmem>>) offsets(%dma_start3A_122 : memref<80xi32, #tpu.memory_space<vmem>>) semaphore(%arg14 : memref<!tpu.dma_semaphore, #tpu.memory_space<semaphore_mem>>)
      %mul3A_126 = arith.constant 80 : i32
      %mul3A_127 = arith.muli %add3A_119, %mul3A_126 : i32
      %dma_start3A_128 = tpu.memref_slice %arg8[%mul3A_127] : memref<10000xi32, #tpu.memory_space<vmem>> -> memref<80xi32, #tpu.memory_space<vmem>>
      %dma_start3A_129 = arith.constant 0 : i32
      %dma_start3A_130 = arith.constant 0 : i32
      %dma_start3A_131 = tpu.memref_slice %arg3[%dma_start3A_129, %dma_start3A_130] : memref<10000x128xf32, #tpu.memory_space<hbm>> -> memref<10000x128xf32, #tpu.memory_space<hbm>>
      tpu.enqueue_indirect_dma source(%dma_start3A_131 : memref<10000x128xf32, #tpu.memory_space<hbm>>) target(%arg11 : memref<80x128xf32, #tpu.memory_space<vmem>>) offsets(%dma_start3A_128 : memref<80xi32, #tpu.memory_space<vmem>>) semaphore(%arg14 : memref<!tpu.dma_semaphore, #tpu.memory_space<semaphore_mem>>)
      %add3A_132 = arith.constant 1 : i32
      %add3A_133 = arith.addi %mul3A_58, %add3A_132 : i32
      %mul3A_134 = arith.constant 80 : i32
      %mul3A_135 = arith.muli %add3A_133, %mul3A_134 : i32
      %add3A_136 = arith.addi %mul3A_2, %mul3A_135 : i32
      %dma_wait3A_137 = arith.constant 0 : i32
      %dma_wait3A_138 = tpu.memref_slice %arg6[%add3A_136, %dma_wait3A_137] : memref<320000x128xf32, #tpu.memory_space<hbm>> -> memref<80x128xf32, #tpu.memory_space<hbm>>
      %dma_wait3A_139 = arith.constant 0 : i32
      %dma_wait3A_140 = tpu.memref_slice %arg6[%add3A_136, %dma_wait3A_139] : memref<320000x128xf32, #tpu.memory_space<hbm>> -> memref<80x128xf32, #tpu.memory_space<hbm>>
      tpu.wait_dma2 semaphore(%arg17 : memref<!tpu.dma_semaphore, #tpu.memory_space<semaphore_mem>>) src(%arg12 : memref<80x128xf32, #tpu.memory_space<vmem>>) dst(%dma_wait3A_140 : memref<80x128xf32, #tpu.memory_space<hbm>>)
      %dma_wait3A_141 = arith.constant 0 : i32
      %dma_wait3A_142 = tpu.memref_slice %arg7[%add3A_136, %dma_wait3A_141] : memref<320000x128xf32, #tpu.memory_space<hbm>> -> memref<80x128xf32, #tpu.memory_space<hbm>>
      %dma_wait3A_143 = arith.constant 0 : i32
      %dma_wait3A_144 = tpu.memref_slice %arg7[%add3A_136, %dma_wait3A_143] : memref<320000x128xf32, #tpu.memory_space<hbm>> -> memref<80x128xf32, #tpu.memory_space<hbm>>
      tpu.wait_dma2 semaphore(%arg17 : memref<!tpu.dma_semaphore, #tpu.memory_space<semaphore_mem>>) src(%arg13 : memref<80x128xf32, #tpu.memory_space<vmem>>) dst(%dma_wait3A_144 : memref<80x128xf32, #tpu.memory_space<hbm>>)
      %lt3A = arith.constant 61 : i32
      %lt3A_145 = arith.cmpi slt, %scan3A_56, %lt3A : i32
      %convert_element_type3A = arith.extui %lt3A_145 : i1 to i32
      %cond3A = arith.constant 0 : i32
      %cond3A_146 = arith.cmpi ne, %convert_element_type3A, %cond3A : i32
      scf.if %cond3A_146 {
        %add3A_147 = arith.constant 3 : i32
        %add3A_148 = arith.addi %mul3A_58, %add3A_147 : i32
        %mul3A_149 = arith.constant 80 : i32
        %mul3A_150 = arith.muli %add3A_148, %mul3A_149 : i32
        %dma_start3A_151 = tpu.memref_slice %arg9[%mul3A_150] : memref<10000xi32, #tpu.memory_space<vmem>> -> memref<80xi32, #tpu.memory_space<vmem>>
        %dma_start3A_152 = arith.constant 0 : i32
        %dma_start3A_153 = arith.constant 0 : i32
        %dma_start3A_154 = tpu.memref_slice %arg2[%dma_start3A_152, %dma_start3A_153] : memref<10000x128xf32, #tpu.memory_space<hbm>> -> memref<10000x128xf32, #tpu.memory_space<hbm>>
        tpu.enqueue_indirect_dma source(%dma_start3A_154 : memref<10000x128xf32, #tpu.memory_space<hbm>>) target(%arg12 : memref<80x128xf32, #tpu.memory_space<vmem>>) offsets(%dma_start3A_151 : memref<80xi32, #tpu.memory_space<vmem>>) semaphore(%arg15 : memref<!tpu.dma_semaphore, #tpu.memory_space<semaphore_mem>>)
        %mul3A_155 = arith.constant 80 : i32
        %mul3A_156 = arith.muli %add3A_148, %mul3A_155 : i32
        %dma_start3A_157 = tpu.memref_slice %arg8[%mul3A_156] : memref<10000xi32, #tpu.memory_space<vmem>> -> memref<80xi32, #tpu.memory_space<vmem>>
        %dma_start3A_158 = arith.constant 0 : i32
        %dma_start3A_159 = arith.constant 0 : i32
        %dma_start3A_160 = tpu.memref_slice %arg3[%dma_start3A_158, %dma_start3A_159] : memref<10000x128xf32, #tpu.memory_space<hbm>> -> memref<10000x128xf32, #tpu.memory_space<hbm>>
        tpu.enqueue_indirect_dma source(%dma_start3A_160 : memref<10000x128xf32, #tpu.memory_space<hbm>>) target(%arg13 : memref<80x128xf32, #tpu.memory_space<vmem>>) offsets(%dma_start3A_157 : memref<80xi32, #tpu.memory_space<vmem>>) semaphore(%arg15 : memref<!tpu.dma_semaphore, #tpu.memory_space<semaphore_mem>>)
      } else {
      }
    }
    %scan3A_26 = arith.constant 62 : i32
    %add3A_27 = arith.constant 9920 : i32
    %add3A_28 = arith.addi %mul3A_2, %add3A_27 : i32
    %dma_wait3A = arith.constant 9920 : i32
    %dma_wait3A_29 = tpu.memref_slice %arg9[%dma_wait3A] : memref<10000xi32, #tpu.memory_space<vmem>> -> memref<80xi32, #tpu.memory_space<vmem>>
    %dma_wait3A_30 = arith.constant 0 : i32
    %dma_wait3A_31 = arith.constant 0 : i32
    %dma_wait3A_32 = tpu.memref_slice %arg2[%dma_wait3A_30, %dma_wait3A_31] : memref<10000x128xf32, #tpu.memory_space<hbm>> -> memref<10000x128xf32, #tpu.memory_space<hbm>>
    tpu.wait_indirect_dma semaphore(%arg14 : memref<!tpu.dma_semaphore, #tpu.memory_space<semaphore_mem>>) src(%dma_wait3A_32 : memref<10000x128xf32, #tpu.memory_space<hbm>>) dst(%arg10 : memref<80x128xf32, #tpu.memory_space<vmem>>)
    %dma_wait3A_33 = arith.constant 9920 : i32
    %dma_wait3A_34 = tpu.memref_slice %arg8[%dma_wait3A_33] : memref<10000xi32, #tpu.memory_space<vmem>> -> memref<80xi32, #tpu.memory_space<vmem>>
    %dma_wait3A_35 = arith.constant 0 : i32
    %dma_wait3A_36 = arith.constant 0 : i32
    %dma_wait3A_37 = tpu.memref_slice %arg3[%dma_wait3A_35, %dma_wait3A_36] : memref<10000x128xf32, #tpu.memory_space<hbm>> -> memref<10000x128xf32, #tpu.memory_space<hbm>>
    tpu.wait_indirect_dma semaphore(%arg14 : memref<!tpu.dma_semaphore, #tpu.memory_space<semaphore_mem>>) src(%dma_wait3A_37 : memref<10000x128xf32, #tpu.memory_space<hbm>>) dst(%arg11 : memref<80x128xf32, #tpu.memory_space<vmem>>)
    %dma_start3A_38 = arith.constant 0 : i32
    %dma_start3A_39 = tpu.memref_slice %arg6[%add3A_28, %dma_start3A_38] : memref<320000x128xf32, #tpu.memory_space<hbm>> -> memref<80x128xf32, #tpu.memory_space<hbm>>
    %dma_start3A_40 = arith.constant 0 : i32
    %dma_start3A_41 = tpu.memref_slice %arg6[%add3A_28, %dma_start3A_40] : memref<320000x128xf32, #tpu.memory_space<hbm>> -> memref<80x128xf32, #tpu.memory_space<hbm>>
    tpu.enqueue_dma source(%arg10 : memref<80x128xf32, #tpu.memory_space<vmem>>) target(%dma_start3A_41 : memref<80x128xf32, #tpu.memory_space<hbm>>) target_semaphore(%arg16 : memref<!tpu.dma_semaphore, #tpu.memory_space<semaphore_mem>>)
    %dma_start3A_42 = arith.constant 0 : i32
    %dma_start3A_43 = tpu.memref_slice %arg7[%add3A_28, %dma_start3A_42] : memref<320000x128xf32, #tpu.memory_space<hbm>> -> memref<80x128xf32, #tpu.memory_space<hbm>>
    %dma_start3A_44 = arith.constant 0 : i32
    %dma_start3A_45 = tpu.memref_slice %arg7[%add3A_28, %dma_start3A_44] : memref<320000x128xf32, #tpu.memory_space<hbm>> -> memref<80x128xf32, #tpu.memory_space<hbm>>
    tpu.enqueue_dma source(%arg11 : memref<80x128xf32, #tpu.memory_space<vmem>>) target(%dma_start3A_45 : memref<80x128xf32, #tpu.memory_space<hbm>>) target_semaphore(%arg16 : memref<!tpu.dma_semaphore, #tpu.memory_space<semaphore_mem>>)
    %add3A_46 = arith.constant 9920 : i32
    %add3A_47 = arith.addi %mul3A_2, %add3A_46 : i32
    %dma_wait3A_48 = arith.constant 0 : i32
    %dma_wait3A_49 = tpu.memref_slice %arg6[%add3A_47, %dma_wait3A_48] : memref<320000x128xf32, #tpu.memory_space<hbm>> -> memref<80x128xf32, #tpu.memory_space<hbm>>
    %dma_wait3A_50 = arith.constant 0 : i32
    %dma_wait3A_51 = tpu.memref_slice %arg6[%add3A_47, %dma_wait3A_50] : memref<320000x128xf32, #tpu.memory_space<hbm>> -> memref<80x128xf32, #tpu.memory_space<hbm>>
    tpu.wait_dma2 semaphore(%arg16 : memref<!tpu.dma_semaphore, #tpu.memory_space<semaphore_mem>>) src(%arg10 : memref<80x128xf32, #tpu.memory_space<vmem>>) dst(%dma_wait3A_51 : memref<80x128xf32, #tpu.memory_space<hbm>>)
    %dma_wait3A_52 = arith.constant 0 : i32
    %dma_wait3A_53 = tpu.memref_slice %arg7[%add3A_47, %dma_wait3A_52] : memref<320000x128xf32, #tpu.memory_space<hbm>> -> memref<80x128xf32, #tpu.memory_space<hbm>>
    %dma_wait3A_54 = arith.constant 0 : i32
    %dma_wait3A_55 = tpu.memref_slice %arg7[%add3A_47, %dma_wait3A_54] : memref<320000x128xf32, #tpu.memory_space<hbm>> -> memref<80x128xf32, #tpu.memory_space<hbm>>
    tpu.wait_dma2 semaphore(%arg16 : memref<!tpu.dma_semaphore, #tpu.memory_space<semaphore_mem>>) src(%arg11 : memref<80x128xf32, #tpu.memory_space<vmem>>) dst(%dma_wait3A_55 : memref<80x128xf32, #tpu.memory_space<hbm>>)
    return
  }
}

#map = affine_map<(d0, d1) -> (0, 0)>
#map1 = affine_map<(d0, d1) -> (0)>
module attributes {stable_mosaic.version = 14 : i64} {
  func.func @gather(%arg0: i32, %arg1: i32, %arg2: memref<10000x128xf32, #tpu.memory_space<hbm>>, %arg3: memref<10000x128xf32, #tpu.memory_space<hbm>>, %arg4: memref<320000xi32, #tpu.memory_space<hbm>>, %arg5: memref<320000xi32, #tpu.memory_space<hbm>>, %arg6: memref<320000x128xf32, #tpu.memory_space<hbm>>, %arg7: memref<10000xi32, #tpu.memory_space<vmem>>, %arg8: memref<10000xi32, #tpu.memory_space<vmem>>, %arg9: memref<80x128xf32, #tpu.memory_space<vmem>>, %arg10: memref<80x128xf32, #tpu.memory_space<vmem>>, %arg11: memref<80x128xf32, #tpu.memory_space<vmem>>, %arg12: memref<80x128xf32, #tpu.memory_space<vmem>>, %arg13: memref<!tpu.dma_semaphore, #tpu.memory_space<semaphore_mem>>, %arg14: memref<!tpu.dma_semaphore, #tpu.memory_space<semaphore_mem>>, %arg15: memref<!tpu.dma_semaphore, #tpu.memory_space<semaphore_mem>>, %arg16: memref<!tpu.dma_semaphore, #tpu.memory_space<semaphore_mem>>) attributes {dimension_semantics = [#tpu.dimension_semantics<core_parallel>, #tpu.dimension_semantics<subcore_parallel>], iteration_bounds = array<i64: 2, 16>, scalar_prefetch = 0 : i64, scratch_operands = 10 : i64, tpu.core_type = #tpu.core_type<sc_vector_subcore>, window_params = [{transform_indices = #map}, {transform_indices = #map}, {transform_indices = #map1}, {transform_indices = #map1}, {transform_indices = #map}]} {
    %mul3A = arith.constant 2 : i32
    %mul3A_0 = arith.muli %arg1, %mul3A : i32
    %add3A = arith.addi %mul3A_0, %arg0 : i32
    %mul3A_1 = arith.constant 10000 : i32
    %mul3A_2 = arith.muli %add3A, %mul3A_1 : i32
    "tpu.region"() ({
      %run_scoped3A = tpu.sem_alloc : memref<!tpu.dma_semaphore, #tpu.memory_space<semaphore_mem>>
      %dma_start3A_54 = tpu.memref_slice %arg4[%mul3A_2] : memref<320000xi32, #tpu.memory_space<hbm>> -> memref<10000xi32, #tpu.memory_space<hbm>>
      %dma_start3A_55 = tpu.memref_slice %arg4[%mul3A_2] : memref<320000xi32, #tpu.memory_space<hbm>> -> memref<10000xi32, #tpu.memory_space<hbm>>
      tpu.enqueue_dma source(%dma_start3A_55 : memref<10000xi32, #tpu.memory_space<hbm>>) target(%arg7 : memref<10000xi32, #tpu.memory_space<vmem>>) target_semaphore(%run_scoped3A : memref<!tpu.dma_semaphore, #tpu.memory_space<semaphore_mem>>)
      %dma_wait3A_56 = tpu.memref_slice %arg4[%mul3A_2] : memref<320000xi32, #tpu.memory_space<hbm>> -> memref<10000xi32, #tpu.memory_space<hbm>>
      %dma_wait3A_57 = tpu.memref_slice %arg4[%mul3A_2] : memref<320000xi32, #tpu.memory_space<hbm>> -> memref<10000xi32, #tpu.memory_space<hbm>>
      tpu.wait_dma2 semaphore(%run_scoped3A : memref<!tpu.dma_semaphore, #tpu.memory_space<semaphore_mem>>) src(%dma_wait3A_57 : memref<10000xi32, #tpu.memory_space<hbm>>) dst(%arg7 : memref<10000xi32, #tpu.memory_space<vmem>>)
      tpu.yield
    }) : () -> ()
    "tpu.region"() ({
      %run_scoped3A = tpu.sem_alloc : memref<!tpu.dma_semaphore, #tpu.memory_space<semaphore_mem>>
      %dma_start3A_54 = tpu.memref_slice %arg5[%mul3A_2] : memref<320000xi32, #tpu.memory_space<hbm>> -> memref<10000xi32, #tpu.memory_space<hbm>>
      %dma_start3A_55 = tpu.memref_slice %arg5[%mul3A_2] : memref<320000xi32, #tpu.memory_space<hbm>> -> memref<10000xi32, #tpu.memory_space<hbm>>
      tpu.enqueue_dma source(%dma_start3A_55 : memref<10000xi32, #tpu.memory_space<hbm>>) target(%arg8 : memref<10000xi32, #tpu.memory_space<vmem>>) target_semaphore(%run_scoped3A : memref<!tpu.dma_semaphore, #tpu.memory_space<semaphore_mem>>)
      %dma_wait3A_56 = tpu.memref_slice %arg5[%mul3A_2] : memref<320000xi32, #tpu.memory_space<hbm>> -> memref<10000xi32, #tpu.memory_space<hbm>>
      %dma_wait3A_57 = tpu.memref_slice %arg5[%mul3A_2] : memref<320000xi32, #tpu.memory_space<hbm>> -> memref<10000xi32, #tpu.memory_space<hbm>>
      tpu.wait_dma2 semaphore(%run_scoped3A : memref<!tpu.dma_semaphore, #tpu.memory_space<semaphore_mem>>) src(%dma_wait3A_57 : memref<10000xi32, #tpu.memory_space<hbm>>) dst(%arg8 : memref<10000xi32, #tpu.memory_space<vmem>>)
      tpu.yield
    }) : () -> ()
    %dma_start3A = arith.constant 0 : i32
    %dma_start3A_3 = tpu.memref_slice %arg7[%dma_start3A] : memref<10000xi32, #tpu.memory_space<vmem>> -> memref<80xi32, #tpu.memory_space<vmem>>
    %dma_start3A_4 = arith.constant 0 : i32
    %dma_start3A_5 = arith.constant 0 : i32
    %dma_start3A_6 = tpu.memref_slice %arg2[%dma_start3A_4, %dma_start3A_5] : memref<10000x128xf32, #tpu.memory_space<hbm>> -> memref<10000x128xf32, #tpu.memory_space<hbm>>
    tpu.enqueue_indirect_dma source(%dma_start3A_6 : memref<10000x128xf32, #tpu.memory_space<hbm>>) target(%arg9 : memref<80x128xf32, #tpu.memory_space<vmem>>) offsets(%dma_start3A_3 : memref<80xi32, #tpu.memory_space<vmem>>) semaphore(%arg13 : memref<!tpu.dma_semaphore, #tpu.memory_space<semaphore_mem>>)
    %dma_start3A_7 = arith.constant 0 : i32
    %dma_start3A_8 = tpu.memref_slice %arg8[%dma_start3A_7] : memref<10000xi32, #tpu.memory_space<vmem>> -> memref<80xi32, #tpu.memory_space<vmem>>
    %dma_start3A_9 = arith.constant 0 : i32
    %dma_start3A_10 = arith.constant 0 : i32
    %dma_start3A_11 = tpu.memref_slice %arg3[%dma_start3A_9, %dma_start3A_10] : memref<10000x128xf32, #tpu.memory_space<hbm>> -> memref<10000x128xf32, #tpu.memory_space<hbm>>
    tpu.enqueue_indirect_dma source(%dma_start3A_11 : memref<10000x128xf32, #tpu.memory_space<hbm>>) target(%arg10 : memref<80x128xf32, #tpu.memory_space<vmem>>) offsets(%dma_start3A_8 : memref<80xi32, #tpu.memory_space<vmem>>) semaphore(%arg13 : memref<!tpu.dma_semaphore, #tpu.memory_space<semaphore_mem>>)
    %dma_start3A_12 = arith.constant 80 : i32
    %dma_start3A_13 = tpu.memref_slice %arg7[%dma_start3A_12] : memref<10000xi32, #tpu.memory_space<vmem>> -> memref<80xi32, #tpu.memory_space<vmem>>
    %dma_start3A_14 = arith.constant 0 : i32
    %dma_start3A_15 = arith.constant 0 : i32
    %dma_start3A_16 = tpu.memref_slice %arg2[%dma_start3A_14, %dma_start3A_15] : memref<10000x128xf32, #tpu.memory_space<hbm>> -> memref<10000x128xf32, #tpu.memory_space<hbm>>
    tpu.enqueue_indirect_dma source(%dma_start3A_16 : memref<10000x128xf32, #tpu.memory_space<hbm>>) target(%arg11 : memref<80x128xf32, #tpu.memory_space<vmem>>) offsets(%dma_start3A_13 : memref<80xi32, #tpu.memory_space<vmem>>) semaphore(%arg14 : memref<!tpu.dma_semaphore, #tpu.memory_space<semaphore_mem>>)
    %dma_start3A_17 = arith.constant 80 : i32
    %dma_start3A_18 = tpu.memref_slice %arg8[%dma_start3A_17] : memref<10000xi32, #tpu.memory_space<vmem>> -> memref<80xi32, #tpu.memory_space<vmem>>
    %dma_start3A_19 = arith.constant 0 : i32
    %dma_start3A_20 = arith.constant 0 : i32
    %dma_start3A_21 = tpu.memref_slice %arg3[%dma_start3A_19, %dma_start3A_20] : memref<10000x128xf32, #tpu.memory_space<hbm>> -> memref<10000x128xf32, #tpu.memory_space<hbm>>
    tpu.enqueue_indirect_dma source(%dma_start3A_21 : memref<10000x128xf32, #tpu.memory_space<hbm>>) target(%arg12 : memref<80x128xf32, #tpu.memory_space<vmem>>) offsets(%dma_start3A_18 : memref<80xi32, #tpu.memory_space<vmem>>) semaphore(%arg14 : memref<!tpu.dma_semaphore, #tpu.memory_space<semaphore_mem>>)
    %scan3A = arith.constant 0 : i32
    %scan3A_22 = arith.constant 0 : i32
    %scan3A_23 = arith.constant 62 : i32
    %scan3A_24 = arith.addi %scan3A_22, %scan3A_23 : i32
    %scan3A_25 = arith.constant 1 : i32
    scf.for %scan3A_54 = %scan3A_22 to %scan3A_24 step %scan3A_25  : i32 {
      %mul3A_55 = arith.constant 2 : i32
      %mul3A_56 = arith.muli %mul3A_55, %scan3A_54 : i32
      %mul3A_57 = arith.constant 80 : i32
      %mul3A_58 = arith.muli %mul3A_56, %mul3A_57 : i32
      %add3A_59 = arith.addi %mul3A_2, %mul3A_58 : i32
      %mul3A_60 = arith.constant 80 : i32
      %mul3A_61 = arith.muli %mul3A_56, %mul3A_60 : i32
      %dma_wait3A_62 = tpu.memref_slice %arg7[%mul3A_61] : memref<10000xi32, #tpu.memory_space<vmem>> -> memref<80xi32, #tpu.memory_space<vmem>>
      %dma_wait3A_63 = arith.constant 0 : i32
      %dma_wait3A_64 = arith.constant 0 : i32
      %dma_wait3A_65 = tpu.memref_slice %arg2[%dma_wait3A_63, %dma_wait3A_64] : memref<10000x128xf32, #tpu.memory_space<hbm>> -> memref<10000x128xf32, #tpu.memory_space<hbm>>
      tpu.wait_indirect_dma semaphore(%arg13 : memref<!tpu.dma_semaphore, #tpu.memory_space<semaphore_mem>>) src(%dma_wait3A_65 : memref<10000x128xf32, #tpu.memory_space<hbm>>) dst(%arg9 : memref<80x128xf32, #tpu.memory_space<vmem>>)
      %mul3A_66 = arith.constant 80 : i32
      %mul3A_67 = arith.muli %mul3A_56, %mul3A_66 : i32
      %dma_wait3A_68 = tpu.memref_slice %arg8[%mul3A_67] : memref<10000xi32, #tpu.memory_space<vmem>> -> memref<80xi32, #tpu.memory_space<vmem>>
      %dma_wait3A_69 = arith.constant 0 : i32
      %dma_wait3A_70 = arith.constant 0 : i32
      %dma_wait3A_71 = tpu.memref_slice %arg3[%dma_wait3A_69, %dma_wait3A_70] : memref<10000x128xf32, #tpu.memory_space<hbm>> -> memref<10000x128xf32, #tpu.memory_space<hbm>>
      tpu.wait_indirect_dma semaphore(%arg13 : memref<!tpu.dma_semaphore, #tpu.memory_space<semaphore_mem>>) src(%dma_wait3A_71 : memref<10000x128xf32, #tpu.memory_space<hbm>>) dst(%arg10 : memref<80x128xf32, #tpu.memory_space<vmem>>)
      %scan3A_72 = arith.constant 0 : i32
      %scan3A_73 = arith.constant 0 : i32
      %scan3A_74 = arith.constant 80 : i32
      %scan3A_75 = arith.addi %scan3A_73, %scan3A_74 : i32
      %scan3A_76 = arith.constant 1 : i32
      scf.for %scan3A_141 = %scan3A_73 to %scan3A_75 step %scan3A_76  : i32 {
        %get3A = arith.index_cast %scan3A_141 : i32 to index
        %get3A_142 = arith.constant 0 : index
        %get3A_143 = tpu.vector_load %arg9[%get3A, %get3A_142] {strides = array<i32>} : memref<80x128xf32, #tpu.memory_space<vmem>>, vector<1x16xf32>,
        %get3A_144 = vector.shape_cast %get3A_143 : vector<1x16xf32> to vector<16xf32>
        %get3A_145 = arith.index_cast %scan3A_141 : i32 to index
        %get3A_146 = arith.constant 0 : index
        %get3A_147 = tpu.vector_load %arg10[%get3A_145, %get3A_146] {strides = array<i32>} : memref<80x128xf32, #tpu.memory_space<vmem>>, vector<1x16xf32>,
        %get3A_148 = vector.shape_cast %get3A_147 : vector<1x16xf32> to vector<16xf32>
        %add3A_149 = arith.addf %get3A_144, %get3A_148 : vector<16xf32>
        %swap3A = arith.index_cast %scan3A_141 : i32 to index
        %swap3A_150 = arith.constant 0 : index
        %swap3A_151 = tpu.vector_load %arg9[%swap3A, %swap3A_150] {strides = array<i32>} : memref<80x128xf32, #tpu.memory_space<vmem>>, vector<1x16xf32>,
        %swap3A_152 = vector.shape_cast %swap3A_151 : vector<1x16xf32> to vector<16xf32>
        %swap3A_153 = vector.shape_cast %add3A_149 : vector<16xf32> to vector<1x16xf32>
        tpu.vector_store %arg9[%swap3A, %swap3A_150], %swap3A_153 {strides = array<i32>} : memref<80x128xf32, #tpu.memory_space<vmem>>, vector<1x16xf32>,
        %get3A_154 = arith.index_cast %scan3A_141 : i32 to index
        %get3A_155 = arith.constant 16 : index
        %get3A_156 = tpu.vector_load %arg9[%get3A_154, %get3A_155] {strides = array<i32>} : memref<80x128xf32, #tpu.memory_space<vmem>>, vector<1x16xf32>,
        %get3A_157 = vector.shape_cast %get3A_156 : vector<1x16xf32> to vector<16xf32>
        %get3A_158 = arith.index_cast %scan3A_141 : i32 to index
        %get3A_159 = arith.constant 16 : index
        %get3A_160 = tpu.vector_load %arg10[%get3A_158, %get3A_159] {strides = array<i32>} : memref<80x128xf32, #tpu.memory_space<vmem>>, vector<1x16xf32>,
        %get3A_161 = vector.shape_cast %get3A_160 : vector<1x16xf32> to vector<16xf32>
        %add3A_162 = arith.addf %get3A_157, %get3A_161 : vector<16xf32>
        %swap3A_163 = arith.index_cast %scan3A_141 : i32 to index
        %swap3A_164 = arith.constant 16 : index
        %swap3A_165 = tpu.vector_load %arg9[%swap3A_163, %swap3A_164] {strides = array<i32>} : memref<80x128xf32, #tpu.memory_space<vmem>>, vector<1x16xf32>,
        %swap3A_166 = vector.shape_cast %swap3A_165 : vector<1x16xf32> to vector<16xf32>
        %swap3A_167 = vector.shape_cast %add3A_162 : vector<16xf32> to vector<1x16xf32>
        tpu.vector_store %arg9[%swap3A_163, %swap3A_164], %swap3A_167 {strides = array<i32>} : memref<80x128xf32, #tpu.memory_space<vmem>>, vector<1x16xf32>,
        %get3A_168 = arith.index_cast %scan3A_141 : i32 to index
        %get3A_169 = arith.constant 32 : index
        %get3A_170 = tpu.vector_load %arg9[%get3A_168, %get3A_169] {strides = array<i32>} : memref<80x128xf32, #tpu.memory_space<vmem>>, vector<1x16xf32>,
        %get3A_171 = vector.shape_cast %get3A_170 : vector<1x16xf32> to vector<16xf32>
        %get3A_172 = arith.index_cast %scan3A_141 : i32 to index
        %get3A_173 = arith.constant 32 : index
        %get3A_174 = tpu.vector_load %arg10[%get3A_172, %get3A_173] {strides = array<i32>} : memref<80x128xf32, #tpu.memory_space<vmem>>, vector<1x16xf32>,
        %get3A_175 = vector.shape_cast %get3A_174 : vector<1x16xf32> to vector<16xf32>
        %add3A_176 = arith.addf %get3A_171, %get3A_175 : vector<16xf32>
        %swap3A_177 = arith.index_cast %scan3A_141 : i32 to index
        %swap3A_178 = arith.constant 32 : index
        %swap3A_179 = tpu.vector_load %arg9[%swap3A_177, %swap3A_178] {strides = array<i32>} : memref<80x128xf32, #tpu.memory_space<vmem>>, vector<1x16xf32>,
        %swap3A_180 = vector.shape_cast %swap3A_179 : vector<1x16xf32> to vector<16xf32>
        %swap3A_181 = vector.shape_cast %add3A_176 : vector<16xf32> to vector<1x16xf32>
        tpu.vector_store %arg9[%swap3A_177, %swap3A_178], %swap3A_181 {strides = array<i32>} : memref<80x128xf32, #tpu.memory_space<vmem>>, vector<1x16xf32>,
        %get3A_182 = arith.index_cast %scan3A_141 : i32 to index
        %get3A_183 = arith.constant 48 : index
        %get3A_184 = tpu.vector_load %arg9[%get3A_182, %get3A_183] {strides = array<i32>} : memref<80x128xf32, #tpu.memory_space<vmem>>, vector<1x16xf32>,
        %get3A_185 = vector.shape_cast %get3A_184 : vector<1x16xf32> to vector<16xf32>
        %get3A_186 = arith.index_cast %scan3A_141 : i32 to index
        %get3A_187 = arith.constant 48 : index
        %get3A_188 = tpu.vector_load %arg10[%get3A_186, %get3A_187] {strides = array<i32>} : memref<80x128xf32, #tpu.memory_space<vmem>>, vector<1x16xf32>,
        %get3A_189 = vector.shape_cast %get3A_188 : vector<1x16xf32> to vector<16xf32>
        %add3A_190 = arith.addf %get3A_185, %get3A_189 : vector<16xf32>
        %swap3A_191 = arith.index_cast %scan3A_141 : i32 to index
        %swap3A_192 = arith.constant 48 : index
        %swap3A_193 = tpu.vector_load %arg9[%swap3A_191, %swap3A_192] {strides = array<i32>} : memref<80x128xf32, #tpu.memory_space<vmem>>, vector<1x16xf32>,
        %swap3A_194 = vector.shape_cast %swap3A_193 : vector<1x16xf32> to vector<16xf32>
        %swap3A_195 = vector.shape_cast %add3A_190 : vector<16xf32> to vector<1x16xf32>
        tpu.vector_store %arg9[%swap3A_191, %swap3A_192], %swap3A_195 {strides = array<i32>} : memref<80x128xf32, #tpu.memory_space<vmem>>, vector<1x16xf32>,
        %get3A_196 = arith.index_cast %scan3A_141 : i32 to index
        %get3A_197 = arith.constant 64 : index
        %get3A_198 = tpu.vector_load %arg9[%get3A_196, %get3A_197] {strides = array<i32>} : memref<80x128xf32, #tpu.memory_space<vmem>>, vector<1x16xf32>,
        %get3A_199 = vector.shape_cast %get3A_198 : vector<1x16xf32> to vector<16xf32>
        %get3A_200 = arith.index_cast %scan3A_141 : i32 to index
        %get3A_201 = arith.constant 64 : index
        %get3A_202 = tpu.vector_load %arg10[%get3A_200, %get3A_201] {strides = array<i32>} : memref<80x128xf32, #tpu.memory_space<vmem>>, vector<1x16xf32>,
        %get3A_203 = vector.shape_cast %get3A_202 : vector<1x16xf32> to vector<16xf32>
        %add3A_204 = arith.addf %get3A_199, %get3A_203 : vector<16xf32>
        %swap3A_205 = arith.index_cast %scan3A_141 : i32 to index
        %swap3A_206 = arith.constant 64 : index
        %swap3A_207 = tpu.vector_load %arg9[%swap3A_205, %swap3A_206] {strides = array<i32>} : memref<80x128xf32, #tpu.memory_space<vmem>>, vector<1x16xf32>,
        %swap3A_208 = vector.shape_cast %swap3A_207 : vector<1x16xf32> to vector<16xf32>
        %swap3A_209 = vector.shape_cast %add3A_204 : vector<16xf32> to vector<1x16xf32>
        tpu.vector_store %arg9[%swap3A_205, %swap3A_206], %swap3A_209 {strides = array<i32>} : memref<80x128xf32, #tpu.memory_space<vmem>>, vector<1x16xf32>,
        %get3A_210 = arith.index_cast %scan3A_141 : i32 to index
        %get3A_211 = arith.constant 80 : index
        %get3A_212 = tpu.vector_load %arg9[%get3A_210, %get3A_211] {strides = array<i32>} : memref<80x128xf32, #tpu.memory_space<vmem>>, vector<1x16xf32>,
        %get3A_213 = vector.shape_cast %get3A_212 : vector<1x16xf32> to vector<16xf32>
        %get3A_214 = arith.index_cast %scan3A_141 : i32 to index
        %get3A_215 = arith.constant 80 : index
        %get3A_216 = tpu.vector_load %arg10[%get3A_214, %get3A_215] {strides = array<i32>} : memref<80x128xf32, #tpu.memory_space<vmem>>, vector<1x16xf32>,
        %get3A_217 = vector.shape_cast %get3A_216 : vector<1x16xf32> to vector<16xf32>
        %add3A_218 = arith.addf %get3A_213, %get3A_217 : vector<16xf32>
        %swap3A_219 = arith.index_cast %scan3A_141 : i32 to index
        %swap3A_220 = arith.constant 80 : index
        %swap3A_221 = tpu.vector_load %arg9[%swap3A_219, %swap3A_220] {strides = array<i32>} : memref<80x128xf32, #tpu.memory_space<vmem>>, vector<1x16xf32>,
        %swap3A_222 = vector.shape_cast %swap3A_221 : vector<1x16xf32> to vector<16xf32>
        %swap3A_223 = vector.shape_cast %add3A_218 : vector<16xf32> to vector<1x16xf32>
        tpu.vector_store %arg9[%swap3A_219, %swap3A_220], %swap3A_223 {strides = array<i32>} : memref<80x128xf32, #tpu.memory_space<vmem>>, vector<1x16xf32>,
        %get3A_224 = arith.index_cast %scan3A_141 : i32 to index
        %get3A_225 = arith.constant 96 : index
        %get3A_226 = tpu.vector_load %arg9[%get3A_224, %get3A_225] {strides = array<i32>} : memref<80x128xf32, #tpu.memory_space<vmem>>, vector<1x16xf32>,
        %get3A_227 = vector.shape_cast %get3A_226 : vector<1x16xf32> to vector<16xf32>
        %get3A_228 = arith.index_cast %scan3A_141 : i32 to index
        %get3A_229 = arith.constant 96 : index
        %get3A_230 = tpu.vector_load %arg10[%get3A_228, %get3A_229] {strides = array<i32>} : memref<80x128xf32, #tpu.memory_space<vmem>>, vector<1x16xf32>,
        %get3A_231 = vector.shape_cast %get3A_230 : vector<1x16xf32> to vector<16xf32>
        %add3A_232 = arith.addf %get3A_227, %get3A_231 : vector<16xf32>
        %swap3A_233 = arith.index_cast %scan3A_141 : i32 to index
        %swap3A_234 = arith.constant 96 : index
        %swap3A_235 = tpu.vector_load %arg9[%swap3A_233, %swap3A_234] {strides = array<i32>} : memref<80x128xf32, #tpu.memory_space<vmem>>, vector<1x16xf32>,
        %swap3A_236 = vector.shape_cast %swap3A_235 : vector<1x16xf32> to vector<16xf32>
        %swap3A_237 = vector.shape_cast %add3A_232 : vector<16xf32> to vector<1x16xf32>
        tpu.vector_store %arg9[%swap3A_233, %swap3A_234], %swap3A_237 {strides = array<i32>} : memref<80x128xf32, #tpu.memory_space<vmem>>, vector<1x16xf32>,
        %get3A_238 = arith.index_cast %scan3A_141 : i32 to index
        %get3A_239 = arith.constant 112 : index
        %get3A_240 = tpu.vector_load %arg9[%get3A_238, %get3A_239] {strides = array<i32>} : memref<80x128xf32, #tpu.memory_space<vmem>>, vector<1x16xf32>,
        %get3A_241 = vector.shape_cast %get3A_240 : vector<1x16xf32> to vector<16xf32>
        %get3A_242 = arith.index_cast %scan3A_141 : i32 to index
        %get3A_243 = arith.constant 112 : index
        %get3A_244 = tpu.vector_load %arg10[%get3A_242, %get3A_243] {strides = array<i32>} : memref<80x128xf32, #tpu.memory_space<vmem>>, vector<1x16xf32>,
        %get3A_245 = vector.shape_cast %get3A_244 : vector<1x16xf32> to vector<16xf32>
        %add3A_246 = arith.addf %get3A_241, %get3A_245 : vector<16xf32>
        %swap3A_247 = arith.index_cast %scan3A_141 : i32 to index
        %swap3A_248 = arith.constant 112 : index
        %swap3A_249 = tpu.vector_load %arg9[%swap3A_247, %swap3A_248] {strides = array<i32>} : memref<80x128xf32, #tpu.memory_space<vmem>>, vector<1x16xf32>,
        %swap3A_250 = vector.shape_cast %swap3A_249 : vector<1x16xf32> to vector<16xf32>
        %swap3A_251 = vector.shape_cast %add3A_246 : vector<16xf32> to vector<1x16xf32>
        tpu.vector_store %arg9[%swap3A_247, %swap3A_248], %swap3A_251 {strides = array<i32>} : memref<80x128xf32, #tpu.memory_space<vmem>>, vector<1x16xf32>,
      }
      %scan3A_77 = arith.constant 80 : i32
      %dma_start3A_78 = arith.constant 0 : i32
      %dma_start3A_79 = tpu.memref_slice %arg6[%add3A_59, %dma_start3A_78] : memref<320000x128xf32, #tpu.memory_space<hbm>> -> memref<80x128xf32, #tpu.memory_space<hbm>>
      %dma_start3A_80 = arith.constant 0 : i32
      %dma_start3A_81 = tpu.memref_slice %arg6[%add3A_59, %dma_start3A_80] : memref<320000x128xf32, #tpu.memory_space<hbm>> -> memref<80x128xf32, #tpu.memory_space<hbm>>
      tpu.enqueue_dma source(%arg9 : memref<80x128xf32, #tpu.memory_space<vmem>>) target(%dma_start3A_81 : memref<80x128xf32, #tpu.memory_space<hbm>>) target_semaphore(%arg15 : memref<!tpu.dma_semaphore, #tpu.memory_space<semaphore_mem>>)
      %add3A_82 = arith.constant 1 : i32
      %add3A_83 = arith.addi %mul3A_56, %add3A_82 : i32
      %mul3A_84 = arith.constant 80 : i32
      %mul3A_85 = arith.muli %add3A_83, %mul3A_84 : i32
      %add3A_86 = arith.addi %mul3A_2, %mul3A_85 : i32
      %mul3A_87 = arith.constant 80 : i32
      %mul3A_88 = arith.muli %add3A_83, %mul3A_87 : i32
      %dma_wait3A_89 = tpu.memref_slice %arg7[%mul3A_88] : memref<10000xi32, #tpu.memory_space<vmem>> -> memref<80xi32, #tpu.memory_space<vmem>>
      %dma_wait3A_90 = arith.constant 0 : i32
      %dma_wait3A_91 = arith.constant 0 : i32
      %dma_wait3A_92 = tpu.memref_slice %arg2[%dma_wait3A_90, %dma_wait3A_91] : memref<10000x128xf32, #tpu.memory_space<hbm>> -> memref<10000x128xf32, #tpu.memory_space<hbm>>
      tpu.wait_indirect_dma semaphore(%arg14 : memref<!tpu.dma_semaphore, #tpu.memory_space<semaphore_mem>>) src(%dma_wait3A_92 : memref<10000x128xf32, #tpu.memory_space<hbm>>) dst(%arg11 : memref<80x128xf32, #tpu.memory_space<vmem>>)
      %mul3A_93 = arith.constant 80 : i32
      %mul3A_94 = arith.muli %add3A_83, %mul3A_93 : i32
      %dma_wait3A_95 = tpu.memref_slice %arg8[%mul3A_94] : memref<10000xi32, #tpu.memory_space<vmem>> -> memref<80xi32, #tpu.memory_space<vmem>>
      %dma_wait3A_96 = arith.constant 0 : i32
      %dma_wait3A_97 = arith.constant 0 : i32
      %dma_wait3A_98 = tpu.memref_slice %arg3[%dma_wait3A_96, %dma_wait3A_97] : memref<10000x128xf32, #tpu.memory_space<hbm>> -> memref<10000x128xf32, #tpu.memory_space<hbm>>
      tpu.wait_indirect_dma semaphore(%arg14 : memref<!tpu.dma_semaphore, #tpu.memory_space<semaphore_mem>>) src(%dma_wait3A_98 : memref<10000x128xf32, #tpu.memory_space<hbm>>) dst(%arg12 : memref<80x128xf32, #tpu.memory_space<vmem>>)
      %scan3A_99 = arith.constant 0 : i32
      %scan3A_100 = arith.constant 0 : i32
      %scan3A_101 = arith.constant 80 : i32
      %scan3A_102 = arith.addi %scan3A_100, %scan3A_101 : i32
      %scan3A_103 = arith.constant 1 : i32
      scf.for %scan3A_141 = %scan3A_100 to %scan3A_102 step %scan3A_103  : i32 {
        %get3A = arith.index_cast %scan3A_141 : i32 to index
        %get3A_142 = arith.constant 0 : index
        %get3A_143 = tpu.vector_load %arg11[%get3A, %get3A_142] {strides = array<i32>} : memref<80x128xf32, #tpu.memory_space<vmem>>, vector<1x16xf32>,
        %get3A_144 = vector.shape_cast %get3A_143 : vector<1x16xf32> to vector<16xf32>
        %get3A_145 = arith.index_cast %scan3A_141 : i32 to index
        %get3A_146 = arith.constant 0 : index
        %get3A_147 = tpu.vector_load %arg12[%get3A_145, %get3A_146] {strides = array<i32>} : memref<80x128xf32, #tpu.memory_space<vmem>>, vector<1x16xf32>,
        %get3A_148 = vector.shape_cast %get3A_147 : vector<1x16xf32> to vector<16xf32>
        %add3A_149 = arith.addf %get3A_144, %get3A_148 : vector<16xf32>
        %swap3A = arith.index_cast %scan3A_141 : i32 to index
        %swap3A_150 = arith.constant 0 : index
        %swap3A_151 = tpu.vector_load %arg11[%swap3A, %swap3A_150] {strides = array<i32>} : memref<80x128xf32, #tpu.memory_space<vmem>>, vector<1x16xf32>,
        %swap3A_152 = vector.shape_cast %swap3A_151 : vector<1x16xf32> to vector<16xf32>
        %swap3A_153 = vector.shape_cast %add3A_149 : vector<16xf32> to vector<1x16xf32>
        tpu.vector_store %arg11[%swap3A, %swap3A_150], %swap3A_153 {strides = array<i32>} : memref<80x128xf32, #tpu.memory_space<vmem>>, vector<1x16xf32>,
        %get3A_154 = arith.index_cast %scan3A_141 : i32 to index
        %get3A_155 = arith.constant 16 : index
        %get3A_156 = tpu.vector_load %arg11[%get3A_154, %get3A_155] {strides = array<i32>} : memref<80x128xf32, #tpu.memory_space<vmem>>, vector<1x16xf32>,
        %get3A_157 = vector.shape_cast %get3A_156 : vector<1x16xf32> to vector<16xf32>
        %get3A_158 = arith.index_cast %scan3A_141 : i32 to index
        %get3A_159 = arith.constant 16 : index
        %get3A_160 = tpu.vector_load %arg12[%get3A_158, %get3A_159] {strides = array<i32>} : memref<80x128xf32, #tpu.memory_space<vmem>>, vector<1x16xf32>,
        %get3A_161 = vector.shape_cast %get3A_160 : vector<1x16xf32> to vector<16xf32>
        %add3A_162 = arith.addf %get3A_157, %get3A_161 : vector<16xf32>
        %swap3A_163 = arith.index_cast %scan3A_141 : i32 to index
        %swap3A_164 = arith.constant 16 : index
        %swap3A_165 = tpu.vector_load %arg11[%swap3A_163, %swap3A_164] {strides = array<i32>} : memref<80x128xf32, #tpu.memory_space<vmem>>, vector<1x16xf32>,
        %swap3A_166 = vector.shape_cast %swap3A_165 : vector<1x16xf32> to vector<16xf32>
        %swap3A_167 = vector.shape_cast %add3A_162 : vector<16xf32> to vector<1x16xf32>
        tpu.vector_store %arg11[%swap3A_163, %swap3A_164], %swap3A_167 {strides = array<i32>} : memref<80x128xf32, #tpu.memory_space<vmem>>, vector<1x16xf32>,
        %get3A_168 = arith.index_cast %scan3A_141 : i32 to index
        %get3A_169 = arith.constant 32 : index
        %get3A_170 = tpu.vector_load %arg11[%get3A_168, %get3A_169] {strides = array<i32>} : memref<80x128xf32, #tpu.memory_space<vmem>>, vector<1x16xf32>,
        %get3A_171 = vector.shape_cast %get3A_170 : vector<1x16xf32> to vector<16xf32>
        %get3A_172 = arith.index_cast %scan3A_141 : i32 to index
        %get3A_173 = arith.constant 32 : index
        %get3A_174 = tpu.vector_load %arg12[%get3A_172, %get3A_173] {strides = array<i32>} : memref<80x128xf32, #tpu.memory_space<vmem>>, vector<1x16xf32>,
        %get3A_175 = vector.shape_cast %get3A_174 : vector<1x16xf32> to vector<16xf32>
        %add3A_176 = arith.addf %get3A_171, %get3A_175 : vector<16xf32>
        %swap3A_177 = arith.index_cast %scan3A_141 : i32 to index
        %swap3A_178 = arith.constant 32 : index
        %swap3A_179 = tpu.vector_load %arg11[%swap3A_177, %swap3A_178] {strides = array<i32>} : memref<80x128xf32, #tpu.memory_space<vmem>>, vector<1x16xf32>,
        %swap3A_180 = vector.shape_cast %swap3A_179 : vector<1x16xf32> to vector<16xf32>
        %swap3A_181 = vector.shape_cast %add3A_176 : vector<16xf32> to vector<1x16xf32>
        tpu.vector_store %arg11[%swap3A_177, %swap3A_178], %swap3A_181 {strides = array<i32>} : memref<80x128xf32, #tpu.memory_space<vmem>>, vector<1x16xf32>,
        %get3A_182 = arith.index_cast %scan3A_141 : i32 to index
        %get3A_183 = arith.constant 48 : index
        %get3A_184 = tpu.vector_load %arg11[%get3A_182, %get3A_183] {strides = array<i32>} : memref<80x128xf32, #tpu.memory_space<vmem>>, vector<1x16xf32>,
        %get3A_185 = vector.shape_cast %get3A_184 : vector<1x16xf32> to vector<16xf32>
        %get3A_186 = arith.index_cast %scan3A_141 : i32 to index
        %get3A_187 = arith.constant 48 : index
        %get3A_188 = tpu.vector_load %arg12[%get3A_186, %get3A_187] {strides = array<i32>} : memref<80x128xf32, #tpu.memory_space<vmem>>, vector<1x16xf32>,
        %get3A_189 = vector.shape_cast %get3A_188 : vector<1x16xf32> to vector<16xf32>
        %add3A_190 = arith.addf %get3A_185, %get3A_189 : vector<16xf32>
        %swap3A_191 = arith.index_cast %scan3A_141 : i32 to index
        %swap3A_192 = arith.constant 48 : index
        %swap3A_193 = tpu.vector_load %arg11[%swap3A_191, %swap3A_192] {strides = array<i32>} : memref<80x128xf32, #tpu.memory_space<vmem>>, vector<1x16xf32>,
        %swap3A_194 = vector.shape_cast %swap3A_193 : vector<1x16xf32> to vector<16xf32>
        %swap3A_195 = vector.shape_cast %add3A_190 : vector<16xf32> to vector<1x16xf32>
        tpu.vector_store %arg11[%swap3A_191, %swap3A_192], %swap3A_195 {strides = array<i32>} : memref<80x128xf32, #tpu.memory_space<vmem>>, vector<1x16xf32>,
        %get3A_196 = arith.index_cast %scan3A_141 : i32 to index
        %get3A_197 = arith.constant 64 : index
        %get3A_198 = tpu.vector_load %arg11[%get3A_196, %get3A_197] {strides = array<i32>} : memref<80x128xf32, #tpu.memory_space<vmem>>, vector<1x16xf32>,
        %get3A_199 = vector.shape_cast %get3A_198 : vector<1x16xf32> to vector<16xf32>
        %get3A_200 = arith.index_cast %scan3A_141 : i32 to index
        %get3A_201 = arith.constant 64 : index
        %get3A_202 = tpu.vector_load %arg12[%get3A_200, %get3A_201] {strides = array<i32>} : memref<80x128xf32, #tpu.memory_space<vmem>>, vector<1x16xf32>,
        %get3A_203 = vector.shape_cast %get3A_202 : vector<1x16xf32> to vector<16xf32>
        %add3A_204 = arith.addf %get3A_199, %get3A_203 : vector<16xf32>
        %swap3A_205 = arith.index_cast %scan3A_141 : i32 to index
        %swap3A_206 = arith.constant 64 : index
        %swap3A_207 = tpu.vector_load %arg11[%swap3A_205, %swap3A_206] {strides = array<i32>} : memref<80x128xf32, #tpu.memory_space<vmem>>, vector<1x16xf32>,
        %swap3A_208 = vector.shape_cast %swap3A_207 : vector<1x16xf32> to vector<16xf32>
        %swap3A_209 = vector.shape_cast %add3A_204 : vector<16xf32> to vector<1x16xf32>
        tpu.vector_store %arg11[%swap3A_205, %swap3A_206], %swap3A_209 {strides = array<i32>} : memref<80x128xf32, #tpu.memory_space<vmem>>, vector<1x16xf32>,
        %get3A_210 = arith.index_cast %scan3A_141 : i32 to index
        %get3A_211 = arith.constant 80 : index
        %get3A_212 = tpu.vector_load %arg11[%get3A_210, %get3A_211] {strides = array<i32>} : memref<80x128xf32, #tpu.memory_space<vmem>>, vector<1x16xf32>,
        %get3A_213 = vector.shape_cast %get3A_212 : vector<1x16xf32> to vector<16xf32>
        %get3A_214 = arith.index_cast %scan3A_141 : i32 to index
        %get3A_215 = arith.constant 80 : index
        %get3A_216 = tpu.vector_load %arg12[%get3A_214, %get3A_215] {strides = array<i32>} : memref<80x128xf32, #tpu.memory_space<vmem>>, vector<1x16xf32>,
        %get3A_217 = vector.shape_cast %get3A_216 : vector<1x16xf32> to vector<16xf32>
        %add3A_218 = arith.addf %get3A_213, %get3A_217 : vector<16xf32>
        %swap3A_219 = arith.index_cast %scan3A_141 : i32 to index
        %swap3A_220 = arith.constant 80 : index
        %swap3A_221 = tpu.vector_load %arg11[%swap3A_219, %swap3A_220] {strides = array<i32>} : memref<80x128xf32, #tpu.memory_space<vmem>>, vector<1x16xf32>,
        %swap3A_222 = vector.shape_cast %swap3A_221 : vector<1x16xf32> to vector<16xf32>
        %swap3A_223 = vector.shape_cast %add3A_218 : vector<16xf32> to vector<1x16xf32>
        tpu.vector_store %arg11[%swap3A_219, %swap3A_220], %swap3A_223 {strides = array<i32>} : memref<80x128xf32, #tpu.memory_space<vmem>>, vector<1x16xf32>,
        %get3A_224 = arith.index_cast %scan3A_141 : i32 to index
        %get3A_225 = arith.constant 96 : index
        %get3A_226 = tpu.vector_load %arg11[%get3A_224, %get3A_225] {strides = array<i32>} : memref<80x128xf32, #tpu.memory_space<vmem>>, vector<1x16xf32>,
        %get3A_227 = vector.shape_cast %get3A_226 : vector<1x16xf32> to vector<16xf32>
        %get3A_228 = arith.index_cast %scan3A_141 : i32 to index
        %get3A_229 = arith.constant 96 : index
        %get3A_230 = tpu.vector_load %arg12[%get3A_228, %get3A_229] {strides = array<i32>} : memref<80x128xf32, #tpu.memory_space<vmem>>, vector<1x16xf32>,
        %get3A_231 = vector.shape_cast %get3A_230 : vector<1x16xf32> to vector<16xf32>
        %add3A_232 = arith.addf %get3A_227, %get3A_231 : vector<16xf32>
        %swap3A_233 = arith.index_cast %scan3A_141 : i32 to index
        %swap3A_234 = arith.constant 96 : index
        %swap3A_235 = tpu.vector_load %arg11[%swap3A_233, %swap3A_234] {strides = array<i32>} : memref<80x128xf32, #tpu.memory_space<vmem>>, vector<1x16xf32>,
        %swap3A_236 = vector.shape_cast %swap3A_235 : vector<1x16xf32> to vector<16xf32>
        %swap3A_237 = vector.shape_cast %add3A_232 : vector<16xf32> to vector<1x16xf32>
        tpu.vector_store %arg11[%swap3A_233, %swap3A_234], %swap3A_237 {strides = array<i32>} : memref<80x128xf32, #tpu.memory_space<vmem>>, vector<1x16xf32>,
        %get3A_238 = arith.index_cast %scan3A_141 : i32 to index
        %get3A_239 = arith.constant 112 : index
        %get3A_240 = tpu.vector_load %arg11[%get3A_238, %get3A_239] {strides = array<i32>} : memref<80x128xf32, #tpu.memory_space<vmem>>, vector<1x16xf32>,
        %get3A_241 = vector.shape_cast %get3A_240 : vector<1x16xf32> to vector<16xf32>
        %get3A_242 = arith.index_cast %scan3A_141 : i32 to index
        %get3A_243 = arith.constant 112 : index
        %get3A_244 = tpu.vector_load %arg12[%get3A_242, %get3A_243] {strides = array<i32>} : memref<80x128xf32, #tpu.memory_space<vmem>>, vector<1x16xf32>,
        %get3A_245 = vector.shape_cast %get3A_244 : vector<1x16xf32> to vector<16xf32>
        %add3A_246 = arith.addf %get3A_241, %get3A_245 : vector<16xf32>
        %swap3A_247 = arith.index_cast %scan3A_141 : i32 to index
        %swap3A_248 = arith.constant 112 : index
        %swap3A_249 = tpu.vector_load %arg11[%swap3A_247, %swap3A_248] {strides = array<i32>} : memref<80x128xf32, #tpu.memory_space<vmem>>, vector<1x16xf32>,
        %swap3A_250 = vector.shape_cast %swap3A_249 : vector<1x16xf32> to vector<16xf32>
        %swap3A_251 = vector.shape_cast %add3A_246 : vector<16xf32> to vector<1x16xf32>
        tpu.vector_store %arg11[%swap3A_247, %swap3A_248], %swap3A_251 {strides = array<i32>} : memref<80x128xf32, #tpu.memory_space<vmem>>, vector<1x16xf32>,
      }
      %scan3A_104 = arith.constant 80 : i32
      %dma_start3A_105 = arith.constant 0 : i32
      %dma_start3A_106 = tpu.memref_slice %arg6[%add3A_86, %dma_start3A_105] : memref<320000x128xf32, #tpu.memory_space<hbm>> -> memref<80x128xf32, #tpu.memory_space<hbm>>
      %dma_start3A_107 = arith.constant 0 : i32
      %dma_start3A_108 = tpu.memref_slice %arg6[%add3A_86, %dma_start3A_107] : memref<320000x128xf32, #tpu.memory_space<hbm>> -> memref<80x128xf32, #tpu.memory_space<hbm>>
      tpu.enqueue_dma source(%arg11 : memref<80x128xf32, #tpu.memory_space<vmem>>) target(%dma_start3A_108 : memref<80x128xf32, #tpu.memory_space<hbm>>) target_semaphore(%arg16 : memref<!tpu.dma_semaphore, #tpu.memory_space<semaphore_mem>>)
      %mul3A_109 = arith.constant 80 : i32
      %mul3A_110 = arith.muli %mul3A_56, %mul3A_109 : i32
      %add3A_111 = arith.addi %mul3A_2, %mul3A_110 : i32
      %dma_wait3A_112 = arith.constant 0 : i32
      %dma_wait3A_113 = tpu.memref_slice %arg6[%add3A_111, %dma_wait3A_112] : memref<320000x128xf32, #tpu.memory_space<hbm>> -> memref<80x128xf32, #tpu.memory_space<hbm>>
      %dma_wait3A_114 = arith.constant 0 : i32
      %dma_wait3A_115 = tpu.memref_slice %arg6[%add3A_111, %dma_wait3A_114] : memref<320000x128xf32, #tpu.memory_space<hbm>> -> memref<80x128xf32, #tpu.memory_space<hbm>>
      tpu.wait_dma2 semaphore(%arg15 : memref<!tpu.dma_semaphore, #tpu.memory_space<semaphore_mem>>) src(%arg9 : memref<80x128xf32, #tpu.memory_space<vmem>>) dst(%dma_wait3A_115 : memref<80x128xf32, #tpu.memory_space<hbm>>)
      %add3A_116 = arith.constant 2 : i32
      %add3A_117 = arith.addi %mul3A_56, %add3A_116 : i32
      %mul3A_118 = arith.constant 80 : i32
      %mul3A_119 = arith.muli %add3A_117, %mul3A_118 : i32
      %dma_start3A_120 = tpu.memref_slice %arg7[%mul3A_119] : memref<10000xi32, #tpu.memory_space<vmem>> -> memref<80xi32, #tpu.memory_space<vmem>>
      %dma_start3A_121 = arith.constant 0 : i32
      %dma_start3A_122 = arith.constant 0 : i32
      %dma_start3A_123 = tpu.memref_slice %arg2[%dma_start3A_121, %dma_start3A_122] : memref<10000x128xf32, #tpu.memory_space<hbm>> -> memref<10000x128xf32, #tpu.memory_space<hbm>>
      tpu.enqueue_indirect_dma source(%dma_start3A_123 : memref<10000x128xf32, #tpu.memory_space<hbm>>) target(%arg9 : memref<80x128xf32, #tpu.memory_space<vmem>>) offsets(%dma_start3A_120 : memref<80xi32, #tpu.memory_space<vmem>>) semaphore(%arg13 : memref<!tpu.dma_semaphore, #tpu.memory_space<semaphore_mem>>)
      %mul3A_124 = arith.constant 80 : i32
      %mul3A_125 = arith.muli %add3A_117, %mul3A_124 : i32
      %dma_start3A_126 = tpu.memref_slice %arg8[%mul3A_125] : memref<10000xi32, #tpu.memory_space<vmem>> -> memref<80xi32, #tpu.memory_space<vmem>>
      %dma_start3A_127 = arith.constant 0 : i32
      %dma_start3A_128 = arith.constant 0 : i32
      %dma_start3A_129 = tpu.memref_slice %arg3[%dma_start3A_127, %dma_start3A_128] : memref<10000x128xf32, #tpu.memory_space<hbm>> -> memref<10000x128xf32, #tpu.memory_space<hbm>>
      tpu.enqueue_indirect_dma source(%dma_start3A_129 : memref<10000x128xf32, #tpu.memory_space<hbm>>) target(%arg10 : memref<80x128xf32, #tpu.memory_space<vmem>>) offsets(%dma_start3A_126 : memref<80xi32, #tpu.memory_space<vmem>>) semaphore(%arg13 : memref<!tpu.dma_semaphore, #tpu.memory_space<semaphore_mem>>)
      %add3A_130 = arith.constant 1 : i32
      %add3A_131 = arith.addi %mul3A_56, %add3A_130 : i32
      %mul3A_132 = arith.constant 80 : i32
      %mul3A_133 = arith.muli %add3A_131, %mul3A_132 : i32
      %add3A_134 = arith.addi %mul3A_2, %mul3A_133 : i32
      %dma_wait3A_135 = arith.constant 0 : i32
      %dma_wait3A_136 = tpu.memref_slice %arg6[%add3A_134, %dma_wait3A_135] : memref<320000x128xf32, #tpu.memory_space<hbm>> -> memref<80x128xf32, #tpu.memory_space<hbm>>
      %dma_wait3A_137 = arith.constant 0 : i32
      %dma_wait3A_138 = tpu.memref_slice %arg6[%add3A_134, %dma_wait3A_137] : memref<320000x128xf32, #tpu.memory_space<hbm>> -> memref<80x128xf32, #tpu.memory_space<hbm>>
      tpu.wait_dma2 semaphore(%arg16 : memref<!tpu.dma_semaphore, #tpu.memory_space<semaphore_mem>>) src(%arg11 : memref<80x128xf32, #tpu.memory_space<vmem>>) dst(%dma_wait3A_138 : memref<80x128xf32, #tpu.memory_space<hbm>>)
      %lt3A = arith.constant 61 : i32
      %lt3A_139 = arith.cmpi slt, %scan3A_54, %lt3A : i32
      %convert_element_type3A = arith.extui %lt3A_139 : i1 to i32
      %cond3A = arith.constant 0 : i32
      %cond3A_140 = arith.cmpi ne, %convert_element_type3A, %cond3A : i32
      scf.if %cond3A_140 {
        %add3A_141 = arith.constant 3 : i32
        %add3A_142 = arith.addi %mul3A_56, %add3A_141 : i32
        %mul3A_143 = arith.constant 80 : i32
        %mul3A_144 = arith.muli %add3A_142, %mul3A_143 : i32
        %dma_start3A_145 = tpu.memref_slice %arg7[%mul3A_144] : memref<10000xi32, #tpu.memory_space<vmem>> -> memref<80xi32, #tpu.memory_space<vmem>>
        %dma_start3A_146 = arith.constant 0 : i32
        %dma_start3A_147 = arith.constant 0 : i32
        %dma_start3A_148 = tpu.memref_slice %arg2[%dma_start3A_146, %dma_start3A_147] : memref<10000x128xf32, #tpu.memory_space<hbm>> -> memref<10000x128xf32, #tpu.memory_space<hbm>>
        tpu.enqueue_indirect_dma source(%dma_start3A_148 : memref<10000x128xf32, #tpu.memory_space<hbm>>) target(%arg11 : memref<80x128xf32, #tpu.memory_space<vmem>>) offsets(%dma_start3A_145 : memref<80xi32, #tpu.memory_space<vmem>>) semaphore(%arg14 : memref<!tpu.dma_semaphore, #tpu.memory_space<semaphore_mem>>)
        %mul3A_149 = arith.constant 80 : i32
        %mul3A_150 = arith.muli %add3A_142, %mul3A_149 : i32
        %dma_start3A_151 = tpu.memref_slice %arg8[%mul3A_150] : memref<10000xi32, #tpu.memory_space<vmem>> -> memref<80xi32, #tpu.memory_space<vmem>>
        %dma_start3A_152 = arith.constant 0 : i32
        %dma_start3A_153 = arith.constant 0 : i32
        %dma_start3A_154 = tpu.memref_slice %arg3[%dma_start3A_152, %dma_start3A_153] : memref<10000x128xf32, #tpu.memory_space<hbm>> -> memref<10000x128xf32, #tpu.memory_space<hbm>>
        tpu.enqueue_indirect_dma source(%dma_start3A_154 : memref<10000x128xf32, #tpu.memory_space<hbm>>) target(%arg12 : memref<80x128xf32, #tpu.memory_space<vmem>>) offsets(%dma_start3A_151 : memref<80xi32, #tpu.memory_space<vmem>>) semaphore(%arg14 : memref<!tpu.dma_semaphore, #tpu.memory_space<semaphore_mem>>)
      } else {
      }
    }
    %scan3A_26 = arith.constant 62 : i32
    %add3A_27 = arith.constant 9920 : i32
    %add3A_28 = arith.addi %mul3A_2, %add3A_27 : i32
    %dma_wait3A = arith.constant 9920 : i32
    %dma_wait3A_29 = tpu.memref_slice %arg7[%dma_wait3A] : memref<10000xi32, #tpu.memory_space<vmem>> -> memref<80xi32, #tpu.memory_space<vmem>>
    %dma_wait3A_30 = arith.constant 0 : i32
    %dma_wait3A_31 = arith.constant 0 : i32
    %dma_wait3A_32 = tpu.memref_slice %arg2[%dma_wait3A_30, %dma_wait3A_31] : memref<10000x128xf32, #tpu.memory_space<hbm>> -> memref<10000x128xf32, #tpu.memory_space<hbm>>
    tpu.wait_indirect_dma semaphore(%arg13 : memref<!tpu.dma_semaphore, #tpu.memory_space<semaphore_mem>>) src(%dma_wait3A_32 : memref<10000x128xf32, #tpu.memory_space<hbm>>) dst(%arg9 : memref<80x128xf32, #tpu.memory_space<vmem>>)
    %dma_wait3A_33 = arith.constant 9920 : i32
    %dma_wait3A_34 = tpu.memref_slice %arg8[%dma_wait3A_33] : memref<10000xi32, #tpu.memory_space<vmem>> -> memref<80xi32, #tpu.memory_space<vmem>>
    %dma_wait3A_35 = arith.constant 0 : i32
    %dma_wait3A_36 = arith.constant 0 : i32
    %dma_wait3A_37 = tpu.memref_slice %arg3[%dma_wait3A_35, %dma_wait3A_36] : memref<10000x128xf32, #tpu.memory_space<hbm>> -> memref<10000x128xf32, #tpu.memory_space<hbm>>
    tpu.wait_indirect_dma semaphore(%arg13 : memref<!tpu.dma_semaphore, #tpu.memory_space<semaphore_mem>>) src(%dma_wait3A_37 : memref<10000x128xf32, #tpu.memory_space<hbm>>) dst(%arg10 : memref<80x128xf32, #tpu.memory_space<vmem>>)
    %scan3A_38 = arith.constant 0 : i32
    %scan3A_39 = arith.constant 0 : i32
    %scan3A_40 = arith.constant 80 : i32
    %scan3A_41 = arith.addi %scan3A_39, %scan3A_40 : i32
    %scan3A_42 = arith.constant 1 : i32
    scf.for %scan3A_54 = %scan3A_39 to %scan3A_41 step %scan3A_42  : i32 {
      %get3A = arith.index_cast %scan3A_54 : i32 to index
      %get3A_55 = arith.constant 0 : index
      %get3A_56 = tpu.vector_load %arg9[%get3A, %get3A_55] {strides = array<i32>} : memref<80x128xf32, #tpu.memory_space<vmem>>, vector<1x16xf32>,
      %get3A_57 = vector.shape_cast %get3A_56 : vector<1x16xf32> to vector<16xf32>
      %get3A_58 = arith.index_cast %scan3A_54 : i32 to index
      %get3A_59 = arith.constant 0 : index
      %get3A_60 = tpu.vector_load %arg10[%get3A_58, %get3A_59] {strides = array<i32>} : memref<80x128xf32, #tpu.memory_space<vmem>>, vector<1x16xf32>,
      %get3A_61 = vector.shape_cast %get3A_60 : vector<1x16xf32> to vector<16xf32>
      %add3A_62 = arith.addf %get3A_57, %get3A_61 : vector<16xf32>
      %swap3A = arith.index_cast %scan3A_54 : i32 to index
      %swap3A_63 = arith.constant 0 : index
      %swap3A_64 = tpu.vector_load %arg9[%swap3A, %swap3A_63] {strides = array<i32>} : memref<80x128xf32, #tpu.memory_space<vmem>>, vector<1x16xf32>,
      %swap3A_65 = vector.shape_cast %swap3A_64 : vector<1x16xf32> to vector<16xf32>
      %swap3A_66 = vector.shape_cast %add3A_62 : vector<16xf32> to vector<1x16xf32>
      tpu.vector_store %arg9[%swap3A, %swap3A_63], %swap3A_66 {strides = array<i32>} : memref<80x128xf32, #tpu.memory_space<vmem>>, vector<1x16xf32>,
      %get3A_67 = arith.index_cast %scan3A_54 : i32 to index
      %get3A_68 = arith.constant 16 : index
      %get3A_69 = tpu.vector_load %arg9[%get3A_67, %get3A_68] {strides = array<i32>} : memref<80x128xf32, #tpu.memory_space<vmem>>, vector<1x16xf32>,
      %get3A_70 = vector.shape_cast %get3A_69 : vector<1x16xf32> to vector<16xf32>
      %get3A_71 = arith.index_cast %scan3A_54 : i32 to index
      %get3A_72 = arith.constant 16 : index
      %get3A_73 = tpu.vector_load %arg10[%get3A_71, %get3A_72] {strides = array<i32>} : memref<80x128xf32, #tpu.memory_space<vmem>>, vector<1x16xf32>,
      %get3A_74 = vector.shape_cast %get3A_73 : vector<1x16xf32> to vector<16xf32>
      %add3A_75 = arith.addf %get3A_70, %get3A_74 : vector<16xf32>
      %swap3A_76 = arith.index_cast %scan3A_54 : i32 to index
      %swap3A_77 = arith.constant 16 : index
      %swap3A_78 = tpu.vector_load %arg9[%swap3A_76, %swap3A_77] {strides = array<i32>} : memref<80x128xf32, #tpu.memory_space<vmem>>, vector<1x16xf32>,
      %swap3A_79 = vector.shape_cast %swap3A_78 : vector<1x16xf32> to vector<16xf32>
      %swap3A_80 = vector.shape_cast %add3A_75 : vector<16xf32> to vector<1x16xf32>
      tpu.vector_store %arg9[%swap3A_76, %swap3A_77], %swap3A_80 {strides = array<i32>} : memref<80x128xf32, #tpu.memory_space<vmem>>, vector<1x16xf32>,
      %get3A_81 = arith.index_cast %scan3A_54 : i32 to index
      %get3A_82 = arith.constant 32 : index
      %get3A_83 = tpu.vector_load %arg9[%get3A_81, %get3A_82] {strides = array<i32>} : memref<80x128xf32, #tpu.memory_space<vmem>>, vector<1x16xf32>,
      %get3A_84 = vector.shape_cast %get3A_83 : vector<1x16xf32> to vector<16xf32>
      %get3A_85 = arith.index_cast %scan3A_54 : i32 to index
      %get3A_86 = arith.constant 32 : index
      %get3A_87 = tpu.vector_load %arg10[%get3A_85, %get3A_86] {strides = array<i32>} : memref<80x128xf32, #tpu.memory_space<vmem>>, vector<1x16xf32>,
      %get3A_88 = vector.shape_cast %get3A_87 : vector<1x16xf32> to vector<16xf32>
      %add3A_89 = arith.addf %get3A_84, %get3A_88 : vector<16xf32>
      %swap3A_90 = arith.index_cast %scan3A_54 : i32 to index
      %swap3A_91 = arith.constant 32 : index
      %swap3A_92 = tpu.vector_load %arg9[%swap3A_90, %swap3A_91] {strides = array<i32>} : memref<80x128xf32, #tpu.memory_space<vmem>>, vector<1x16xf32>,
      %swap3A_93 = vector.shape_cast %swap3A_92 : vector<1x16xf32> to vector<16xf32>
      %swap3A_94 = vector.shape_cast %add3A_89 : vector<16xf32> to vector<1x16xf32>
      tpu.vector_store %arg9[%swap3A_90, %swap3A_91], %swap3A_94 {strides = array<i32>} : memref<80x128xf32, #tpu.memory_space<vmem>>, vector<1x16xf32>,
      %get3A_95 = arith.index_cast %scan3A_54 : i32 to index
      %get3A_96 = arith.constant 48 : index
      %get3A_97 = tpu.vector_load %arg9[%get3A_95, %get3A_96] {strides = array<i32>} : memref<80x128xf32, #tpu.memory_space<vmem>>, vector<1x16xf32>,
      %get3A_98 = vector.shape_cast %get3A_97 : vector<1x16xf32> to vector<16xf32>
      %get3A_99 = arith.index_cast %scan3A_54 : i32 to index
      %get3A_100 = arith.constant 48 : index
      %get3A_101 = tpu.vector_load %arg10[%get3A_99, %get3A_100] {strides = array<i32>} : memref<80x128xf32, #tpu.memory_space<vmem>>, vector<1x16xf32>,
      %get3A_102 = vector.shape_cast %get3A_101 : vector<1x16xf32> to vector<16xf32>
      %add3A_103 = arith.addf %get3A_98, %get3A_102 : vector<16xf32>
      %swap3A_104 = arith.index_cast %scan3A_54 : i32 to index
      %swap3A_105 = arith.constant 48 : index
      %swap3A_106 = tpu.vector_load %arg9[%swap3A_104, %swap3A_105] {strides = array<i32>} : memref<80x128xf32, #tpu.memory_space<vmem>>, vector<1x16xf32>,
      %swap3A_107 = vector.shape_cast %swap3A_106 : vector<1x16xf32> to vector<16xf32>
      %swap3A_108 = vector.shape_cast %add3A_103 : vector<16xf32> to vector<1x16xf32>
      tpu.vector_store %arg9[%swap3A_104, %swap3A_105], %swap3A_108 {strides = array<i32>} : memref<80x128xf32, #tpu.memory_space<vmem>>, vector<1x16xf32>,
      %get3A_109 = arith.index_cast %scan3A_54 : i32 to index
      %get3A_110 = arith.constant 64 : index
      %get3A_111 = tpu.vector_load %arg9[%get3A_109, %get3A_110] {strides = array<i32>} : memref<80x128xf32, #tpu.memory_space<vmem>>, vector<1x16xf32>,
      %get3A_112 = vector.shape_cast %get3A_111 : vector<1x16xf32> to vector<16xf32>
      %get3A_113 = arith.index_cast %scan3A_54 : i32 to index
      %get3A_114 = arith.constant 64 : index
      %get3A_115 = tpu.vector_load %arg10[%get3A_113, %get3A_114] {strides = array<i32>} : memref<80x128xf32, #tpu.memory_space<vmem>>, vector<1x16xf32>,
      %get3A_116 = vector.shape_cast %get3A_115 : vector<1x16xf32> to vector<16xf32>
      %add3A_117 = arith.addf %get3A_112, %get3A_116 : vector<16xf32>
      %swap3A_118 = arith.index_cast %scan3A_54 : i32 to index
      %swap3A_119 = arith.constant 64 : index
      %swap3A_120 = tpu.vector_load %arg9[%swap3A_118, %swap3A_119] {strides = array<i32>} : memref<80x128xf32, #tpu.memory_space<vmem>>, vector<1x16xf32>,
      %swap3A_121 = vector.shape_cast %swap3A_120 : vector<1x16xf32> to vector<16xf32>
      %swap3A_122 = vector.shape_cast %add3A_117 : vector<16xf32> to vector<1x16xf32>
      tpu.vector_store %arg9[%swap3A_118, %swap3A_119], %swap3A_122 {strides = array<i32>} : memref<80x128xf32, #tpu.memory_space<vmem>>, vector<1x16xf32>,
      %get3A_123 = arith.index_cast %scan3A_54 : i32 to index
      %get3A_124 = arith.constant 80 : index
      %get3A_125 = tpu.vector_load %arg9[%get3A_123, %get3A_124] {strides = array<i32>} : memref<80x128xf32, #tpu.memory_space<vmem>>, vector<1x16xf32>,
      %get3A_126 = vector.shape_cast %get3A_125 : vector<1x16xf32> to vector<16xf32>
      %get3A_127 = arith.index_cast %scan3A_54 : i32 to index
      %get3A_128 = arith.constant 80 : index
      %get3A_129 = tpu.vector_load %arg10[%get3A_127, %get3A_128] {strides = array<i32>} : memref<80x128xf32, #tpu.memory_space<vmem>>, vector<1x16xf32>,
      %get3A_130 = vector.shape_cast %get3A_129 : vector<1x16xf32> to vector<16xf32>
      %add3A_131 = arith.addf %get3A_126, %get3A_130 : vector<16xf32>
      %swap3A_132 = arith.index_cast %scan3A_54 : i32 to index
      %swap3A_133 = arith.constant 80 : index
      %swap3A_134 = tpu.vector_load %arg9[%swap3A_132, %swap3A_133] {strides = array<i32>} : memref<80x128xf32, #tpu.memory_space<vmem>>, vector<1x16xf32>,
      %swap3A_135 = vector.shape_cast %swap3A_134 : vector<1x16xf32> to vector<16xf32>
      %swap3A_136 = vector.shape_cast %add3A_131 : vector<16xf32> to vector<1x16xf32>
      tpu.vector_store %arg9[%swap3A_132, %swap3A_133], %swap3A_136 {strides = array<i32>} : memref<80x128xf32, #tpu.memory_space<vmem>>, vector<1x16xf32>,
      %get3A_137 = arith.index_cast %scan3A_54 : i32 to index
      %get3A_138 = arith.constant 96 : index
      %get3A_139 = tpu.vector_load %arg9[%get3A_137, %get3A_138] {strides = array<i32>} : memref<80x128xf32, #tpu.memory_space<vmem>>, vector<1x16xf32>,
      %get3A_140 = vector.shape_cast %get3A_139 : vector<1x16xf32> to vector<16xf32>
      %get3A_141 = arith.index_cast %scan3A_54 : i32 to index
      %get3A_142 = arith.constant 96 : index
      %get3A_143 = tpu.vector_load %arg10[%get3A_141, %get3A_142] {strides = array<i32>} : memref<80x128xf32, #tpu.memory_space<vmem>>, vector<1x16xf32>,
      %get3A_144 = vector.shape_cast %get3A_143 : vector<1x16xf32> to vector<16xf32>
      %add3A_145 = arith.addf %get3A_140, %get3A_144 : vector<16xf32>
      %swap3A_146 = arith.index_cast %scan3A_54 : i32 to index
      %swap3A_147 = arith.constant 96 : index
      %swap3A_148 = tpu.vector_load %arg9[%swap3A_146, %swap3A_147] {strides = array<i32>} : memref<80x128xf32, #tpu.memory_space<vmem>>, vector<1x16xf32>,
      %swap3A_149 = vector.shape_cast %swap3A_148 : vector<1x16xf32> to vector<16xf32>
      %swap3A_150 = vector.shape_cast %add3A_145 : vector<16xf32> to vector<1x16xf32>
      tpu.vector_store %arg9[%swap3A_146, %swap3A_147], %swap3A_150 {strides = array<i32>} : memref<80x128xf32, #tpu.memory_space<vmem>>, vector<1x16xf32>,
      %get3A_151 = arith.index_cast %scan3A_54 : i32 to index
      %get3A_152 = arith.constant 112 : index
      %get3A_153 = tpu.vector_load %arg9[%get3A_151, %get3A_152] {strides = array<i32>} : memref<80x128xf32, #tpu.memory_space<vmem>>, vector<1x16xf32>,
      %get3A_154 = vector.shape_cast %get3A_153 : vector<1x16xf32> to vector<16xf32>
      %get3A_155 = arith.index_cast %scan3A_54 : i32 to index
      %get3A_156 = arith.constant 112 : index
      %get3A_157 = tpu.vector_load %arg10[%get3A_155, %get3A_156] {strides = array<i32>} : memref<80x128xf32, #tpu.memory_space<vmem>>, vector<1x16xf32>,
      %get3A_158 = vector.shape_cast %get3A_157 : vector<1x16xf32> to vector<16xf32>
      %add3A_159 = arith.addf %get3A_154, %get3A_158 : vector<16xf32>
      %swap3A_160 = arith.index_cast %scan3A_54 : i32 to index
      %swap3A_161 = arith.constant 112 : index
      %swap3A_162 = tpu.vector_load %arg9[%swap3A_160, %swap3A_161] {strides = array<i32>} : memref<80x128xf32, #tpu.memory_space<vmem>>, vector<1x16xf32>,
      %swap3A_163 = vector.shape_cast %swap3A_162 : vector<1x16xf32> to vector<16xf32>
      %swap3A_164 = vector.shape_cast %add3A_159 : vector<16xf32> to vector<1x16xf32>
      tpu.vector_store %arg9[%swap3A_160, %swap3A_161], %swap3A_164 {strides = array<i32>} : memref<80x128xf32, #tpu.memory_space<vmem>>, vector<1x16xf32>,
    }
    %scan3A_43 = arith.constant 80 : i32
    %dma_start3A_44 = arith.constant 0 : i32
    %dma_start3A_45 = tpu.memref_slice %arg6[%add3A_28, %dma_start3A_44] : memref<320000x128xf32, #tpu.memory_space<hbm>> -> memref<80x128xf32, #tpu.memory_space<hbm>>
    %dma_start3A_46 = arith.constant 0 : i32
    %dma_start3A_47 = tpu.memref_slice %arg6[%add3A_28, %dma_start3A_46] : memref<320000x128xf32, #tpu.memory_space<hbm>> -> memref<80x128xf32, #tpu.memory_space<hbm>>
    tpu.enqueue_dma source(%arg9 : memref<80x128xf32, #tpu.memory_space<vmem>>) target(%dma_start3A_47 : memref<80x128xf32, #tpu.memory_space<hbm>>) target_semaphore(%arg15 : memref<!tpu.dma_semaphore, #tpu.memory_space<semaphore_mem>>)
    %add3A_48 = arith.constant 9920 : i32
    %add3A_49 = arith.addi %mul3A_2, %add3A_48 : i32
    %dma_wait3A_50 = arith.constant 0 : i32
    %dma_wait3A_51 = tpu.memref_slice %arg6[%add3A_49, %dma_wait3A_50] : memref<320000x128xf32, #tpu.memory_space<hbm>> -> memref<80x128xf32, #tpu.memory_space<hbm>>
    %dma_wait3A_52 = arith.constant 0 : i32
    %dma_wait3A_53 = tpu.memref_slice %arg6[%add3A_49, %dma_wait3A_52] : memref<320000x128xf32, #tpu.memory_space<hbm>> -> memref<80x128xf32, #tpu.memory_space<hbm>>
    tpu.wait_dma2 semaphore(%arg15 : memref<!tpu.dma_semaphore, #tpu.memory_space<semaphore_mem>>) src(%arg9 : memref<80x128xf32, #tpu.memory_space<vmem>>) dst(%dma_wait3A_53 : memref<80x128xf32, #tpu.memory_space<hbm>>)
    return
  }
}

module attributes {stable_mosaic.version = 14 : i64} {
  func.func @_tc_eb_body(%arg0: i32, %arg1: memref<2560x128xf32, #tpu.memory_space<vmem>>, %arg2: memref<128x8xf32, #tpu.memory_space<vmem>>, %arg3: memref<1x8xf32, #tpu.memory_space<vmem>>, %arg4: memref<2560x8xf32, #tpu.memory_space<vmem>>) attributes {dimension_semantics = [#tpu.dimension_semantics<arbitrary>], iteration_bounds = array<i64: 125>, scalar_prefetch = 0 : i64, scratch_operands = 0 : i64, tpu.core_type = #tpu.core_type<tc>, window_params = [{transform_indices = @transform_0, window_bounds = array<i64: 2560, 128>}, {pipeline_mode = #tpu.pipeline_mode<synchronous>, transform_indices = @transform_1, window_bounds = array<i64: 128, 8>}, {pipeline_mode = #tpu.pipeline_mode<synchronous>, transform_indices = @transform_2, window_bounds = array<i64: 1, 8>}, {transform_indices = @transform_3, window_bounds = array<i64: 2560, 8>}]} {
    %get3A = arith.constant 0 : index
    %get3A_0 = arith.constant 0 : index
    %get3A_1 = vector.load %arg1[%get3A, %get3A_0] : memref<2560x128xf32, #tpu.memory_space<vmem>>, vector<2560x128xf32>
    %get3A_2 = arith.constant 0 : index
    %get3A_3 = arith.constant 0 : index
    %get3A_4 = vector.load %arg2[%get3A_2, %get3A_3] : memref<128x8xf32, #tpu.memory_space<vmem>>, vector<128x8xf32>
    %dot_general3A = arith.constant dense<0.000000e+00> : vector<2560x8xf32>
    %dot_general3A_5 = tpu.matmul %get3A_1, %get3A_4, %dot_general3A {dimension_numbers = #tpu.dot_dimension_numbers<[1], [0], [0], [1], [0, 0, 1, 1], [], []>, transpose_lhs_hint = false} : vector<2560x128xf32>, vector<128x8xf32>, vector<2560x8xf32> -> vector<2560x8xf32>
    %get3A_6 = arith.constant 0 : index
    %get3A_7 = arith.constant 0 : index
    %get3A_8 = vector.load %arg3[%get3A_6, %get3A_7] : memref<1x8xf32, #tpu.memory_space<vmem>>, vector<1x8xf32>
    %add3A = vector.broadcast %get3A_8 : vector<1x8xf32> to vector<2560x8xf32>
    %add3A_9 = arith.addf %dot_general3A_5, %add3A : vector<2560x8xf32>
    %swap3A = arith.constant 0 : index
    %swap3A_10 = arith.constant 0 : index
    %swap3A_11 = vector.load %arg4[%swap3A, %swap3A_10] : memref<2560x8xf32, #tpu.memory_space<vmem>>, vector<2560x8xf32>
    tpu.vector_store %arg4[%swap3A, %swap3A_10], %add3A_9 {strides = array<i32>} : memref<2560x8xf32, #tpu.memory_space<vmem>>, vector<2560x8xf32>,
    return
  }
  func.func @transform_0(%arg0: i32) -> (i32, i32) {
    %c0_i32 = arith.constant 0 : i32
    %c0_i32_0 = arith.constant 0 : i32
    return %arg0, %c0_i32 : i32, i32
  }
  func.func @transform_1(%arg0: i32) -> (i32, i32) {
    %c0_i32 = arith.constant 0 : i32
    %c0_i32_0 = arith.constant 0 : i32
    %c0_i32_1 = arith.constant 0 : i32
    return %c0_i32, %c0_i32_0 : i32, i32
  }
  func.func @transform_2(%arg0: i32) -> (i32, i32) {
    %c0_i32 = arith.constant 0 : i32
    %c0_i32_0 = arith.constant 0 : i32
    %c0_i32_1 = arith.constant 0 : i32
    return %c0_i32, %c0_i32_0 : i32, i32
  }
  func.func @transform_3(%arg0: i32) -> (i32, i32) {
    %c0_i32 = arith.constant 0 : i32
    %c0_i32_0 = arith.constant 0 : i32
    return %arg0, %c0_i32 : i32, i32
  }
}

module attributes {stable_mosaic.version = 14 : i64} {
  func.func @_tc_qkv_body(%arg0: memref<10000x128xf32, #tpu.memory_space<vmem>>, %arg1: memref<128x128xf32, #tpu.memory_space<vmem>>, %arg2: memref<1x128xf32, #tpu.memory_space<vmem>>, %arg3: memref<128x128xf32, #tpu.memory_space<vmem>>, %arg4: memref<1x128xf32, #tpu.memory_space<vmem>>, %arg5: memref<128x128xf32, #tpu.memory_space<vmem>>, %arg6: memref<1x128xf32, #tpu.memory_space<vmem>>, %arg7: memref<10000x128xf32, #tpu.memory_space<vmem>>, %arg8: memref<10000x128xf32, #tpu.memory_space<vmem>>, %arg9: memref<10000x128xf32, #tpu.memory_space<vmem>>) attributes {dimension_semantics = [], scalar_prefetch = 0 : i64, scratch_operands = 0 : i64, tpu.core_type = #tpu.core_type<tc>} {
    %get3A = arith.constant 0 : index
    %get3A_0 = arith.constant 0 : index
    %get3A_1 = vector.load %arg0[%get3A, %get3A_0] : memref<10000x128xf32, #tpu.memory_space<vmem>>, vector<10000x128xf32>
    %get3A_2 = arith.constant 0 : index
    %get3A_3 = arith.constant 0 : index
    %get3A_4 = vector.load %arg1[%get3A_2, %get3A_3] : memref<128x128xf32, #tpu.memory_space<vmem>>, vector<128x128xf32>
    %dot_general3A = arith.constant dense<0.000000e+00> : vector<10000x128xf32>
    %dot_general3A_5 = tpu.matmul %get3A_1, %get3A_4, %dot_general3A {dimension_numbers = #tpu.dot_dimension_numbers<[1], [0], [0], [1], [0, 0, 1, 1], [], []>, transpose_lhs_hint = false} : vector<10000x128xf32>, vector<128x128xf32>, vector<10000x128xf32> -> vector<10000x128xf32>
    %get3A_6 = arith.constant 0 : index
    %get3A_7 = arith.constant 0 : index
    %get3A_8 = vector.load %arg2[%get3A_6, %get3A_7] : memref<1x128xf32, #tpu.memory_space<vmem>>, vector<1x128xf32>
    %add3A = vector.broadcast %get3A_8 : vector<1x128xf32> to vector<10000x128xf32>
    %add3A_9 = arith.addf %dot_general3A_5, %add3A : vector<10000x128xf32>
    %swap3A = arith.constant 0 : index
    %swap3A_10 = arith.constant 0 : index
    %swap3A_11 = vector.load %arg7[%swap3A, %swap3A_10] : memref<10000x128xf32, #tpu.memory_space<vmem>>, vector<10000x128xf32>
    tpu.vector_store %arg7[%swap3A, %swap3A_10], %add3A_9 {strides = array<i32>} : memref<10000x128xf32, #tpu.memory_space<vmem>>, vector<10000x128xf32>,
    %get3A_12 = arith.constant 0 : index
    %get3A_13 = arith.constant 0 : index
    %get3A_14 = vector.load %arg3[%get3A_12, %get3A_13] : memref<128x128xf32, #tpu.memory_space<vmem>>, vector<128x128xf32>
    %dot_general3A_15 = arith.constant dense<0.000000e+00> : vector<10000x128xf32>
    %dot_general3A_16 = tpu.matmul %get3A_1, %get3A_14, %dot_general3A_15 {dimension_numbers = #tpu.dot_dimension_numbers<[1], [0], [0], [1], [0, 0, 1, 1], [], []>, transpose_lhs_hint = false} : vector<10000x128xf32>, vector<128x128xf32>, vector<10000x128xf32> -> vector<10000x128xf32>
    %get3A_17 = arith.constant 0 : index
    %get3A_18 = arith.constant 0 : index
    %get3A_19 = vector.load %arg4[%get3A_17, %get3A_18] : memref<1x128xf32, #tpu.memory_space<vmem>>, vector<1x128xf32>
    %add3A_20 = vector.broadcast %get3A_19 : vector<1x128xf32> to vector<10000x128xf32>
    %add3A_21 = arith.addf %dot_general3A_16, %add3A_20 : vector<10000x128xf32>
    %swap3A_22 = arith.constant 0 : index
    %swap3A_23 = arith.constant 0 : index
    %swap3A_24 = vector.load %arg8[%swap3A_22, %swap3A_23] : memref<10000x128xf32, #tpu.memory_space<vmem>>, vector<10000x128xf32>
    tpu.vector_store %arg8[%swap3A_22, %swap3A_23], %add3A_21 {strides = array<i32>} : memref<10000x128xf32, #tpu.memory_space<vmem>>, vector<10000x128xf32>,
    %get3A_25 = arith.constant 0 : index
    %get3A_26 = arith.constant 0 : index
    %get3A_27 = vector.load %arg5[%get3A_25, %get3A_26] : memref<128x128xf32, #tpu.memory_space<vmem>>, vector<128x128xf32>
    %dot_general3A_28 = arith.constant dense<0.000000e+00> : vector<10000x128xf32>
    %dot_general3A_29 = tpu.matmul %get3A_1, %get3A_27, %dot_general3A_28 {dimension_numbers = #tpu.dot_dimension_numbers<[1], [0], [0], [1], [0, 0, 1, 1], [], []>, transpose_lhs_hint = false} : vector<10000x128xf32>, vector<128x128xf32>, vector<10000x128xf32> -> vector<10000x128xf32>
    %get3A_30 = arith.constant 0 : index
    %get3A_31 = arith.constant 0 : index
    %get3A_32 = vector.load %arg6[%get3A_30, %get3A_31] : memref<1x128xf32, #tpu.memory_space<vmem>>, vector<1x128xf32>
    %add3A_33 = vector.broadcast %get3A_32 : vector<1x128xf32> to vector<10000x128xf32>
    %add3A_34 = arith.addf %dot_general3A_29, %add3A_33 : vector<10000x128xf32>
    %swap3A_35 = arith.constant 0 : index
    %swap3A_36 = arith.constant 0 : index
    %swap3A_37 = vector.load %arg9[%swap3A_35, %swap3A_36] : memref<10000x128xf32, #tpu.memory_space<vmem>>, vector<10000x128xf32>
    tpu.vector_store %arg9[%swap3A_35, %swap3A_36], %add3A_34 {strides = array<i32>} : memref<10000x128xf32, #tpu.memory_space<vmem>>, vector<10000x128xf32>,
    return
  }
}

module attributes {stable_mosaic.version = 14 : i64} {
  func.func @_tc_msg_body(%arg0: i32, %arg1: memref<2560x128xf32, #tpu.memory_space<vmem>>, %arg2: memref<2560x128xf32, #tpu.memory_space<vmem>>, %arg3: memref<2560x8xf32, #tpu.memory_space<vmem>>, %arg4: memref<128x8xf32, #tpu.memory_space<vmem>>, %arg5: memref<8x128xf32, #tpu.memory_space<vmem>>, %arg6: memref<2560x128xf32, #tpu.memory_space<vmem>>) attributes {dimension_semantics = [#tpu.dimension_semantics<arbitrary>], iteration_bounds = array<i64: 125>, scalar_prefetch = 0 : i64, scratch_operands = 0 : i64, tpu.core_type = #tpu.core_type<tc>, window_params = [{transform_indices = @transform_0, window_bounds = array<i64: 2560, 128>}, {transform_indices = @transform_1, window_bounds = array<i64: 2560, 128>}, {transform_indices = @transform_2, window_bounds = array<i64: 2560, 8>}, {pipeline_mode = #tpu.pipeline_mode<synchronous>, transform_indices = @transform_3, window_bounds = array<i64: 128, 8>}, {pipeline_mode = #tpu.pipeline_mode<synchronous>, transform_indices = @transform_4, window_bounds = array<i64: 8, 128>}, {transform_indices = @transform_5, window_bounds = array<i64: 2560, 128>}]} {
    %get3A = arith.constant 0 : index
    %get3A_0 = arith.constant 0 : index
    %get3A_1 = vector.load %arg1[%get3A, %get3A_0] : memref<2560x128xf32, #tpu.memory_space<vmem>>, vector<2560x128xf32>
    %get3A_2 = arith.constant 0 : index
    %get3A_3 = arith.constant 0 : index
    %get3A_4 = vector.load %arg2[%get3A_2, %get3A_3] : memref<2560x128xf32, #tpu.memory_space<vmem>>, vector<2560x128xf32>
    %mul3A = arith.mulf %get3A_1, %get3A_4 : vector<2560x128xf32>
    %get3A_5 = arith.constant 0 : index
    %get3A_6 = arith.constant 0 : index
    %get3A_7 = vector.load %arg4[%get3A_5, %get3A_6] : memref<128x8xf32, #tpu.memory_space<vmem>>, vector<128x8xf32>
    %dot_general3A = arith.constant dense<0.000000e+00> : vector<2560x8xf32>
    %dot_general3A_8 = tpu.matmul %mul3A, %get3A_7, %dot_general3A {dimension_numbers = #tpu.dot_dimension_numbers<[1], [0], [0], [1], [0, 0, 1, 1], [], []>, transpose_lhs_hint = false} : vector<2560x128xf32>, vector<128x8xf32>, vector<2560x8xf32> -> vector<2560x8xf32>
    %mul3A_9 = arith.constant 2.500000e-01 : f32
    %mul3A_10 = vector.broadcast %mul3A_9 : f32 to vector<2560x8xf32>
    %mul3A_11 = arith.mulf %dot_general3A_8, %mul3A_10 : vector<2560x8xf32>
    %get3A_12 = arith.constant 0 : index
    %get3A_13 = arith.constant 0 : index
    %get3A_14 = vector.load %arg3[%get3A_12, %get3A_13] : memref<2560x8xf32, #tpu.memory_space<vmem>>, vector<2560x8xf32>
    %add3A = arith.addf %mul3A_11, %get3A_14 : vector<2560x8xf32>
    %exp3A = math.exp %add3A : vector<2560x8xf32>
    %get3A_15 = arith.constant 0 : index
    %get3A_16 = arith.constant 0 : index
    %get3A_17 = vector.load %arg5[%get3A_15, %get3A_16] : memref<8x128xf32, #tpu.memory_space<vmem>>, vector<8x128xf32>
    %dot_general3A_18 = arith.constant dense<0.000000e+00> : vector<2560x128xf32>
    %dot_general3A_19 = tpu.matmul %exp3A, %get3A_17, %dot_general3A_18 {dimension_numbers = #tpu.dot_dimension_numbers<[1], [0], [0], [1], [0, 0, 1, 1], [], []>, transpose_lhs_hint = false} : vector<2560x8xf32>, vector<8x128xf32>, vector<2560x128xf32> -> vector<2560x128xf32>
    %swap3A = arith.constant 0 : index
    %swap3A_20 = arith.constant 0 : index
    %swap3A_21 = vector.load %arg6[%swap3A, %swap3A_20] : memref<2560x128xf32, #tpu.memory_space<vmem>>, vector<2560x128xf32>
    tpu.vector_store %arg6[%swap3A, %swap3A_20], %dot_general3A_19 {strides = array<i32>} : memref<2560x128xf32, #tpu.memory_space<vmem>>, vector<2560x128xf32>,
    return
  }
  func.func @transform_0(%arg0: i32) -> (i32, i32) {
    %c0_i32 = arith.constant 0 : i32
    %c0_i32_0 = arith.constant 0 : i32
    return %arg0, %c0_i32 : i32, i32
  }
  func.func @transform_1(%arg0: i32) -> (i32, i32) {
    %c0_i32 = arith.constant 0 : i32
    %c0_i32_0 = arith.constant 0 : i32
    return %arg0, %c0_i32 : i32, i32
  }
  func.func @transform_2(%arg0: i32) -> (i32, i32) {
    %c0_i32 = arith.constant 0 : i32
    %c0_i32_0 = arith.constant 0 : i32
    return %arg0, %c0_i32 : i32, i32
  }
  func.func @transform_3(%arg0: i32) -> (i32, i32) {
    %c0_i32 = arith.constant 0 : i32
    %c0_i32_0 = arith.constant 0 : i32
    %c0_i32_1 = arith.constant 0 : i32
    return %c0_i32, %c0_i32_0 : i32, i32
  }
  func.func @transform_4(%arg0: i32) -> (i32, i32) {
    %c0_i32 = arith.constant 0 : i32
    %c0_i32_0 = arith.constant 0 : i32
    %c0_i32_1 = arith.constant 0 : i32
    return %c0_i32, %c0_i32_0 : i32, i32
  }
  func.func @transform_5(%arg0: i32) -> (i32, i32) {
    %c0_i32 = arith.constant 0 : i32
    %c0_i32_0 = arith.constant 0 : i32
    return %arg0, %c0_i32 : i32, i32
  }
}

module attributes {stable_mosaic.version = 14 : i64} {
  func.func @_tc_node_body(%arg0: i32, %arg1: memref<400x128xf32, #tpu.memory_space<vmem>>, %arg2: memref<400x128xf32, #tpu.memory_space<vmem>>, %arg3: memref<400x128xf32, #tpu.memory_space<vmem>>, %arg4: memref<400x128xf32, #tpu.memory_space<vmem>>, %arg5: memref<400x128xf32, #tpu.memory_space<vmem>>, %arg6: memref<128x128xf32, #tpu.memory_space<vmem>>, %arg7: memref<1x128xf32, #tpu.memory_space<vmem>>, %arg8: memref<1x128xf32, #tpu.memory_space<vmem>>, %arg9: memref<1x128xf32, #tpu.memory_space<vmem>>, %arg10: memref<128x256xf32, #tpu.memory_space<vmem>>, %arg11: memref<1x256xf32, #tpu.memory_space<vmem>>, %arg12: memref<256x128xf32, #tpu.memory_space<vmem>>, %arg13: memref<1x128xf32, #tpu.memory_space<vmem>>, %arg14: memref<1x128xf32, #tpu.memory_space<vmem>>, %arg15: memref<1x128xf32, #tpu.memory_space<vmem>>, %arg16: memref<128x128xf32, #tpu.memory_space<vmem>>, %arg17: memref<1x128xf32, #tpu.memory_space<vmem>>, %arg18: memref<128x128xf32, #tpu.memory_space<vmem>>, %arg19: memref<400x128xf32, #tpu.memory_space<vmem>>, %arg20: memref<400x128xf32, #tpu.memory_space<vmem>>, %arg21: memref<400x128xf32, #tpu.memory_space<vmem>>) attributes {dimension_semantics = [#tpu.dimension_semantics<arbitrary>], iteration_bounds = array<i64: 25>, scalar_prefetch = 0 : i64, scratch_operands = 0 : i64, tpu.core_type = #tpu.core_type<tc>, window_params = [{transform_indices = @transform_0, window_bounds = array<i64: 400, 128>}, {transform_indices = @transform_1, window_bounds = array<i64: 400, 128>}, {transform_indices = @transform_2, window_bounds = array<i64: 400, 128>}, {transform_indices = @transform_3, window_bounds = array<i64: 400, 128>}, {transform_indices = @transform_4, window_bounds = array<i64: 400, 128>}, {pipeline_mode = #tpu.pipeline_mode<synchronous>, transform_indices = @transform_5, window_bounds = array<i64: 128, 128>}, {pipeline_mode = #tpu.pipeline_mode<synchronous>, transform_indices = @transform_6, window_bounds = array<i64: 1, 128>}, {pipeline_mode = #tpu.pipeline_mode<synchronous>, transform_indices = @transform_7, window_bounds = array<i64: 1, 128>}, {pipeline_mode = #tpu.pipeline_mode<synchronous>, transform_indices = @transform_8, window_bounds = array<i64: 1, 128>}, {pipeline_mode = #tpu.pipeline_mode<synchronous>, transform_indices = @transform_9, window_bounds = array<i64: 128, 256>}, {pipeline_mode = #tpu.pipeline_mode<synchronous>, transform_indices = @transform_10, window_bounds = array<i64: 1, 256>}, {pipeline_mode = #tpu.pipeline_mode<synchronous>, transform_indices = @transform_11, window_bounds = array<i64: 256, 128>}, {pipeline_mode = #tpu.pipeline_mode<synchronous>, transform_indices = @transform_12, window_bounds = array<i64: 1, 128>}, {pipeline_mode = #tpu.pipeline_mode<synchronous>, transform_indices = @transform_13, window_bounds = array<i64: 1, 128>}, {pipeline_mode = #tpu.pipeline_mode<synchronous>, transform_indices = @transform_14, window_bounds = array<i64: 1, 128>}, {pipeline_mode = #tpu.pipeline_mode<synchronous>, transform_indices = @transform_15, window_bounds = array<i64: 128, 128>}, {pipeline_mode = #tpu.pipeline_mode<synchronous>, transform_indices = @transform_16, window_bounds = array<i64: 1, 128>}, {pipeline_mode = #tpu.pipeline_mode<synchronous>, transform_indices = @transform_17, window_bounds = array<i64: 128, 128>}, {transform_indices = @transform_18, window_bounds = array<i64: 400, 128>}, {transform_indices = @transform_19, window_bounds = array<i64: 400, 128>}, {transform_indices = @transform_20, window_bounds = array<i64: 400, 128>}]} {
    %get3A = arith.constant 0 : index
    %get3A_0 = arith.constant 0 : index
    %get3A_1 = vector.load %arg2[%get3A, %get3A_0] : memref<400x128xf32, #tpu.memory_space<vmem>>, vector<400x128xf32>
    %get3A_2 = arith.constant 0 : index
    %get3A_3 = arith.constant 0 : index
    %get3A_4 = vector.load %arg3[%get3A_2, %get3A_3] : memref<400x128xf32, #tpu.memory_space<vmem>>, vector<400x128xf32>
    %add3A = arith.addf %get3A_1, %get3A_4 : vector<400x128xf32>
    %get3A_5 = arith.constant 0 : index
    %get3A_6 = arith.constant 0 : index
    %get3A_7 = vector.load %arg4[%get3A_5, %get3A_6] : memref<400x128xf32, #tpu.memory_space<vmem>>, vector<400x128xf32>
    %get3A_8 = arith.constant 0 : index
    %get3A_9 = arith.constant 0 : index
    %get3A_10 = vector.load %arg5[%get3A_8, %get3A_9] : memref<400x128xf32, #tpu.memory_space<vmem>>, vector<400x128xf32>
    %add3A_11 = arith.addf %get3A_7, %get3A_10 : vector<400x128xf32>
    %add3A_12 = arith.constant 1.000000e-16 : f32
    %add3A_13 = vector.broadcast %add3A_12 : f32 to vector<400x128xf32>
    %add3A_14 = arith.addf %add3A_11, %add3A_13 : vector<400x128xf32>
    %div3A = arith.divf %add3A, %add3A_14 : vector<400x128xf32>
    %get3A_15 = arith.constant 0 : index
    %get3A_16 = arith.constant 0 : index
    %get3A_17 = vector.load %arg6[%get3A_15, %get3A_16] : memref<128x128xf32, #tpu.memory_space<vmem>>, vector<128x128xf32>
    %dot_general3A = arith.constant dense<0.000000e+00> : vector<400x128xf32>
    %dot_general3A_18 = tpu.matmul %div3A, %get3A_17, %dot_general3A {dimension_numbers = #tpu.dot_dimension_numbers<[1], [0], [0], [1], [0, 0, 1, 1], [], []>, transpose_lhs_hint = false} : vector<400x128xf32>, vector<128x128xf32>, vector<400x128xf32> -> vector<400x128xf32>
    %get3A_19 = arith.constant 0 : index
    %get3A_20 = arith.constant 0 : index
    %get3A_21 = vector.load %arg7[%get3A_19, %get3A_20] : memref<1x128xf32, #tpu.memory_space<vmem>>, vector<1x128xf32>
    %add3A_22 = vector.broadcast %get3A_21 : vector<1x128xf32> to vector<400x128xf32>
    %add3A_23 = arith.addf %dot_general3A_18, %add3A_22 : vector<400x128xf32>
    %get3A_24 = arith.constant 0 : index
    %get3A_25 = arith.constant 0 : index
    %get3A_26 = vector.load %arg1[%get3A_24, %get3A_25] : memref<400x128xf32, #tpu.memory_space<vmem>>, vector<400x128xf32>
    %add3A_27 = arith.addf %get3A_26, %add3A_23 : vector<400x128xf32>
    %get3A_28 = arith.constant 0 : index
    %get3A_29 = arith.constant 0 : index
    %get3A_30 = vector.load %arg8[%get3A_28, %get3A_29] : memref<1x128xf32, #tpu.memory_space<vmem>>, vector<1x128xf32>
    %get3A_31 = arith.constant 0 : index
    %get3A_32 = arith.constant 0 : index
    %get3A_33 = vector.load %arg9[%get3A_31, %get3A_32] : memref<1x128xf32, #tpu.memory_space<vmem>>, vector<1x128xf32>
    %reduce_sum3A = arith.constant dense<0.000000e+00> : vector<400xf32>
    %reduce_sum3A_34 = vector.multi_reduction <add>, %add3A_27, %reduce_sum3A [1] : vector<400x128xf32> to vector<400xf32>
    %broadcast_in_dim3A = vector.shape_cast %reduce_sum3A_34 : vector<400xf32> to vector<400x1xf32>
    %div3A_35 = arith.constant 1.280000e+02 : f32
    %div3A_36 = vector.broadcast %div3A_35 : f32 to vector<400x1xf32>
    %div3A_37 = arith.divf %broadcast_in_dim3A, %div3A_36 : vector<400x1xf32>
    %sub3A = vector.broadcast %div3A_37 : vector<400x1xf32> to vector<400x128xf32>
    %sub3A_38 = arith.subf %add3A_27, %sub3A : vector<400x128xf32>
    %integer_pow3A = arith.mulf %sub3A_38, %sub3A_38 : vector<400x128xf32>
    %reduce_sum3A_39 = arith.constant dense<0.000000e+00> : vector<400xf32>
    %reduce_sum3A_40 = vector.multi_reduction <add>, %integer_pow3A, %reduce_sum3A_39 [1] : vector<400x128xf32> to vector<400xf32>
    %broadcast_in_dim3A_41 = vector.shape_cast %reduce_sum3A_40 : vector<400xf32> to vector<400x1xf32>
    %div3A_42 = arith.constant 1.280000e+02 : f32
    %div3A_43 = vector.broadcast %div3A_42 : f32 to vector<400x1xf32>
    %div3A_44 = arith.divf %broadcast_in_dim3A_41, %div3A_43 : vector<400x1xf32>
    %sub3A_45 = vector.broadcast %div3A_37 : vector<400x1xf32> to vector<400x128xf32>
    %sub3A_46 = arith.subf %add3A_27, %sub3A_45 : vector<400x128xf32>
    %add3A_47 = arith.constant 9.99999974E-6 : f32
    %add3A_48 = vector.broadcast %add3A_47 : f32 to vector<400x1xf32>
    %add3A_49 = arith.addf %div3A_44, %add3A_48 : vector<400x1xf32>
    %sqrt3A = math.sqrt %add3A_49 : vector<400x1xf32>
    %div3A_50 = vector.broadcast %sqrt3A : vector<400x1xf32> to vector<400x128xf32>
    %div3A_51 = arith.divf %sub3A_46, %div3A_50 : vector<400x128xf32>
    %mul3A = vector.broadcast %get3A_30 : vector<1x128xf32> to vector<400x128xf32>
    %mul3A_52 = arith.mulf %div3A_51, %mul3A : vector<400x128xf32>
    %add3A_53 = vector.broadcast %get3A_33 : vector<1x128xf32> to vector<400x128xf32>
    %add3A_54 = arith.addf %mul3A_52, %add3A_53 : vector<400x128xf32>
    %get3A_55 = arith.constant 0 : index
    %get3A_56 = arith.constant 0 : index
    %get3A_57 = vector.load %arg10[%get3A_55, %get3A_56] : memref<128x256xf32, #tpu.memory_space<vmem>>, vector<128x256xf32>
    %dot_general3A_58 = arith.constant dense<0.000000e+00> : vector<400x256xf32>
    %dot_general3A_59 = tpu.matmul %add3A_54, %get3A_57, %dot_general3A_58 {dimension_numbers = #tpu.dot_dimension_numbers<[1], [0], [0], [1], [0, 0, 1, 1], [], []>, transpose_lhs_hint = false} : vector<400x128xf32>, vector<128x256xf32>, vector<400x256xf32> -> vector<400x256xf32>
    %get3A_60 = arith.constant 0 : index
    %get3A_61 = arith.constant 0 : index
    %get3A_62 = vector.load %arg11[%get3A_60, %get3A_61] : memref<1x256xf32, #tpu.memory_space<vmem>>, vector<1x256xf32>
    %add3A_63 = vector.broadcast %get3A_62 : vector<1x256xf32> to vector<400x256xf32>
    %add3A_64 = arith.addf %dot_general3A_59, %add3A_63 : vector<400x256xf32>
    %mul3A_65 = arith.constant 5.000000e-01 : f32
    %mul3A_66 = vector.broadcast %mul3A_65 : f32 to vector<400x256xf32>
    %mul3A_67 = arith.mulf %add3A_64, %mul3A_66 : vector<400x256xf32>
    %mul3A_68 = arith.constant 0.707106769 : f32
    %mul3A_69 = vector.broadcast %mul3A_68 : f32 to vector<400x256xf32>
    %mul3A_70 = arith.mulf %add3A_64, %mul3A_69 : vector<400x256xf32>
    %erf3A = math.erf %mul3A_70 : vector<400x256xf32>
    %add3A_71 = arith.constant 1.000000e+00 : f32
    %add3A_72 = vector.broadcast %add3A_71 : f32 to vector<400x256xf32>
    %add3A_73 = arith.addf %add3A_72, %erf3A : vector<400x256xf32>
    %mul3A_74 = arith.mulf %mul3A_67, %add3A_73 : vector<400x256xf32>
    %get3A_75 = arith.constant 0 : index
    %get3A_76 = arith.constant 0 : index
    %get3A_77 = vector.load %arg12[%get3A_75, %get3A_76] : memref<256x128xf32, #tpu.memory_space<vmem>>, vector<256x128xf32>
    %dot_general3A_78 = arith.constant dense<0.000000e+00> : vector<400x128xf32>
    %dot_general3A_79 = tpu.matmul %mul3A_74, %get3A_77, %dot_general3A_78 {dimension_numbers = #tpu.dot_dimension_numbers<[1], [0], [0], [1], [0, 0, 1, 1], [], []>, transpose_lhs_hint = false} : vector<400x256xf32>, vector<256x128xf32>, vector<400x128xf32> -> vector<400x128xf32>
    %get3A_80 = arith.constant 0 : index
    %get3A_81 = arith.constant 0 : index
    %get3A_82 = vector.load %arg13[%get3A_80, %get3A_81] : memref<1x128xf32, #tpu.memory_space<vmem>>, vector<1x128xf32>
    %add3A_83 = vector.broadcast %get3A_82 : vector<1x128xf32> to vector<400x128xf32>
    %add3A_84 = arith.addf %dot_general3A_79, %add3A_83 : vector<400x128xf32>
    %add3A_85 = arith.addf %add3A_54, %add3A_84 : vector<400x128xf32>
    %get3A_86 = arith.constant 0 : index
    %get3A_87 = arith.constant 0 : index
    %get3A_88 = vector.load %arg14[%get3A_86, %get3A_87] : memref<1x128xf32, #tpu.memory_space<vmem>>, vector<1x128xf32>
    %get3A_89 = arith.constant 0 : index
    %get3A_90 = arith.constant 0 : index
    %get3A_91 = vector.load %arg15[%get3A_89, %get3A_90] : memref<1x128xf32, #tpu.memory_space<vmem>>, vector<1x128xf32>
    %reduce_sum3A_92 = arith.constant dense<0.000000e+00> : vector<400xf32>
    %reduce_sum3A_93 = vector.multi_reduction <add>, %add3A_85, %reduce_sum3A_92 [1] : vector<400x128xf32> to vector<400xf32>
    %broadcast_in_dim3A_94 = vector.shape_cast %reduce_sum3A_93 : vector<400xf32> to vector<400x1xf32>
    %div3A_95 = arith.constant 1.280000e+02 : f32
    %div3A_96 = vector.broadcast %div3A_95 : f32 to vector<400x1xf32>
    %div3A_97 = arith.divf %broadcast_in_dim3A_94, %div3A_96 : vector<400x1xf32>
    %sub3A_98 = vector.broadcast %div3A_97 : vector<400x1xf32> to vector<400x128xf32>
    %sub3A_99 = arith.subf %add3A_85, %sub3A_98 : vector<400x128xf32>
    %integer_pow3A_100 = arith.mulf %sub3A_99, %sub3A_99 : vector<400x128xf32>
    %reduce_sum3A_101 = arith.constant dense<0.000000e+00> : vector<400xf32>
    %reduce_sum3A_102 = vector.multi_reduction <add>, %integer_pow3A_100, %reduce_sum3A_101 [1] : vector<400x128xf32> to vector<400xf32>
    %broadcast_in_dim3A_103 = vector.shape_cast %reduce_sum3A_102 : vector<400xf32> to vector<400x1xf32>
    %div3A_104 = arith.constant 1.280000e+02 : f32
    %div3A_105 = vector.broadcast %div3A_104 : f32 to vector<400x1xf32>
    %div3A_106 = arith.divf %broadcast_in_dim3A_103, %div3A_105 : vector<400x1xf32>
    %sub3A_107 = vector.broadcast %div3A_97 : vector<400x1xf32> to vector<400x128xf32>
    %sub3A_108 = arith.subf %add3A_85, %sub3A_107 : vector<400x128xf32>
    %add3A_109 = arith.constant 9.99999974E-6 : f32
    %add3A_110 = vector.broadcast %add3A_109 : f32 to vector<400x1xf32>
    %add3A_111 = arith.addf %div3A_106, %add3A_110 : vector<400x1xf32>
    %sqrt3A_112 = math.sqrt %add3A_111 : vector<400x1xf32>
    %div3A_113 = vector.broadcast %sqrt3A_112 : vector<400x1xf32> to vector<400x128xf32>
    %div3A_114 = arith.divf %sub3A_108, %div3A_113 : vector<400x128xf32>
    %mul3A_115 = vector.broadcast %get3A_88 : vector<1x128xf32> to vector<400x128xf32>
    %mul3A_116 = arith.mulf %div3A_114, %mul3A_115 : vector<400x128xf32>
    %add3A_117 = vector.broadcast %get3A_91 : vector<1x128xf32> to vector<400x128xf32>
    %add3A_118 = arith.addf %mul3A_116, %add3A_117 : vector<400x128xf32>
    %swap3A = arith.constant 0 : index
    %swap3A_119 = arith.constant 0 : index
    %swap3A_120 = vector.load %arg19[%swap3A, %swap3A_119] : memref<400x128xf32, #tpu.memory_space<vmem>>, vector<400x128xf32>
    tpu.vector_store %arg19[%swap3A, %swap3A_119], %add3A_118 {strides = array<i32>} : memref<400x128xf32, #tpu.memory_space<vmem>>, vector<400x128xf32>,
    %get3A_121 = arith.constant 0 : index
    %get3A_122 = arith.constant 0 : index
    %get3A_123 = vector.load %arg16[%get3A_121, %get3A_122] : memref<128x128xf32, #tpu.memory_space<vmem>>, vector<128x128xf32>
    %dot_general3A_124 = arith.constant dense<0.000000e+00> : vector<400x128xf32>
    %dot_general3A_125 = tpu.matmul %add3A_118, %get3A_123, %dot_general3A_124 {dimension_numbers = #tpu.dot_dimension_numbers<[1], [0], [0], [1], [0, 0, 1, 1], [], []>, transpose_lhs_hint = false} : vector<400x128xf32>, vector<128x128xf32>, vector<400x128xf32> -> vector<400x128xf32>
    %get3A_126 = arith.constant 0 : index
    %get3A_127 = arith.constant 0 : index
    %get3A_128 = vector.load %arg17[%get3A_126, %get3A_127] : memref<1x128xf32, #tpu.memory_space<vmem>>, vector<1x128xf32>
    %add3A_129 = vector.broadcast %get3A_128 : vector<1x128xf32> to vector<400x128xf32>
    %add3A_130 = arith.addf %dot_general3A_125, %add3A_129 : vector<400x128xf32>
    %swap3A_131 = arith.constant 0 : index
    %swap3A_132 = arith.constant 0 : index
    %swap3A_133 = vector.load %arg20[%swap3A_131, %swap3A_132] : memref<400x128xf32, #tpu.memory_space<vmem>>, vector<400x128xf32>
    tpu.vector_store %arg20[%swap3A_131, %swap3A_132], %add3A_130 {strides = array<i32>} : memref<400x128xf32, #tpu.memory_space<vmem>>, vector<400x128xf32>,
    %get3A_134 = arith.constant 0 : index
    %get3A_135 = arith.constant 0 : index
    %get3A_136 = vector.load %arg18[%get3A_134, %get3A_135] : memref<128x128xf32, #tpu.memory_space<vmem>>, vector<128x128xf32>
    %dot_general3A_137 = arith.constant dense<0.000000e+00> : vector<400x128xf32>
    %dot_general3A_138 = tpu.matmul %add3A_118, %get3A_136, %dot_general3A_137 {dimension_numbers = #tpu.dot_dimension_numbers<[1], [0], [0], [1], [0, 0, 1, 1], [], []>, transpose_lhs_hint = false} : vector<400x128xf32>, vector<128x128xf32>, vector<400x128xf32> -> vector<400x128xf32>
    %swap3A_139 = arith.constant 0 : index
    %swap3A_140 = arith.constant 0 : index
    %swap3A_141 = vector.load %arg21[%swap3A_139, %swap3A_140] : memref<400x128xf32, #tpu.memory_space<vmem>>, vector<400x128xf32>
    tpu.vector_store %arg21[%swap3A_139, %swap3A_140], %dot_general3A_138 {strides = array<i32>} : memref<400x128xf32, #tpu.memory_space<vmem>>, vector<400x128xf32>,
    return
  }
  func.func @transform_0(%arg0: i32) -> (i32, i32) {
    %c0_i32 = arith.constant 0 : i32
    %c0_i32_0 = arith.constant 0 : i32
    return %arg0, %c0_i32 : i32, i32
  }
  func.func @transform_1(%arg0: i32) -> (i32, i32) {
    %c0_i32 = arith.constant 0 : i32
    %c0_i32_0 = arith.constant 0 : i32
    return %arg0, %c0_i32 : i32, i32
  }
  func.func @transform_2(%arg0: i32) -> (i32, i32) {
    %c0_i32 = arith.constant 0 : i32
    %c0_i32_0 = arith.constant 0 : i32
    return %arg0, %c0_i32 : i32, i32
  }
  func.func @transform_3(%arg0: i32) -> (i32, i32) {
    %c0_i32 = arith.constant 0 : i32
    %c0_i32_0 = arith.constant 0 : i32
    return %arg0, %c0_i32 : i32, i32
  }
  func.func @transform_4(%arg0: i32) -> (i32, i32) {
    %c0_i32 = arith.constant 0 : i32
    %c0_i32_0 = arith.constant 0 : i32
    return %arg0, %c0_i32 : i32, i32
  }
  func.func @transform_5(%arg0: i32) -> (i32, i32) {
    %c0_i32 = arith.constant 0 : i32
    %c0_i32_0 = arith.constant 0 : i32
    %c0_i32_1 = arith.constant 0 : i32
    return %c0_i32, %c0_i32_0 : i32, i32
  }
  func.func @transform_6(%arg0: i32) -> (i32, i32) {
    %c0_i32 = arith.constant 0 : i32
    %c0_i32_0 = arith.constant 0 : i32
    %c0_i32_1 = arith.constant 0 : i32
    return %c0_i32, %c0_i32_0 : i32, i32
  }
  func.func @transform_7(%arg0: i32) -> (i32, i32) {
    %c0_i32 = arith.constant 0 : i32
    %c0_i32_0 = arith.constant 0 : i32
    %c0_i32_1 = arith.constant 0 : i32
    return %c0_i32, %c0_i32_0 : i32, i32
  }
  func.func @transform_8(%arg0: i32) -> (i32, i32) {
    %c0_i32 = arith.constant 0 : i32
    %c0_i32_0 = arith.constant 0 : i32
    %c0_i32_1 = arith.constant 0 : i32
    return %c0_i32, %c0_i32_0 : i32, i32
  }
  func.func @transform_9(%arg0: i32) -> (i32, i32) {
    %c0_i32 = arith.constant 0 : i32
    %c0_i32_0 = arith.constant 0 : i32
    %c0_i32_1 = arith.constant 0 : i32
    return %c0_i32, %c0_i32_0 : i32, i32
  }
  func.func @transform_10(%arg0: i32) -> (i32, i32) {
    %c0_i32 = arith.constant 0 : i32
    %c0_i32_0 = arith.constant 0 : i32
    %c0_i32_1 = arith.constant 0 : i32
    return %c0_i32, %c0_i32_0 : i32, i32
  }
  func.func @transform_11(%arg0: i32) -> (i32, i32) {
    %c0_i32 = arith.constant 0 : i32
    %c0_i32_0 = arith.constant 0 : i32
    %c0_i32_1 = arith.constant 0 : i32
    return %c0_i32, %c0_i32_0 : i32, i32
  }
  func.func @transform_12(%arg0: i32) -> (i32, i32) {
    %c0_i32 = arith.constant 0 : i32
    %c0_i32_0 = arith.constant 0 : i32
    %c0_i32_1 = arith.constant 0 : i32
    return %c0_i32, %c0_i32_0 : i32, i32
  }
  func.func @transform_13(%arg0: i32) -> (i32, i32) {
    %c0_i32 = arith.constant 0 : i32
    %c0_i32_0 = arith.constant 0 : i32
    %c0_i32_1 = arith.constant 0 : i32
    return %c0_i32, %c0_i32_0 : i32, i32
  }
  func.func @transform_14(%arg0: i32) -> (i32, i32) {
    %c0_i32 = arith.constant 0 : i32
    %c0_i32_0 = arith.constant 0 : i32
    %c0_i32_1 = arith.constant 0 : i32
    return %c0_i32, %c0_i32_0 : i32, i32
  }
  func.func @transform_15(%arg0: i32) -> (i32, i32) {
    %c0_i32 = arith.constant 0 : i32
    %c0_i32_0 = arith.constant 0 : i32
    %c0_i32_1 = arith.constant 0 : i32
    return %c0_i32, %c0_i32_0 : i32, i32
  }
  func.func @transform_16(%arg0: i32) -> (i32, i32) {
    %c0_i32 = arith.constant 0 : i32
    %c0_i32_0 = arith.constant 0 : i32
    %c0_i32_1 = arith.constant 0 : i32
    return %c0_i32, %c0_i32_0 : i32, i32
  }
  func.func @transform_17(%arg0: i32) -> (i32, i32) {
    %c0_i32 = arith.constant 0 : i32
    %c0_i32_0 = arith.constant 0 : i32
    %c0_i32_1 = arith.constant 0 : i32
    return %c0_i32, %c0_i32_0 : i32, i32
  }
  func.func @transform_18(%arg0: i32) -> (i32, i32) {
    %c0_i32 = arith.constant 0 : i32
    %c0_i32_0 = arith.constant 0 : i32
    return %arg0, %c0_i32 : i32, i32
  }
  func.func @transform_19(%arg0: i32) -> (i32, i32) {
    %c0_i32 = arith.constant 0 : i32
    %c0_i32_0 = arith.constant 0 : i32
    return %arg0, %c0_i32 : i32, i32
  }
  func.func @transform_20(%arg0: i32) -> (i32, i32) {
    %c0_i32 = arith.constant 0 : i32
    %c0_i32_0 = arith.constant 0 : i32
    return %arg0, %c0_i32 : i32, i32
  }
}

module attributes {stable_mosaic.version = 14 : i64} {
  func.func @_tc_edge_body(%arg0: i32, %arg1: memref<2560x128xf32, #tpu.memory_space<vmem>>, %arg2: memref<2560x128xf32, #tpu.memory_space<vmem>>, %arg3: memref<128x128xf32, #tpu.memory_space<vmem>>, %arg4: memref<128x128xf32, #tpu.memory_space<vmem>>, %arg5: memref<1x128xf32, #tpu.memory_space<vmem>>, %arg6: memref<1x128xf32, #tpu.memory_space<vmem>>, %arg7: memref<1x128xf32, #tpu.memory_space<vmem>>, %arg8: memref<2560x128xf32, #tpu.memory_space<vmem>>) attributes {dimension_semantics = [#tpu.dimension_semantics<arbitrary>], iteration_bounds = array<i64: 125>, scalar_prefetch = 0 : i64, scratch_operands = 0 : i64, tpu.core_type = #tpu.core_type<tc>, window_params = [{transform_indices = @transform_0, window_bounds = array<i64: 2560, 128>}, {transform_indices = @transform_1, window_bounds = array<i64: 2560, 128>}, {pipeline_mode = #tpu.pipeline_mode<synchronous>, transform_indices = @transform_2, window_bounds = array<i64: 128, 128>}, {pipeline_mode = #tpu.pipeline_mode<synchronous>, transform_indices = @transform_3, window_bounds = array<i64: 128, 128>}, {pipeline_mode = #tpu.pipeline_mode<synchronous>, transform_indices = @transform_4, window_bounds = array<i64: 1, 128>}, {pipeline_mode = #tpu.pipeline_mode<synchronous>, transform_indices = @transform_5, window_bounds = array<i64: 1, 128>}, {pipeline_mode = #tpu.pipeline_mode<synchronous>, transform_indices = @transform_6, window_bounds = array<i64: 1, 128>}, {transform_indices = @transform_7, window_bounds = array<i64: 2560, 128>}]} {
    %get3A = arith.constant 0 : index
    %get3A_0 = arith.constant 0 : index
    %get3A_1 = vector.load %arg1[%get3A, %get3A_0] : memref<2560x128xf32, #tpu.memory_space<vmem>>, vector<2560x128xf32>
    %get3A_2 = arith.constant 0 : index
    %get3A_3 = arith.constant 0 : index
    %get3A_4 = vector.load %arg2[%get3A_2, %get3A_3] : memref<2560x128xf32, #tpu.memory_space<vmem>>, vector<2560x128xf32>
    %get3A_5 = arith.constant 0 : index
    %get3A_6 = arith.constant 0 : index
    %get3A_7 = vector.load %arg3[%get3A_5, %get3A_6] : memref<128x128xf32, #tpu.memory_space<vmem>>, vector<128x128xf32>
    %dot_general3A = arith.constant dense<0.000000e+00> : vector<2560x128xf32>
    %dot_general3A_8 = tpu.matmul %get3A_4, %get3A_7, %dot_general3A {dimension_numbers = #tpu.dot_dimension_numbers<[1], [0], [0], [1], [0, 0, 1, 1], [], []>, transpose_lhs_hint = false} : vector<2560x128xf32>, vector<128x128xf32>, vector<2560x128xf32> -> vector<2560x128xf32>
    %add3A = arith.addf %get3A_1, %dot_general3A_8 : vector<2560x128xf32>
    %mul3A = arith.constant 5.000000e-01 : f32
    %mul3A_9 = vector.broadcast %mul3A : f32 to vector<2560x128xf32>
    %mul3A_10 = arith.mulf %add3A, %mul3A_9 : vector<2560x128xf32>
    %mul3A_11 = arith.constant 0.707106769 : f32
    %mul3A_12 = vector.broadcast %mul3A_11 : f32 to vector<2560x128xf32>
    %mul3A_13 = arith.mulf %add3A, %mul3A_12 : vector<2560x128xf32>
    %erf3A = math.erf %mul3A_13 : vector<2560x128xf32>
    %add3A_14 = arith.constant 1.000000e+00 : f32
    %add3A_15 = vector.broadcast %add3A_14 : f32 to vector<2560x128xf32>
    %add3A_16 = arith.addf %add3A_15, %erf3A : vector<2560x128xf32>
    %mul3A_17 = arith.mulf %mul3A_10, %add3A_16 : vector<2560x128xf32>
    %get3A_18 = arith.constant 0 : index
    %get3A_19 = arith.constant 0 : index
    %get3A_20 = vector.load %arg4[%get3A_18, %get3A_19] : memref<128x128xf32, #tpu.memory_space<vmem>>, vector<128x128xf32>
    %dot_general3A_21 = arith.constant dense<0.000000e+00> : vector<2560x128xf32>
    %dot_general3A_22 = tpu.matmul %mul3A_17, %get3A_20, %dot_general3A_21 {dimension_numbers = #tpu.dot_dimension_numbers<[1], [0], [0], [1], [0, 0, 1, 1], [], []>, transpose_lhs_hint = false} : vector<2560x128xf32>, vector<128x128xf32>, vector<2560x128xf32> -> vector<2560x128xf32>
    %get3A_23 = arith.constant 0 : index
    %get3A_24 = arith.constant 0 : index
    %get3A_25 = vector.load %arg5[%get3A_23, %get3A_24] : memref<1x128xf32, #tpu.memory_space<vmem>>, vector<1x128xf32>
    %add3A_26 = vector.broadcast %get3A_25 : vector<1x128xf32> to vector<2560x128xf32>
    %add3A_27 = arith.addf %dot_general3A_22, %add3A_26 : vector<2560x128xf32>
    %get3A_28 = arith.constant 0 : index
    %get3A_29 = arith.constant 0 : index
    %get3A_30 = vector.load %arg2[%get3A_28, %get3A_29] : memref<2560x128xf32, #tpu.memory_space<vmem>>, vector<2560x128xf32>
    %add3A_31 = arith.addf %get3A_30, %add3A_27 : vector<2560x128xf32>
    %get3A_32 = arith.constant 0 : index
    %get3A_33 = arith.constant 0 : index
    %get3A_34 = vector.load %arg6[%get3A_32, %get3A_33] : memref<1x128xf32, #tpu.memory_space<vmem>>, vector<1x128xf32>
    %get3A_35 = arith.constant 0 : index
    %get3A_36 = arith.constant 0 : index
    %get3A_37 = vector.load %arg7[%get3A_35, %get3A_36] : memref<1x128xf32, #tpu.memory_space<vmem>>, vector<1x128xf32>
    %reduce_sum3A = arith.constant dense<0.000000e+00> : vector<2560xf32>
    %reduce_sum3A_38 = vector.multi_reduction <add>, %add3A_31, %reduce_sum3A [1] : vector<2560x128xf32> to vector<2560xf32>
    %broadcast_in_dim3A = vector.shape_cast %reduce_sum3A_38 : vector<2560xf32> to vector<2560x1xf32>
    %div3A = arith.constant 1.280000e+02 : f32
    %div3A_39 = vector.broadcast %div3A : f32 to vector<2560x1xf32>
    %div3A_40 = arith.divf %broadcast_in_dim3A, %div3A_39 : vector<2560x1xf32>
    %sub3A = vector.broadcast %div3A_40 : vector<2560x1xf32> to vector<2560x128xf32>
    %sub3A_41 = arith.subf %add3A_31, %sub3A : vector<2560x128xf32>
    %integer_pow3A = arith.mulf %sub3A_41, %sub3A_41 : vector<2560x128xf32>
    %reduce_sum3A_42 = arith.constant dense<0.000000e+00> : vector<2560xf32>
    %reduce_sum3A_43 = vector.multi_reduction <add>, %integer_pow3A, %reduce_sum3A_42 [1] : vector<2560x128xf32> to vector<2560xf32>
    %broadcast_in_dim3A_44 = vector.shape_cast %reduce_sum3A_43 : vector<2560xf32> to vector<2560x1xf32>
    %div3A_45 = arith.constant 1.280000e+02 : f32
    %div3A_46 = vector.broadcast %div3A_45 : f32 to vector<2560x1xf32>
    %div3A_47 = arith.divf %broadcast_in_dim3A_44, %div3A_46 : vector<2560x1xf32>
    %sub3A_48 = vector.broadcast %div3A_40 : vector<2560x1xf32> to vector<2560x128xf32>
    %sub3A_49 = arith.subf %add3A_31, %sub3A_48 : vector<2560x128xf32>
    %add3A_50 = arith.constant 9.99999974E-6 : f32
    %add3A_51 = vector.broadcast %add3A_50 : f32 to vector<2560x1xf32>
    %add3A_52 = arith.addf %div3A_47, %add3A_51 : vector<2560x1xf32>
    %sqrt3A = math.sqrt %add3A_52 : vector<2560x1xf32>
    %div3A_53 = vector.broadcast %sqrt3A : vector<2560x1xf32> to vector<2560x128xf32>
    %div3A_54 = arith.divf %sub3A_49, %div3A_53 : vector<2560x128xf32>
    %mul3A_55 = vector.broadcast %get3A_34 : vector<1x128xf32> to vector<2560x128xf32>
    %mul3A_56 = arith.mulf %div3A_54, %mul3A_55 : vector<2560x128xf32>
    %add3A_57 = vector.broadcast %get3A_37 : vector<1x128xf32> to vector<2560x128xf32>
    %add3A_58 = arith.addf %mul3A_56, %add3A_57 : vector<2560x128xf32>
    %swap3A = arith.constant 0 : index
    %swap3A_59 = arith.constant 0 : index
    %swap3A_60 = vector.load %arg8[%swap3A, %swap3A_59] : memref<2560x128xf32, #tpu.memory_space<vmem>>, vector<2560x128xf32>
    tpu.vector_store %arg8[%swap3A, %swap3A_59], %add3A_58 {strides = array<i32>} : memref<2560x128xf32, #tpu.memory_space<vmem>>, vector<2560x128xf32>,
    return
  }
  func.func @transform_0(%arg0: i32) -> (i32, i32) {
    %c0_i32 = arith.constant 0 : i32
    %c0_i32_0 = arith.constant 0 : i32
    return %arg0, %c0_i32 : i32, i32
  }
  func.func @transform_1(%arg0: i32) -> (i32, i32) {
    %c0_i32 = arith.constant 0 : i32
    %c0_i32_0 = arith.constant 0 : i32
    return %arg0, %c0_i32 : i32, i32
  }
  func.func @transform_2(%arg0: i32) -> (i32, i32) {
    %c0_i32 = arith.constant 0 : i32
    %c0_i32_0 = arith.constant 0 : i32
    %c0_i32_1 = arith.constant 0 : i32
    return %c0_i32, %c0_i32_0 : i32, i32
  }
  func.func @transform_3(%arg0: i32) -> (i32, i32) {
    %c0_i32 = arith.constant 0 : i32
    %c0_i32_0 = arith.constant 0 : i32
    %c0_i32_1 = arith.constant 0 : i32
    return %c0_i32, %c0_i32_0 : i32, i32
  }
  func.func @transform_4(%arg0: i32) -> (i32, i32) {
    %c0_i32 = arith.constant 0 : i32
    %c0_i32_0 = arith.constant 0 : i32
    %c0_i32_1 = arith.constant 0 : i32
    return %c0_i32, %c0_i32_0 : i32, i32
  }
  func.func @transform_5(%arg0: i32) -> (i32, i32) {
    %c0_i32 = arith.constant 0 : i32
    %c0_i32_0 = arith.constant 0 : i32
    %c0_i32_1 = arith.constant 0 : i32
    return %c0_i32, %c0_i32_0 : i32, i32
  }
  func.func @transform_6(%arg0: i32) -> (i32, i32) {
    %c0_i32 = arith.constant 0 : i32
    %c0_i32_0 = arith.constant 0 : i32
    %c0_i32_1 = arith.constant 0 : i32
    return %c0_i32, %c0_i32_0 : i32, i32
  }
  func.func @transform_7(%arg0: i32) -> (i32, i32) {
    %c0_i32 = arith.constant 0 : i32
    %c0_i32_0 = arith.constant 0 : i32
    return %arg0, %c0_i32 : i32, i32
  }
}

</mosaic_0001>

<sc_bundles>
// kernel: kernel.10.cloned.1.call-start
scs
__scs_entry_jumppad:
0x0: {  	(pc) =	sbr.rel $0x88, $3  }
0x1: {  	(tag) =	ssettag $0x0;
	lr =	simm.s32 $0x1  }
0x2: {  	[smem:$0x3F86] =	sst lr;
	_ =	strace $0xD0000000  }
0x3: {  	_ = 	snop  }
0x4: {  	_ = 	snop  }
0x5: {  	_ = 	snop  }
0x6: {  	_ = 	snop  }
0x7: {  	_ = 	snop  }
__scs_overlays_trampoline_lowered:
0x8: {  	[smem:$0x3F95] =	sst s0  }
0x9: {  	[smem:$0x3F96] =	sst s1  }
0xa: {  	[smem:$0x3F97] =	sst s2  }
0xb: {  	[smem:$0x3F98] =	sst s3  }
0xc: {  	[smem:$0x3F99] =	sst s4  }
0xd: {  	[smem:$0x3F9A] =	sst s5  }
0xe: {  	[smem:$0x3F9B] =	sst s6  }
0xf: {  	[smem:$0x3F9C] =	sst s7  }
0x10: {  	[smem:$0x3F9D] =	sst s8  }
0x11: {  	[smem:$0x3F9E] =	sst s9;
	s0 =	simm.s32 @!p0 $0x0  }
0x12: {  	s1 =	sld [smem:$0x3F84];
	s0 =	simm.s32 @p0 $0x1  }
0x13: {  	[smem:$0x3F9F] =	sst s0;
	s0 =	simm.s32 @!p1 $0x0  }
0x14: {  	s2 =	sld [smem:$0x3F83];
	s0 =	simm.s32 @p1 $0x1  }
0x15: {  	[smem:$0x3FA0] =	sst s0;
	s0 =	simm.s32 @!p2 $0x0  }
0x16: {  	s3 =	sld [smem:$0x3FDB];
	s0 =	simm.s32 @p2 $0x1  }
0x17: {  	s4 =	simm.s32 $0x1BF5;
	[smem:$0x3FA2] =	sst s0  }
0x18: {  	s0 =	sld [smem:$0x3F85];
	_ =	swait.ge [sflag:s4], $0x0  }
0x19: {  	s7 =	sld [smem:$0x3F86]  }
0x1a: {  	s8 =	sadd.s32 $0xFFFFE003, lr  }
0x1b: {  	s9 =	sadd.s32 $0xFFFFFEF7, lr;
	s5 =	simm.s32 $0xFFFFFFFF;
	p2 =	slt.u32 s8, $0xFFFFF086  }
0x1c: {  	p1 =	slt.u32 s9, $0xF7A;
	s5 =	simm.s32 @!p2 $0x0  }
0x1d: {  	s5 =	simm.s32 @p1 $0x1;
	p0 =	seq.s32 s7, s2  }
0x1e: {  	s7 =	smul.u32 @!p0 $0xF7A, s2;
	p2 =	seq.s32 @!p0 s5, $0x0  }
0x1f: {  	s9 =	smul.u32 $0xF7A, s1;
	s8 =	simm.s32 @!p0 $0x1BF5;
	p2 =	por !p2, p0  }
0x20: {  	[sflag:s8] =	ssyncset.s32 @!p0 $0xFFFFF086;
	s6 =	sadd.s32 @!p0 s3, s7;
	s7 =	simm.s32 @!p0 $0x108  }
0x21: {  	s3 =	sadd.s32 s3, s9;
	s6 =	sadd.s32 @!p0 $0x88, s6;
	s7 =	simm.s32 @p2 $0x1082  }
0x22: {  	[simem:s7], [sflag:s8] =	dma.local @!p0 [hbm:s6], $0xF7A  }
0x23: {  	s9 =	sor.u32 $0xD0000000, s2;
	s6 =	simm.s32 $0x108;
	_ =	swait.ge @!p0 [sflag:s8], $0x0  }
0x24: {  	s3 =	sadd.s32 $0x88, s3;
	s6 =	simm.s32 @!p1 $0x1082;
	[sflag:s4] =	ssyncset.s32 $0xFFFFF086  }
0x25: {  	[simem:s6], [sflag:s4] =	dma.local [hbm:s3], $0xF7A  }
0x26: {  	[smem:$0x3F86] =	sst s1;
	(tag) =	ssettag s2;
	_ =	strace s9  }
0x27: {  	s1 =	sld [smem:$0x3F96]  }
0x28: {  	s2 =	sld [smem:$0x3F97]  }
0x29: {  	s4 =	sld [smem:$0x3F99]  }
0x2a: {  	p0 =	seq.s32 s5, $0x0;
	s5 =	sld [smem:$0x3F9A]  }
0x2b: {  	s6 =	sld [smem:$0x3F9B]  }
0x2c: {  	s7 =	sld [smem:$0x3F9C]  }
0x2d: {  	s3 =	simm.s32 $0x108;
	s8 =	sld [smem:$0x3F9D]  }
0x2e: {  	s3 =	simm.s32 @!p0 $0x1082;
	s9 =	sld [smem:$0x3F9E]  }
0x2f: {  	lr =	sadd.s32 s0, s3;
	s0 =	sld [smem:$0x3F95]  }
0x30: {  	s3 =	sld [smem:$0x3F98]  }
0x31: {  	[smem:$0x3FA1] =	sst s10  }
0x32: {  	s10 =	sld [smem:$0x3F9F];
	_ =	sdelay $0x3  }
0x33: {  	p0 =	seq.s32 s10, $0x1;
	s10 =	sld [smem:$0x3FA1];
	_ =	sdelay $0x3  }
0x34: {  	[smem:$0x3FA1] =	sst s10  }
0x35: {  	s10 =	sld [smem:$0x3FA0];
	_ =	sdelay $0x3  }
0x36: {  	p1 =	seq.s32 s10, $0x1;
	s10 =	sld [smem:$0x3FA1];
	_ =	sdelay $0x3  }
0x37: {  	[smem:$0x3FA1] =	sst s10  }
0x38: {  	s10 =	sld [smem:$0x3FA2]  }
0x39: {  	_ = 	snop;
	(pc) =	sbr.ind lr, $3  }
0x3a: {  	_ = 	snop  }
0x3b: {  	_ = 	snop  }
0x3c: {  	p2 =	seq.s32 s10, $0x1;
	s10 =	sld [smem:$0x3FA1]  }
0x3d: {  	_ =	shalt  }
0x3e: {  	_ =	shalt  }
0x3f: {  	_ =	shalt  }
0x40: {  	_ =	shalt  }
0x41: {  	_ =	shalt  }
0x42: {  	_ =	shalt  }
0x43: {  	_ =	shalt  }
0x44: {  	_ =	shalt  }
0x45: {  	_ =	shalt  }
0x46: {  	_ =	shalt  }
0x47: {  	_ =	shalt  }
0x48: {  	_ =	shalt  }
0x49: {  	_ =	shalt  }
0x4a: {  	_ =	shalt  }
0x4b: {  	_ =	shalt  }
0x4c: {  	_ =	shalt  }
0x4d: {  	_ =	shalt  }
0x4e: {  	_ =	shalt  }
0x4f: {  	_ =	shalt  }
0x50: {  	_ =	shalt  }
0x51: {  	_ =	shalt  }
0x52: {  	_ =	shalt  }
0x53: {  	_ =	shalt  }
0x54: {  	_ =	shalt  }
0x55: {  	_ =	shalt  }
0x56: {  	_ =	shalt  }
0x57: {  	_ =	shalt  }
0x58: {  	_ =	shalt  }
0x59: {  	_ =	shalt  }
0x5a: {  	_ =	shalt  }
0x5b: {  	_ =	shalt  }
0x5c: {  	_ =	shalt  }
0x5d: {  	_ =	shalt  }
0x5e: {  	_ =	shalt  }
0x5f: {  	_ =	shalt  }
0x60: {  	_ =	shalt  }
0x61: {  	_ =	shalt  }
0x62: {  	_ =	shalt  }
0x63: {  	_ =	shalt  }
0x64: {  	_ =	shalt  }
0x65: {  	_ =	shalt  }
0x66: {  	_ =	shalt  }
0x67: {  	_ =	shalt  }
0x68: {  	_ =	shalt  }
0x69: {  	_ =	shalt  }
0x6a: {  	_ =	shalt  }
0x6b: {  	_ =	shalt  }
0x6c: {  	_ =	shalt  }
0x6d: {  	_ =	shalt  }
0x6e: {  	_ =	shalt  }
0x6f: {  	_ =	shalt  }
0x70: {  	_ =	shalt  }
0x71: {  	_ =	shalt  }
0x72: {  	_ =	shalt  }
0x73: {  	_ =	shalt  }
0x74: {  	_ =	shalt  }
0x75: {  	_ =	shalt  }
0x76: {  	_ =	shalt  }
0x77: {  	_ =	shalt  }
0x78: {  	_ =	shalt  }
0x79: {  	_ =	shalt  }
0x7a: {  	_ =	shalt  }
0x7b: {  	_ =	shalt  }
0x7c: {  	_ =	shalt  }
0x7d: {  	_ =	shalt  }
0x7e: {  	_ =	shalt  }
0x7f: {  	_ =	shalt  }
0x80: {  	_ =	shalt  }
0x81: {  	_ =	shalt  }
0x82: {  	_ =	shalt  }
0x83: {  	_ =	shalt  }
0x84: {  	_ =	shalt  }
0x85: {  	_ =	shalt  }
0x86: {  	_ =	shalt  }
0x87: {  	_ =	shalt  }
.Lfunc_end0:
.L_simem_size_0:
called_computation_lowered:
.L_overlay_start_0:
0x88: {  	s2 =	sld [smem:$0x3FD9]  }
0x89: {  	s3 =	sld [smem:$0x3FFE];
	_ =	sdelay $0x1  }
0x8a: {  	s1 =	srdreg.scid  }
0x8b: {  	s0 =	sand.u32 $0x1, s1  }
0x8c: {  	s16 =	sshll.u32 s0, $0xA;
	s2 =	sadd.s32 s3, s2  }
0x8d: {  	s2 =	sadd.s32 s2, s16  }
0x8e: {  	[smem:$0x3FAD] =	sst s2  }
0x8f: {  	_ = 	snop  }
0x90: {  	(tm) =	ssettm $0x1  }
0x91: {  	s17 =	sld [smem:$0x3FFB];
	_ =	sdelay $0x3  }
0x92: {  	_ =	strace s17  }
0x93: {  	s2 =	sld [smem:$0x3FFC];
	_ =	sdelay $0x3  }
0x94: {  	_ =	strace s2  }
0x95: {  	s2 =	sld [smem:$0x3FFD];
	_ =	sdelay $0x3  }
0x96: {  	_ =	strace s2  }
0x97: {  	_ =	strace $0x8FFFFFFF  }
0x98: {  	s18 =	sld [smem:$0x3FDB];
	_ =	sdelay $0x1  }
0x99: {  	s19 =	simm.s32 $_scs_section_size  }
0x9a: {  	s4 =	simm.s32 $_size__tile_overlayer_lowered;
	s5 =	simm.s32 $_tile_overlayer_lowered  }
0x9b: {  	s22 =	simm.s32 $0x1BFF;
	s21 =	sshll.u32 s5, $0x1;
	s2 =	sadd.s32 s19, s18  }
0x9c: {  	s6 =	simm.s32 $0x0;
	s20 =	sshll.u32 s4, $0x1;
	s4 =	sadd.s32 s21, s2  }
0x9d: {  	[timem:s6], [sflag:s22] =	dma.local [hbm:s4], s20  }
0x9e: {  	_ =	swait.ge [sflag:s22], s20  }
0x9f: {  	s3 =	ssub.s32 $0x0, s20;
	[sflag:s22] =	ssyncset.done $0x0  }
0xa0: {  	[sflag:s22] =	ssyncadd.s32 s3;
	_ =	sdelay $0x1  }
0xa1: {  	s23 =	simm.s32 $0x1B8B  }
0xa2: {  	_ =	swait.ge [sflag:s23], $0x1  }
0xa3: {  	[sflag:s23] =	ssyncset.done $0x0  }
0xa4: {  	s25 =	simm.s32 $0x1B8E;
	s24 =	sld [smem:$0x3FFE];
	[sflag:s23] =	ssyncadd.s32 $0xFFFFFFFF  }
0xa5: {  	s26 =	simm.s32 $execute0_lowered;
	[smem:$0x3FD2] =	sst s25  }
0xa6: {  	s4 =	sshll.u32 s26, $0x1;
	_ =	strace $0x80000046;
	[dreg:$0x1] =	wrdreg $0xFFFFFFFF  }
0xa7: {  	s28 =	simm.s32 $_size_execute0_lowered;
	s2 =	sadd.s32 s2, s4;
	[dreg:$0x0] =	wrdreg $0x0  }
0xa8: {  	s4 =	sshll.u32 s28, $0x1;
	[dreg:$0x2] =	wrdreg s2  }
0xa9: {  	[dreg:$0x3] =	wrdreg s4  }
0xaa: {  	[dreg:$0x4] =	wrdreg $0xC0  }
0xab: {  	_ =	task [dreg:s6], $0x5FFFF  }
0xac: {  	[dreg:$0x1] =	wrdreg $0xFFFFFFFF  }
0xad: {  	[dreg:$0x0] =	wrdreg $0x60  }
0xae: {  	[dreg:$0x2] =	wrdreg s24  }
0xaf: {  	[dreg:$0x3] =	wrdreg $0x9  }
0xb0: {  	_ =	task.clear_ibuf [dreg:s6], $0x4FFFF;
	_ =	strace $0x90000046  }
0xb1: {  	s29 =	simm.s32 $0x9;
	_ =	strace $0x80000048  }
0xb2: {  	_ =	swait.ge [sflag:s29], $0x1  }
0xb3: {  	[sflag:s29] =	ssyncadd.s32 $0xFFFFFFFF  }
0xb4: {  	_ =	strace $0x90000048  }
0xb5: {  	_ =	sfence  }
0xb6: {  	s30 =	sld [smem:$0x0];
	_ =	sdelay $0x2  }
0xb7: {  	s31 =	sshll.u32 s1, $0xD;
	s1 =	sshrl.u32 s1, $0x2  }
0xb8: {  	s3 =	sand.u32 $0x4000, s31;
	s1 =	sadd.s32 s1, s30  }
0xb9: {  	s0 =	sor.u32 s3, s0;
	s1 =	sshll.u32 s1, $0x11  }
0xba: {  	s0 =	sor.u32 s1, s0  }
0xbb: {  	s0 =	sadd.s32 $0x8F2B, s0  }
0xbc: {  	[sflag:s0] =	ssyncadd.remote.s32 $0x1  }
0xbd: {  	_ =	sfence.sel $0xFFFF  }
0xbe: {  	[dreg:$0x0] =	wrdreg $0xFFFFFFFF;
	(pc) =	sbr.abs _section_cstart, $3  }
0xbf: {  	[dreg:$0x1] =	wrdreg $0xFFFFFFFF  }
0xc0: {  	_ =	task.clear_ibuf [dreg:s6], $0x2FFFF;
	_ =	strace $0x9FFFFFFF  }
0xc1: {  	(tm) =	ssettm $0x7FFFFFFF  }
tec
execute0_lowered:
.L_overlay_start_1:
0x0: {  	(tag) =	ssettag $0x1  }
0x1: {  	s0 =	srdreg.scid;
	s14 =	stileid.u32  }
0x2: {  	s1 =	rddreg [dreg:$0x0];
	s2 =	simm.s32 $0x0;
	s18 =	simm.s32 $0x50  }
0x3: {  	s19 =	simm.s32 $0x4F00;
	s20 =	simm.s32 $0x7700;
	s22 =	simm.s32 $0x9F00  }
0x4: {  	s23 =	simm.s32 $0xC700;
	s24 =	simm.s32 $0x1;
	s25 =	simm.s32 $0x2  }
0x5: {  	s26 =	simm.s32 $0x3;
	s28 =	simm.s32 $0x4;
	s0 =	sand.u32 $0x1, s0  }
0x6: {  	s3 =	sshll.u32 s14, $0x1;
	[smem:$0x7FF] =	sst s2;
	s14 =	smul.u32 $0x4E200, s14  }
0x7: {  	s5 =	sor.u32 s0, s3;
	s7 =	ssub.s32 $0x2, s0;
	s0 =	smul.u32 $0x27100, s0  }
0x8: {  	s4 =	sadd.s32 $0x40600, s1;
	s13 =	sadd.s32 $0x67800, s1;
	s6 =	smul.u32 $0x2710, s5  }
0x9: {  	s31 =	simm.s32 $0x0;
	_ =	strace $0x80000047;
	s8 =	smul.u32 $0x138800, s5  }
0xa: {  	s3 =	sadd.s32 $0x19400, s1;
	s9 =	sshrl.u32 s7, $0x1;
	s12 =	smul.u32 $0x27100, s5  }
0xb: {  	s16 =	sadd.s32 s14, s13;
	s9 =	ssub.s32 s7, s9;
	s6 =	sshrl.u32 s6, $0x3  }
0xc: {  	s29 =	sshrl.u32 s8, $0x3;
	s11 =	sadd.s32 $0x26200, s12;
	s9 =	smax.u32 s9, $0x1  }
0xd: {  	s15 =	sadd.s32 $0x26700, s12;
	s6 =	sadd.s32 s6, s1;
	s1 =	sadd.s32 $0x549800, s1  }
0xe: {  	s8 =	sadd.s32 $0x26C00, s29;
	s10 =	sadd.s32 s13, s11;
	s12 =	sadd.s32 s13, s15  }
0xf: {  	s30 =	sadd.s32 $0xF600, s6;
	s6 =	sadd.s32 $0x5800, s6;
	s7 =	sadd.s32 s13, s8  }
0x10: {  	s8 =	sadd.s32 s1, s8;
	s11 =	sadd.s32 s1, s11;
	s17 =	sadd.s32 s14, s1  }
0x11: {  	s13 =	sadd.s32 s1, s15;
	s14 =	sadd.s32 s0, s16;
	s16 =	simm.s32 $0x5  }
0x12: {  	[dreg:$0x2] =	wrdreg s30;
	s15 =	sadd.s32 s0, s17;
	s17 =	simm.s32 $0x2780  }
.LBB2_1:
0x13: {  	s0 =	rddreg [dreg:$0x2]  }
0x14: {  	[tilespmem:s2], [sflag:$0x5] =	stream.linear.gather [hbm4b:s0+s2], $0x2710, $0x38;
	[tilespmem:$0xEF00] =	vst v63  }
0x15: {  	_ =	swait.ge [sflag:s16], $0x2710  }
0x16: {  	[sflag:s16] =	ssyncset.done $0x0  }
0x17: {  	[sflag:s16] =	ssyncadd.s32 $0xFFFFD8F0  }
0x18: {  	[tilespmem:s17], [sflag:$0x5] =	stream.linear.gather [hbm4b:s6+s2], $0x2710, $0x38;
	[tilespmem:$0xEF00] =	vst v63  }
0x19: {  	_ =	swait.ge [sflag:s16], $0x2710  }
0x1a: {  	[sflag:s16] =	ssyncset.done $0x0  }
0x1b: {  	[sflag:s16] =	ssyncadd.s32 $0xFFFFD8F0  }
0x1c: {  	[tilespmem:s19], [sflag:$0x1] =	stream.indirect.gather [hbm4b:s3+s18], $0x80, s17, s18, $0xb8;
	[tilespmem:$0xEF00] =	vst v63  }
0x1d: {  	_ = 	snop  }
0x1e: {  	[tilespmem:s20], [sflag:$0x1] =	stream.indirect.gather [hbm4b:s4+s18], $0x80, s2, s18, $0xb8;
	[tilespmem:$0xEF00] =	vst v63  }
0x1f: {  	s21 =	simm.s32 $0x27D0  }
0x20: {  	[tilespmem:s22], [sflag:$0x2] =	stream.indirect.gather [hbm4b:s3+s18], $0x80, s21, s18, $0xb8;
	[tilespmem:$0xEF00] =	vst v63  }
0x21: {  	_ = 	snop  }
0x22: {  	[tilespmem:s23], [sflag:$0x2] =	stream.indirect.gather [hbm4b:s4+s18], $0x80, s18, s18, $0xb8;
	[tilespmem:$0xEF00] =	vst v63  }
0x23: {  	_ =	swait.ge [sflag:s24], $0x2800  }
0x24: {  	[sflag:s24] =	ssyncset.done $0x0  }
0x25: {  	[sflag:s24] =	ssyncadd.s32 $0xFFFFD800  }
0x26: {  	_ =	swait.ge [sflag:s24], $0x2800  }
0x27: {  	[sflag:s24] =	ssyncset.done $0x0  }
0x28: {  	s30 =	sadd.s32 $0x0, s14;
	[sflag:s24] =	ssyncadd.s32 $0xFFFFD800  }
0x29: {  	[hbm4b:s30+s2] =	stream.linear.scatter [tilespmem:s19], [sflag:$0x3], $0x2800, $0x38;
	[tilespmem:$0xEF00] =	vst v63  }
0x2a: {  	s1 =	sadd.s32 $0x0, s15  }
0x2b: {  	[hbm4b:s1+s2] =	stream.linear.scatter [tilespmem:s20], [sflag:$0x3], $0x2800, $0x38;
	[tilespmem:$0xEF00] =	vst v63  }
0x2c: {  	_ =	swait.ge [sflag:s25], $0x2800  }
0x2d: {  	[sflag:s25] =	ssyncset.done $0x0  }
0x2e: {  	[sflag:s25] =	ssyncadd.s32 $0xFFFFD800  }
0x2f: {  	_ =	swait.ge [sflag:s25], $0x2800  }
0x30: {  	[sflag:s25] =	ssyncset.done $0x0  }
0x31: {  	s0 =	sadd.s32 $0x500, s30;
	[sflag:s25] =	ssyncadd.s32 $0xFFFFD800  }
0x32: {  	[hbm4b:s0+s2] =	stream.linear.scatter [tilespmem:s22], [sflag:$0x4], $0x2800, $0x38;
	[tilespmem:$0xEF00] =	vst v63  }
0x33: {  	s1 =	sadd.s32 $0x500, s1  }
0x34: {  	[hbm4b:s1+s2] =	stream.linear.scatter [tilespmem:s23], [sflag:$0x4], $0x2800, $0x38;
	[tilespmem:$0xEF00] =	vst v63  }
0x35: {  	_ =	swait.ge [sflag:s26], $0x2800  }
0x36: {  	[sflag:s26] =	ssyncset.done $0x0  }
0x37: {  	[sflag:s26] =	ssyncadd.s32 $0xFFFFD800  }
0x38: {  	_ =	swait.ge [sflag:s26], $0x2800  }
0x39: {  	[sflag:s26] =	ssyncset.done $0x0  }
0x3a: {  	s5 =	simm.s32 $0x2820;
	[sflag:s26] =	ssyncadd.s32 $0xFFFFD800  }
0x3b: {  	[tilespmem:s19], [sflag:$0x1] =	stream.indirect.gather [hbm4b:s3+s18], $0x80, s5, s18, $0xb8;
	[tilespmem:$0xEF00] =	vst v63  }
0x3c: {  	s21 =	simm.s32 $0xA0  }
0x3d: {  	[tilespmem:s20], [sflag:$0x1] =	stream.indirect.gather [hbm4b:s4+s18], $0x80, s21, s18, $0xb8;
	[tilespmem:$0xEF00] =	vst v63  }
0x3e: {  	_ =	swait.ge [sflag:s28], $0x2800  }
0x3f: {  	[sflag:s28] =	ssyncset.done $0x0  }
0x40: {  	[sflag:s28] =	ssyncadd.s32 $0xFFFFD800  }
0x41: {  	s29 =	simm.s32 $0x190;
	_ =	swait.ge [sflag:s28], $0x2800  }
0x42: {  	s30 =	simm.s32 $0x2870;
	s0 =	simm.s32 $0xA00;
	[sflag:s28] =	ssyncset.done $0x0  }
0x43: {  	s1 =	simm.s32 $0xF0;
	s21 =	simm.s32 $0x2910;
	[sflag:s28] =	ssyncadd.s32 $0xFFFFD800  }
0x44: {  	[tilespmem:s22], [sflag:$0x2] =	stream.indirect.gather [hbm4b:s3+s18], $0x80, s30, s18, $0xb8;
	[tilespmem:$0xEF00] =	vst v63  }
.LBB2_2:
0x45: {  	[tilespmem:s23], [sflag:$0x2] =	stream.indirect.gather [hbm4b:s4+s18], $0x80, s1, s18, $0xb8;
	[tilespmem:$0xEF00] =	vst v63  }
0x46: {  	s30 =	smov.u32 s0;
	s1 =	smov.u32 s29  }
0x47: {  	p0 =	sne.s32 s0, $0x25800;
	s0 =	sadd.s32 $0xA00, s0;
	_ =	swait.ge [sflag:s24], $0x2800  }
0x48: {  	[sflag:s24] =	ssyncset.done $0x0  }
0x49: {  	[sflag:s24] =	ssyncadd.s32 $0xFFFFD800  }
0x4a: {  	_ =	swait.ge [sflag:s24], $0x2800  }
0x4b: {  	[sflag:s24] =	ssyncset.done $0x0  }
0x4c: {  	s5 =	sadd.s32 s30, s14;
	[sflag:s24] =	ssyncadd.s32 $0xFFFFD800  }
0x4d: {  	[hbm4b:s5+s2] =	stream.linear.scatter [tilespmem:s19], [sflag:$0x3], $0x2800, $0x38;
	[tilespmem:$0xEF00] =	vst v63  }
0x4e: {  	s30 =	sadd.s32 s30, s15  }
0x4f: {  	[hbm4b:s30+s2] =	stream.linear.scatter [tilespmem:s20], [sflag:$0x3], $0x2800, $0x38;
	[tilespmem:$0xEF00] =	vst v63  }
0x50: {  	_ =	swait.ge [sflag:s25], $0x2800  }
0x51: {  	[sflag:s25] =	ssyncset.done $0x0  }
0x52: {  	[sflag:s25] =	ssyncadd.s32 $0xFFFFD800  }
0x53: {  	_ =	swait.ge [sflag:s25], $0x2800  }
0x54: {  	[sflag:s25] =	ssyncset.done $0x0  }
0x55: {  	s5 =	sadd.s32 $0x500, s5;
	[sflag:s25] =	ssyncadd.s32 $0xFFFFD800  }
0x56: {  	[hbm4b:s5+s2] =	stream.linear.scatter [tilespmem:s22], [sflag:$0x4], $0x2800, $0x38;
	[tilespmem:$0xEF00] =	vst v63  }
0x57: {  	s5 =	sadd.s32 $0x500, s30  }
0x58: {  	[hbm4b:s5+s2] =	stream.linear.scatter [tilespmem:s23], [sflag:$0x4], $0x2800, $0x38;
	[tilespmem:$0xEF00] =	vst v63  }
0x59: {  	_ =	swait.ge [sflag:s26], $0x2800  }
0x5a: {  	[sflag:s26] =	ssyncset.done $0x0  }
0x5b: {  	[sflag:s26] =	ssyncadd.s32 $0xFFFFD800  }
0x5c: {  	_ =	swait.ge [sflag:s26], $0x2800  }
0x5d: {  	[sflag:s26] =	ssyncset.done $0x0  }
0x5e: {  	s5 =	sadd.s32 $0xFFFFFFB0, s21;
	[sflag:s26] =	ssyncadd.s32 $0xFFFFD800  }
0x5f: {  	[tilespmem:s19], [sflag:$0x1] =	stream.indirect.gather [hbm4b:s3+s18], $0x80, s5, s18, $0xb8;
	[tilespmem:$0xEF00] =	vst v63  }
0x60: {  	s5 =	sadd.s32 $0xFFFFFFB0, s29  }
0x61: {  	[tilespmem:s20], [sflag:$0x1] =	stream.indirect.gather [hbm4b:s4+s18], $0x80, s5, s18, $0xb8;
	[tilespmem:$0xEF00] =	vst v63  }
0x62: {  	_ =	swait.ge [sflag:s28], $0x2800  }
0x63: {  	[sflag:s28] =	ssyncset.done $0x0  }
0x64: {  	[sflag:s28] =	ssyncadd.s32 $0xFFFFD800  }
.Ltmp0:
0x65: {  	_ =	swait.ge [sflag:s28], $0x2800;
	(pc) =	sbr.rel @p0 .LBB2_2-.Ltmp0, $4  }
0x66: {  	[sflag:s28] =	ssyncset.done $0x0  }
0x67: {  	[sflag:s28] =	ssyncadd.s32 $0xFFFFD800  }
0x68: {  	[tilespmem:s22], [sflag:$0x2] =	stream.indirect.gather [hbm4b:s3+s18], $0x80, s21, s18, $0xb8;
	[tilespmem:$0xEF00] =	vst v63  }
0x69: {  	s29 =	sadd.s32 $0xA0, s29;
	s21 =	sadd.s32 $0xA0, s21  }
0x6a: {  	[tilespmem:s23], [sflag:$0x2] =	stream.indirect.gather [hbm4b:s4+s18], $0x80, s1, s18, $0xb8;
	[tilespmem:$0xEF00] =	vst v63  }
0x6b: {  	_ =	swait.ge [sflag:s24], $0x2800  }
0x6c: {  	[sflag:s24] =	ssyncset.done $0x0  }
0x6d: {  	[sflag:s24] =	ssyncadd.s32 $0xFFFFD800  }
0x6e: {  	_ =	swait.ge [sflag:s24], $0x2800  }
0x6f: {  	[sflag:s24] =	ssyncset.done $0x0  }
0x70: {  	[sflag:s24] =	ssyncadd.s32 $0xFFFFD800  }
0x71: {  	[hbm4b:s10+s2] =	stream.linear.scatter [tilespmem:s19], [sflag:$0x3], $0x2800, $0x38;
	[tilespmem:$0xEF00] =	vst v63  }
0x72: {  	_ = 	snop  }
0x73: {  	[hbm4b:s11+s2] =	stream.linear.scatter [tilespmem:s20], [sflag:$0x3], $0x2800, $0x38;
	[tilespmem:$0xEF00] =	vst v63  }
0x74: {  	_ =	swait.ge [sflag:s25], $0x2800  }
0x75: {  	[sflag:s25] =	ssyncset.done $0x0  }
0x76: {  	[sflag:s25] =	ssyncadd.s32 $0xFFFFD800  }
0x77: {  	_ =	swait.ge [sflag:s25], $0x2800  }
0x78: {  	[sflag:s25] =	ssyncset.done $0x0  }
0x79: {  	[sflag:s25] =	ssyncadd.s32 $0xFFFFD800  }
0x7a: {  	[hbm4b:s12+s2] =	stream.linear.scatter [tilespmem:s22], [sflag:$0x4], $0x2800, $0x38;
	[tilespmem:$0xEF00] =	vst v63  }
0x7b: {  	_ = 	snop  }
0x7c: {  	[hbm4b:s13+s2] =	stream.linear.scatter [tilespmem:s23], [sflag:$0x4], $0x2800, $0x38;
	[tilespmem:$0xEF00] =	vst v63  }
0x7d: {  	_ =	swait.ge [sflag:s26], $0x2800  }
0x7e: {  	[sflag:s26] =	ssyncset.done $0x0  }
0x7f: {  	[sflag:s26] =	ssyncadd.s32 $0xFFFFD800  }
0x80: {  	_ =	swait.ge [sflag:s26], $0x2800  }
0x81: {  	[sflag:s26] =	ssyncset.done $0x0  }
0x82: {  	s0 =	simm.s32 $0x4E40;
	[sflag:s26] =	ssyncadd.s32 $0xFFFFD800  }
0x83: {  	[tilespmem:s19], [sflag:$0x1] =	stream.indirect.gather [hbm4b:s3+s18], $0x80, s0, s18, $0xb8;
	[tilespmem:$0xEF00] =	vst v63  }
0x84: {  	s30 =	simm.s32 $0x26C0  }
0x85: {  	[tilespmem:s20], [sflag:$0x1] =	stream.indirect.gather [hbm4b:s4+s18], $0x80, s30, s18, $0xb8;
	[tilespmem:$0xEF00] =	vst v63  }
0x86: {  	_ =	swait.ge [sflag:s28], $0x2800  }
0x87: {  	[sflag:s28] =	ssyncset.done $0x0  }
0x88: {  	[sflag:s28] =	ssyncadd.s32 $0xFFFFD800  }
0x89: {  	_ =	swait.ge [sflag:s28], $0x2800  }
0x8a: {  	[sflag:s28] =	ssyncset.done $0x0  }
0x8b: {  	[sflag:s28] =	ssyncadd.s32 $0xFFFFD800  }
0x8c: {  	_ =	swait.ge [sflag:s24], $0x2800  }
0x8d: {  	[sflag:s24] =	ssyncset.done $0x0  }
0x8e: {  	[sflag:s24] =	ssyncadd.s32 $0xFFFFD800  }
0x8f: {  	_ =	swait.ge [sflag:s24], $0x2800  }
0x90: {  	[sflag:s24] =	ssyncset.done $0x0  }
0x91: {  	[sflag:s24] =	ssyncadd.s32 $0xFFFFD800  }
0x92: {  	[hbm4b:s7+s2] =	stream.linear.scatter [tilespmem:s19], [sflag:$0x3], $0x2800, $0x38;
	[tilespmem:$0xEF00] =	vst v63  }
0x93: {  	s31 =	sadd.s32 $0x1, s31  }
0x94: {  	[hbm4b:s8+s2] =	stream.linear.scatter [tilespmem:s20], [sflag:$0x3], $0x2800, $0x38;
	[tilespmem:$0xEF00] =	vst v63  }
0x95: {  	p0 =	sne.s32 s31, s9;
	_ =	swait.ge [sflag:s26], $0x2800  }
.Ltmp1:
0x96: {  	[sflag:s26] =	ssyncset.done $0x0;
	(pc) =	sbr.rel @p0 .LBB2_1-.Ltmp1, $4  }
0x97: {  	[sflag:s26] =	ssyncadd.s32 $0xFFFFD800  }
0x98: {  	_ =	swait.ge [sflag:s26], $0x2800  }
0x99: {  	[sflag:s26] =	ssyncset.done $0x0  }
0x9a: {  	[sflag:s26] =	ssyncadd.s32 $0xFFFFD800  }
0x9b: {  	_ =	sfence.sel $0x180000  }
0x9c: {  	[bflag:$0x0] =	sbarrier.arrive $0xFFFF  }
0x9d: {  	_ =	strace $0x90000047  }
0x9e: {  	s0 =	stileid.u32;
	[bflag:$0x2] =	sbarrier.arrive $0xFFFF  }
0x9f: {  	p0 =	sne.s32 s0, $0x0;
	s0 =	rddreg [dreg:$0x1]  }
0xa0: {  	s0 =	sadd.s32 @!p0 $0x100000, s0  }
0xa1: {  	[sflag:s0] =	ssyncadd.tile.s32 @!p0 $0x1;
	_ =	shalt  }
.Lfunc_end2:
_tile_overlayer_lowered:
.L_overlay_start_2:
0xa2: {  	(tag) =	ssettag $0x2  }
0xa3: {  	s0 =	rddreg [dreg:$0x0];
	s2 =	stileid.u32  }
0xa4: {  	s1 =	rddreg [dreg:$0x1];
	p0 =	sne.s32 s2, $0x0  }
0xa5: {  	s3 =	rddreg [dreg:$0x2];
	[bflag:$0x3] =	sbarrier.arrive $0xFFFF;
	s2 =	simm.s32 @!p0 $0x1C05  }
0xa6: {  	[timem:s3], [sflag:s2] =	dma.local @!p0 [hbm:s0], s1  }
0xa7: {  	s0 =	simm.s32 @!p0 $0x5  }
0xa8: {  	_ =	swait.ge @!p0 [sflag:s0], s1  }
0xa9: {  	s1 =	ssub.s32 @!p0 $0x0, s1;
	[sflag:s0] =	ssyncset.done @!p0 $0x0  }
0xaa: {  	[sflag:s0] =	ssyncadd.s32 @!p0 s1  }
0xab: {  	[bflag:$0x3] =	sbarrier.arrive $0xFFFF  }
0xac: {  	_ =	shalt  }

// kernel: kernel.13.cloned.1.call-start
scs
__scs_entry_jumppad:
0x0: {  	(pc) =	sbr.rel $0x88, $3  }
0x1: {  	(tag) =	ssettag $0x0;
	lr =	simm.s32 $0x1  }
0x2: {  	[smem:$0x3F86] =	sst lr;
	_ =	strace $0xD0000000  }
0x3: {  	_ = 	snop  }
0x4: {  	_ = 	snop  }
0x5: {  	_ = 	snop  }
0x6: {  	_ = 	snop  }
0x7: {  	_ = 	snop  }
__scs_overlays_trampoline_lowered:
0x8: {  	[smem:$0x3F95] =	sst s0  }
0x9: {  	[smem:$0x3F96] =	sst s1  }
0xa: {  	[smem:$0x3F97] =	sst s2  }
0xb: {  	[smem:$0x3F98] =	sst s3  }
0xc: {  	[smem:$0x3F99] =	sst s4  }
0xd: {  	[smem:$0x3F9A] =	sst s5  }
0xe: {  	[smem:$0x3F9B] =	sst s6  }
0xf: {  	[smem:$0x3F9C] =	sst s7  }
0x10: {  	[smem:$0x3F9D] =	sst s8  }
0x11: {  	[smem:$0x3F9E] =	sst s9;
	s0 =	simm.s32 @!p0 $0x0  }
0x12: {  	s1 =	sld [smem:$0x3F84];
	s0 =	simm.s32 @p0 $0x1  }
0x13: {  	[smem:$0x3F9F] =	sst s0;
	s0 =	simm.s32 @!p1 $0x0  }
0x14: {  	s2 =	sld [smem:$0x3F83];
	s0 =	simm.s32 @p1 $0x1  }
0x15: {  	[smem:$0x3FA0] =	sst s0;
	s0 =	simm.s32 @!p2 $0x0  }
0x16: {  	s3 =	sld [smem:$0x3FDB];
	s0 =	simm.s32 @p2 $0x1  }
0x17: {  	s4 =	simm.s32 $0x1BF5;
	[smem:$0x3FA2] =	sst s0  }
0x18: {  	s0 =	sld [smem:$0x3F85];
	_ =	swait.ge [sflag:s4], $0x0  }
0x19: {  	s7 =	sld [smem:$0x3F86]  }
0x1a: {  	s8 =	sadd.s32 $0xFFFFE003, lr  }
0x1b: {  	s9 =	sadd.s32 $0xFFFFFEF7, lr;
	s5 =	simm.s32 $0xFFFFFFFF;
	p2 =	slt.u32 s8, $0xFFFFF086  }
0x1c: {  	p1 =	slt.u32 s9, $0xF7A;
	s5 =	simm.s32 @!p2 $0x0  }
0x1d: {  	s5 =	simm.s32 @p1 $0x1;
	p0 =	seq.s32 s7, s2  }
0x1e: {  	s7 =	smul.u32 @!p0 $0xF7A, s2;
	p2 =	seq.s32 @!p0 s5, $0x0  }
0x1f: {  	s9 =	smul.u32 $0xF7A, s1;
	s8 =	simm.s32 @!p0 $0x1BF5;
	p2 =	por !p2, p0  }
0x20: {  	[sflag:s8] =	ssyncset.s32 @!p0 $0xFFFFF086;
	s6 =	sadd.s32 @!p0 s3, s7;
	s7 =	simm.s32 @!p0 $0x108  }
0x21: {  	s3 =	sadd.s32 s3, s9;
	s6 =	sadd.s32 @!p0 $0x88, s6;
	s7 =	simm.s32 @p2 $0x1082  }
0x22: {  	[simem:s7], [sflag:s8] =	dma.local @!p0 [hbm:s6], $0xF7A  }
0x23: {  	s9 =	sor.u32 $0xD0000000, s2;
	s6 =	simm.s32 $0x108;
	_ =	swait.ge @!p0 [sflag:s8], $0x0  }
0x24: {  	s3 =	sadd.s32 $0x88, s3;
	s6 =	simm.s32 @!p1 $0x1082;
	[sflag:s4] =	ssyncset.s32 $0xFFFFF086  }
0x25: {  	[simem:s6], [sflag:s4] =	dma.local [hbm:s3], $0xF7A  }
0x26: {  	[smem:$0x3F86] =	sst s1;
	(tag) =	ssettag s2;
	_ =	strace s9  }
0x27: {  	s1 =	sld [smem:$0x3F96]  }
0x28: {  	s2 =	sld [smem:$0x3F97]  }
0x29: {  	s4 =	sld [smem:$0x3F99]  }
0x2a: {  	p0 =	seq.s32 s5, $0x0;
	s5 =	sld [smem:$0x3F9A]  }
0x2b: {  	s6 =	sld [smem:$0x3F9B]  }
0x2c: {  	s7 =	sld [smem:$0x3F9C]  }
0x2d: {  	s3 =	simm.s32 $0x108;
	s8 =	sld [smem:$0x3F9D]  }
0x2e: {  	s3 =	simm.s32 @!p0 $0x1082;
	s9 =	sld [smem:$0x3F9E]  }
0x2f: {  	lr =	sadd.s32 s0, s3;
	s0 =	sld [smem:$0x3F95]  }
0x30: {  	s3 =	sld [smem:$0x3F98]  }
0x31: {  	[smem:$0x3FA1] =	sst s10  }
0x32: {  	s10 =	sld [smem:$0x3F9F];
	_ =	sdelay $0x3  }
0x33: {  	p0 =	seq.s32 s10, $0x1;
	s10 =	sld [smem:$0x3FA1];
	_ =	sdelay $0x3  }
0x34: {  	[smem:$0x3FA1] =	sst s10  }
0x35: {  	s10 =	sld [smem:$0x3FA0];
	_ =	sdelay $0x3  }
0x36: {  	p1 =	seq.s32 s10, $0x1;
	s10 =	sld [smem:$0x3FA1];
	_ =	sdelay $0x3  }
0x37: {  	[smem:$0x3FA1] =	sst s10  }
0x38: {  	s10 =	sld [smem:$0x3FA2]  }
0x39: {  	_ = 	snop;
	(pc) =	sbr.ind lr, $3  }
0x3a: {  	_ = 	snop  }
0x3b: {  	_ = 	snop  }
0x3c: {  	p2 =	seq.s32 s10, $0x1;
	s10 =	sld [smem:$0x3FA1]  }
0x3d: {  	_ =	shalt  }
0x3e: {  	_ =	shalt  }
0x3f: {  	_ =	shalt  }
0x40: {  	_ =	shalt  }
0x41: {  	_ =	shalt  }
0x42: {  	_ =	shalt  }
0x43: {  	_ =	shalt  }
0x44: {  	_ =	shalt  }
0x45: {  	_ =	shalt  }
0x46: {  	_ =	shalt  }
0x47: {  	_ =	shalt  }
0x48: {  	_ =	shalt  }
0x49: {  	_ =	shalt  }
0x4a: {  	_ =	shalt  }
0x4b: {  	_ =	shalt  }
0x4c: {  	_ =	shalt  }
0x4d: {  	_ =	shalt  }
0x4e: {  	_ =	shalt  }
0x4f: {  	_ =	shalt  }
0x50: {  	_ =	shalt  }
0x51: {  	_ =	shalt  }
0x52: {  	_ =	shalt  }
0x53: {  	_ =	shalt  }
0x54: {  	_ =	shalt  }
0x55: {  	_ =	shalt  }
0x56: {  	_ =	shalt  }
0x57: {  	_ =	shalt  }
0x58: {  	_ =	shalt  }
0x59: {  	_ =	shalt  }
0x5a: {  	_ =	shalt  }
0x5b: {  	_ =	shalt  }
0x5c: {  	_ =	shalt  }
0x5d: {  	_ =	shalt  }
0x5e: {  	_ =	shalt  }
0x5f: {  	_ =	shalt  }
0x60: {  	_ =	shalt  }
0x61: {  	_ =	shalt  }
0x62: {  	_ =	shalt  }
0x63: {  	_ =	shalt  }
0x64: {  	_ =	shalt  }
0x65: {  	_ =	shalt  }
0x66: {  	_ =	shalt  }
0x67: {  	_ =	shalt  }
0x68: {  	_ =	shalt  }
0x69: {  	_ =	shalt  }
0x6a: {  	_ =	shalt  }
0x6b: {  	_ =	shalt  }
0x6c: {  	_ =	shalt  }
0x6d: {  	_ =	shalt  }
0x6e: {  	_ =	shalt  }
0x6f: {  	_ =	shalt  }
0x70: {  	_ =	shalt  }
0x71: {  	_ =	shalt  }
0x72: {  	_ =	shalt  }
0x73: {  	_ =	shalt  }
0x74: {  	_ =	shalt  }
0x75: {  	_ =	shalt  }
0x76: {  	_ =	shalt  }
0x77: {  	_ =	shalt  }
0x78: {  	_ =	shalt  }
0x79: {  	_ =	shalt  }
0x7a: {  	_ =	shalt  }
0x7b: {  	_ =	shalt  }
0x7c: {  	_ =	shalt  }
0x7d: {  	_ =	shalt  }
0x7e: {  	_ =	shalt  }
0x7f: {  	_ =	shalt  }
0x80: {  	_ =	shalt  }
0x81: {  	_ =	shalt  }
0x82: {  	_ =	shalt  }
0x83: {  	_ =	shalt  }
0x84: {  	_ =	shalt  }
0x85: {  	_ =	shalt  }
0x86: {  	_ =	shalt  }
0x87: {  	_ =	shalt  }
.Lfunc_end0:
.L_simem_size_0:
called_computation.1_lowered:
.L_overlay_start_0:
0x88: {  	s2 =	sld [smem:$0x3FD9]  }
0x89: {  	s3 =	sld [smem:$0x3FFE];
	_ =	sdelay $0x1  }
0x8a: {  	s1 =	srdreg.scid  }
0x8b: {  	s0 =	sand.u32 $0x1, s1  }
0x8c: {  	s14 =	sshll.u32 s0, $0xA;
	s2 =	sadd.s32 s3, s2  }
0x8d: {  	s2 =	sadd.s32 s2, s14  }
0x8e: {  	[smem:$0x3FAD] =	sst s2  }
0x8f: {  	_ = 	snop  }
0x90: {  	s2 =	sld [smem:$0x3FD0];
	_ =	sdelay $0x2  }
0x91: {  	s15 =	simm.s32 $0xA;
	s4 =	simm.s32 $0x10  }
0x92: {  	[smem:s4], [sflag:s15] =	dma.local [hbm:s2], $0x1  }
0x93: {  	_ =	swait.eq [sflag:s15], $0x1  }
0x94: {  	[sflag:s15] =	ssyncset.done $0x0  }
0x95: {  	s16 =	sld [smem:$0x10];
	[sflag:s15] =	ssyncadd.s32 $0xFFFFFFFF  }
0x96: {  	s17 =	sld [smem:$0x11];
	(tm) =	ssettm $0x1  }
0x97: {  	s18 =	sld [smem:$0x3FFB];
	_ =	sdelay $0x3  }
0x98: {  	_ =	strace s18  }
0x99: {  	s4 =	sld [smem:$0x3FFC];
	_ =	sdelay $0x3  }
0x9a: {  	_ =	strace s4  }
0x9b: {  	s4 =	sld [smem:$0x3FFD];
	_ =	sdelay $0x3  }
0x9c: {  	_ =	strace s4  }
0x9d: {  	_ =	strace $0x8FFFFFFF  }
0x9e: {  	s19 =	sld [smem:$0x3FDB];
	_ =	sdelay $0x1  }
0x9f: {  	s5 =	simm.s32 $_scs_section_size  }
0xa0: {  	s6 =	simm.s32 $_size__tile_overlayer_lowered;
	s7 =	simm.s32 $_tile_overlayer_lowered  }
0xa1: {  	s22 =	simm.s32 $0x1BFF;
	s21 =	sshll.u32 s7, $0x1;
	s4 =	sadd.s32 s5, s19  }
0xa2: {  	s8 =	simm.s32 $0x0;
	s20 =	sshll.u32 s6, $0x1;
	s6 =	sadd.s32 s21, s4  }
0xa3: {  	[timem:s8], [sflag:s22] =	dma.local [hbm:s6], s20  }
0xa4: {  	_ =	swait.ge [sflag:s22], s20  }
0xa5: {  	s5 =	ssub.s32 $0x0, s20;
	[sflag:s22] =	ssyncset.done $0x0  }
0xa6: {  	[sflag:s22] =	ssyncadd.s32 s5;
	_ =	sdelay $0x1  }
0xa7: {  	s23 =	simm.s32 $0x1B8B  }
0xa8: {  	_ =	swait.ge [sflag:s23], $0x1  }
0xa9: {  	[sflag:s23] =	ssyncset.done $0x0  }
0xaa: {  	s25 =	simm.s32 $0x1B8E;
	s24 =	sld [smem:$0x3FFE];
	[sflag:s23] =	ssyncadd.s32 $0xFFFFFFFF  }
0xab: {  	s26 =	simm.s32 $execute0_lowered;
	[smem:$0x3FD2] =	sst s25  }
0xac: {  	s6 =	sshll.u32 s26, $0x1;
	_ =	strace $0x80000049;
	[dreg:$0x1] =	wrdreg $0xFFFFFFFF  }
0xad: {  	s28 =	simm.s32 $_size_execute0_lowered;
	s4 =	sadd.s32 s4, s6;
	[dreg:$0x0] =	wrdreg $0x0  }
0xae: {  	s6 =	sshll.u32 s28, $0x1;
	[dreg:$0x2] =	wrdreg s4  }
0xaf: {  	[dreg:$0x3] =	wrdreg s6  }
0xb0: {  	[dreg:$0x4] =	wrdreg $0xC0  }
0xb1: {  	_ =	task [dreg:s8], $0x5FFFF  }
0xb2: {  	[dreg:$0x1] =	wrdreg $0xFFFFFFFF  }
0xb3: {  	[dreg:$0x0] =	wrdreg $0x60  }
0xb4: {  	[dreg:$0x2] =	wrdreg s24  }
0xb5: {  	[dreg:$0x3] =	wrdreg s16  }
0xb6: {  	[dreg:$0x4] =	wrdreg s17  }
0xb7: {  	[dreg:$0x5] =	wrdreg $0xA2000  }
0xb8: {  	[dreg:$0x6] =	wrdreg $0x9  }
0xb9: {  	_ =	task.clear_ibuf [dreg:s8], $0x7FFFF;
	_ =	strace $0x90000049  }
0xba: {  	s29 =	simm.s32 $0x9;
	_ =	strace $0x8000004B  }
0xbb: {  	_ =	swait.ge [sflag:s29], $0x1  }
0xbc: {  	[sflag:s29] =	ssyncadd.s32 $0xFFFFFFFF  }
0xbd: {  	_ =	strace $0x9000004B  }
0xbe: {  	_ =	sfence  }
0xbf: {  	s30 =	sld [smem:$0x0];
	_ =	sdelay $0x2  }
0xc0: {  	s31 =	sshll.u32 s1, $0xD;
	s1 =	sshrl.u32 s1, $0x2  }
0xc1: {  	s3 =	sand.u32 $0x4000, s31;
	s1 =	sadd.s32 s1, s30  }
0xc2: {  	s0 =	sor.u32 s3, s0;
	s1 =	sshll.u32 s1, $0x11  }
0xc3: {  	s0 =	sor.u32 s1, s0  }
0xc4: {  	s0 =	sadd.s32 $0x8F2B, s0  }
0xc5: {  	[sflag:s0] =	ssyncadd.remote.s32 $0x1  }
0xc6: {  	_ =	sfence.sel $0xFFFF  }
0xc7: {  	[dreg:$0x0] =	wrdreg $0xFFFFFFFF;
	(pc) =	sbr.abs _section_cstart, $3  }
0xc8: {  	[dreg:$0x1] =	wrdreg $0xFFFFFFFF  }
0xc9: {  	_ =	task.clear_ibuf [dreg:s8], $0x2FFFF;
	_ =	strace $0x9FFFFFFF  }
0xca: {  	(tm) =	ssettm $0x7FFFFFFF  }
0xcb: {  	_ =	shalt  }
tec
execute0_lowered:
.L_overlay_start_1:
0x0: {  	(tag) =	ssettag $0x1  }
0x1: {  	s0 =	rddreg [dreg:$0x0]  }
0x2: {  	s2 =	rddreg [dreg:$0x1]  }
0x3: {  	s1 =	rddreg [dreg:$0x2]  }
0x4: {  	s3 =	rddreg [dreg:$0x3]  }
0x5: {  	s18 =	stileid.u32;
	s5 =	srdreg.scid;
	s4 =	simm.s32 $0x0  }
0x6: {  	s28 =	simm.s32 $0x5;
	s29 =	simm.s32 $0x100;
	s30 =	simm.s32 $0x50  }
0x7: {  	s31 =	simm.s32 $0x200;
	s7 =	smul.u32 $0x14000, s18;
	s8 =	sand.u32 $0x1, s5  }
0x8: {  	[smem:$0x7FF] =	sst s4;
	s5 =	sadd.s32 $0xF600, s0;
	s13 =	smul.u32 $0x50000, s18  }
0x9: {  	s6 =	sadd.s32 $0x5800, s0;
	s12 =	sshll.u32 s18, $0x1;
	s24 =	smul.u32 $0x4E20, s18  }
0xa: {  	s20 =	sshll.u32 s18, $0x6;
	s9 =	smul.u32 $0x140000, s8;
	_ =	strace $0x8000004A  }
0xb: {  	s11 =	ssub.s32 $0x2, s8;
	s12 =	sor.u32 s8, s12;
	s25 =	smul.u32 $0x2710, s8  }
0xc: {  	s10 =	sshrl.u32 s7, $0x3;
	s14 =	sshrl.u32 s11, $0x1;
	s13 =	sshrl.u32 s13, $0x2  }
0xd: {  	s9 =	sadd.s32 s7, s9;
	s7 =	sadd.s32 $0xA2B800, s0;
	s10 =	sadd.s32 s10, s0  }
0xe: {  	s11 =	ssub.s32 s11, s14;
	s14 =	smul.u32 $0x2710, s12;
	s13 =	sadd.s32 s13, s3  }
0xf: {  	s9 =	sshrl.u32 s9, $0x3;
	[dreg:$0x5] =	wrdreg s13;
	s10 =	sadd.s32 $0x19400, s10  }
0x10: {  	s12 =	smul.u32 $0x27100, s12;
	s0 =	sadd.s32 s9, s0;
	[dreg:$0x6] =	wrdreg s10  }
0x11: {  	s10 =	sor.u32 $0x1C05, s20;
	s21 =	sshrl.u32 s14, $0x3;
	s22 =	sadd.s32 $0x50, s14  }
0x12: {  	s12 =	sadd.s32 s7, s12;
	s17 =	sadd.s32 $0xA0, s14;
	s1 =	sadd.s32 s1, s9  }
0x13: {  	s19 =	sadd.s32 $0xF0, s14;
	s20 =	smax.u32 s11, $0x1;
	[dreg:$0x9] =	wrdreg s12  }
0x14: {  	s11 =	simm.s32 $0x2A00;
	s15 =	sadd.s32 s5, s21;
	[dreg:$0xd] =	wrdreg s1  }
0x15: {  	s13 =	sadd.s32 s6, s21;
	s23 =	sshrl.u32 s22, $0x3;
	[dreg:$0xf] =	wrdreg s20  }
0x16: {  	s0 =	sadd.s32 $0x41400, s0;
	s21 =	sadd.s32 $0x26C0, s14;
	[dreg:$0x7] =	wrdreg s15  }
0x17: {  	s14 =	simm.s32 $0x7A00;
	s20 =	simm.s32 $0x2;
	[dreg:$0x8] =	wrdreg s13  }
0x18: {  	s16 =	sadd.s32 s5, s23;
	s13 =	sshll.u32 s22, $0x4;
	[dreg:$0xe] =	wrdreg s0  }
0x19: {  	s12 =	sadd.s32 s6, s23;
	s22 =	sshrl.u32 s21, $0x3;
	[dreg:$0xa] =	wrdreg s16  }
0x1a: {  	[dreg:$0xb] =	wrdreg s12;
	s26 =	sadd.s32 s7, s13;
	s13 =	smul.u32 $0x4E200, s18  }
0x1b: {  	s16 =	sadd.s32 s25, s24;
	s18 =	smul.u32 $0x27100, s8;
	s24 =	sshll.u32 s21, $0x4  }
0x1c: {  	s8 =	simm.s32 $0x180;
	s21 =	simm.s32 $0x3;
	[dreg:$0xc] =	wrdreg s26  }
0x1d: {  	s23 =	sadd.s32 $0xF0, s16;
	s26 =	sadd.s32 $0xA0, s16;
	s1 =	sadd.s32 s13, s7  }
0x1e: {  	s25 =	sshrl.u32 s23, $0x3;
	[dreg:$0x13] =	wrdreg s26;
	s23 =	simm.s32 $0x0  }
0x1f: {  	s0 =	sadd.s32 s18, s1;
	s1 =	sadd.s32 s6, s22;
	s25 =	sadd.s32 s25, s6  }
0x20: {  	s18 =	simm.s32 $0x1;
	[dreg:$0x10] =	wrdreg s1;
	s1 =	sadd.s32 s7, s24  }
0x21: {  	s22 =	simm.s32 $0x4;
	s0 =	sadd.s32 $0xF00, s0;
	[dreg:$0x11] =	wrdreg s1  }
0x22: {  	[dreg:$0x12] =	wrdreg s0;
	s0 =	simm.s32 $0x5200;
	s1 =	simm.s32 $0x80  }
.LBB2_1:
0x23: {  	s9 =	rddreg [dreg:$0x5]  }
0x24: {  	s12 =	rddreg [dreg:$0x6];
	s9 =	sshrl.u32 s9, $0x3  }
0x25: {  	[spmem:s9], [sflag:s10] =	dma.local [hbm:s12], $0x2800  }
0x26: {  	_ =	swait.ge [sflag:s28], $0x2800  }
0x27: {  	[sflag:s28] =	ssyncset.done $0x0  }
0x28: {  	[sflag:s28] =	ssyncadd.s32 $0xFFFFD800  }
0x29: {  	[bflag:$0x0] =	sbarrier.arrive $0xFFFF  }
0x2a: {  	s26 =	rddreg [dreg:$0x7]  }
0x2b: {  	[tilespmem:s4], [sflag:$0x5] =	stream.linear.gather [hbm4b:s26+s4], $0x50, $0x38;
	[tilespmem:$0x1E200] =	vst v63  }
0x2c: {  	_ =	swait.ge [sflag:s28], $0x50  }
0x2d: {  	[sflag:s28] =	ssyncset.done $0x0  }
0x2e: {  	s13 =	rddreg [dreg:$0x8];
	[sflag:s28] =	ssyncadd.s32 $0xFFFFFFB0  }
0x2f: {  	[tilespmem:s29], [sflag:$0x5] =	stream.linear.gather [hbm4b:s13+s4], $0x50, $0x38;
	[tilespmem:$0x1E200] =	vst v63  }
0x30: {  	_ =	swait.ge [sflag:s28], $0x50  }
0x31: {  	[sflag:s28] =	ssyncset.done $0x0  }
0x32: {  	[sflag:s28] =	ssyncadd.s32 $0xFFFFFFB0  }
0x33: {  	[tilespmem:s31], [sflag:$0x1] =	stream.indirect.gather [hbm4b:s2+s30], $0x80, s4, s30, $0xb8;
	[tilespmem:$0x1E200] =	vst v63  }
0x34: {  	s15 =	rddreg [dreg:$0x9]  }
0x35: {  	[tilespmem:s0], [sflag:$0x1] =	stream.linear.gather [hbm4b:s15+s4], $0x2800, $0x38;
	[tilespmem:$0x1E200] =	vst v63  }
0x36: {  	s16 =	rddreg [dreg:$0xa]  }
0x37: {  	[tilespmem:s1], [sflag:$0x5] =	stream.linear.gather [hbm4b:s16+s4], $0x50, $0x38;
	[tilespmem:$0x1E200] =	vst v63  }
0x38: {  	_ =	swait.ge [sflag:s28], $0x50  }
0x39: {  	[sflag:s28] =	ssyncset.done $0x0  }
0x3a: {  	s24 =	rddreg [dreg:$0xb];
	[sflag:s28] =	ssyncadd.s32 $0xFFFFFFB0  }
0x3b: {  	[tilespmem:s8], [sflag:$0x5] =	stream.linear.gather [hbm4b:s24+s4], $0x50, $0x38;
	[tilespmem:$0x1E200] =	vst v63  }
0x3c: {  	_ =	swait.ge [sflag:s28], $0x50  }
0x3d: {  	[sflag:s28] =	ssyncset.done $0x0  }
0x3e: {  	[sflag:s28] =	ssyncadd.s32 $0xFFFFFFB0  }
0x3f: {  	[tilespmem:s11], [sflag:$0x2] =	stream.indirect.gather [hbm4b:s2+s30], $0x80, s1, s30, $0xb8;
	[tilespmem:$0x1E200] =	vst v63  }
0x40: {  	s12 =	simm.s32 $0x0;
	s26 =	rddreg [dreg:$0xc]  }
0x41: {  	[tilespmem:s14], [sflag:$0x2] =	stream.linear.gather [hbm4b:s26+s4], $0x2800, $0x38;
	[tilespmem:$0x1E200] =	vst v63  }
.LBB2_2:
0x42: {  	_ =	swait.ge [sflag:s18], $0x2800  }
0x43: {  	[sflag:s18] =	ssyncset.done $0x0  }
0x44: {  	[sflag:s18] =	ssyncadd.s32 $0xFFFFD800  }
0x45: {  	_ =	swait.ge [sflag:s18], $0x2800  }
0x46: {  	[sflag:s18] =	ssyncset.done $0x0  }
0x47: {  	s13 =	simm.s32 $0x0;
	[sflag:s18] =	ssyncadd.s32 $0xFFFFD800  }
0x48: {  	v7 =	vld [tilespmem:s13+$0x5200]  }
0x49: {  	v11 =	vld [tilespmem:s13+$0x5210]  }
0x4a: {  	v5 =	vld [tilespmem:s13+$0x5220]  }
0x4b: {  	v4 =	vld [tilespmem:s13+$0x5230]  }
0x4c: {  	v3 =	vld [tilespmem:s13+$0x5240]  }
0x4d: {  	v2 =	vld [tilespmem:s13+$0x5250]  }
0x4e: {  	v1 =	vld [tilespmem:s13+$0x5260]  }
0x4f: {  	v0 =	vld [tilespmem:s13+$0x5270]  }
0x50: {  	v12 =	vld [tilespmem:s13+$0x200]  }
0x51: {  	v13 =	vld [tilespmem:s13+$0x210]  }
0x52: {  	v10 =	vld [tilespmem:s13+$0x220]  }
0x53: {  	v9 =	vld [tilespmem:s13+$0x230]  }
0x54: {  	v8 =	vld [tilespmem:s13+$0x240]  }
0x55: {  	v6 =	vld [tilespmem:s13+$0x250];
	v12 =	vmul.f32 v7, v12  }
0x56: {  	s15 =	simm.s32 $0x200;
	v11 =	vmul.f32 v11, v13;
	v7 =	vld [tilespmem:s13+$0x260]  }
.LBB2_3:
0x57: {  	s24 =	sshra.s32 s15, $0x2;
	p0 =	sne.s32 s15, $0x9E00;
	[tilespmem:s13+$0x200] =	vst v12;
	v5 =	vmul.f32 v5, v10;
	v10 =	vld [tilespmem:s13+$0x270]  }
0x58: {  	v12 =	vld [tilespmem:s24+$0x5200];
	[tilespmem:s13+$0x210] =	vst v11;
	v4 =	vmul.f32 v4, v9  }
0x59: {  	v11 =	vld [tilespmem:s24+$0x5210];
	[tilespmem:s13+$0x220] =	vst v5;
	v3 =	vmul.f32 v3, v8  }
0x5a: {  	v5 =	vld [tilespmem:s24+$0x5220];
	[tilespmem:s13+$0x230] =	vst v4;
	v2 =	vmul.f32 v2, v6  }
0x5b: {  	v4 =	vld [tilespmem:s24+$0x5230];
	[tilespmem:s13+$0x240] =	vst v3;
	v1 =	vmul.f32 v1, v7  }
0x5c: {  	v3 =	vld [tilespmem:s24+$0x5240];
	[tilespmem:s13+$0x250] =	vst v2;
	v0 =	vmul.f32 v0, v10  }
0x5d: {  	v2 =	vld [tilespmem:s24+$0x5250];
	[tilespmem:s13+$0x260] =	vst v1  }
0x5e: {  	v1 =	vld [tilespmem:s24+$0x5260];
	[tilespmem:s13+$0x270] =	vst v0;
	s13 =	smov.u32 s24  }
0x5f: {  	v0 =	vld [tilespmem:s13+$0x5270]  }
0x60: {  	v6 =	vld [tilespmem:s13+$0x200]  }
0x61: {  	v7 =	vld [tilespmem:s13+$0x210]  }
.Ltmp0:
0x62: {  	v10 =	vld [tilespmem:s13+$0x220];
	(pc) =	sbr.rel @p0 .LBB2_3-.Ltmp0, $4  }
0x63: {  	v9 =	vld [tilespmem:s13+$0x230]  }
0x64: {  	v8 =	vld [tilespmem:s13+$0x240]  }
0x65: {  	v12 =	vmul.f32 v12, v6;
	v6 =	vld [tilespmem:s13+$0x250]  }
0x66: {  	s15 =	sadd.s32 $0x200, s15;
	v11 =	vmul.f32 v11, v7;
	v7 =	vld [tilespmem:s13+$0x260]  }
0x67: {  	[tilespmem:s13+$0x200] =	vst v12;
	v5 =	vmul.f32 v5, v10;
	v10 =	vld [tilespmem:s13+$0x270]  }
0x68: {  	[tilespmem:s13+$0x210] =	vst v11;
	v4 =	vmul.f32 v4, v9  }
0x69: {  	[tilespmem:s13+$0x220] =	vst v5;
	v3 =	vmul.f32 v3, v8  }
0x6a: {  	[tilespmem:s13+$0x230] =	vst v4;
	v2 =	vmul.f32 v2, v6  }
0x6b: {  	[tilespmem:s13+$0x240] =	vst v3;
	v1 =	vmul.f32 v1, v7  }
0x6c: {  	[tilespmem:s13+$0x250] =	vst v2;
	v0 =	vmul.f32 v0, v10  }
0x6d: {  	[tilespmem:s13+$0x260] =	vst v1  }
0x6e: {  	[tilespmem:s13+$0x270] =	vst v0  }
0x6f: {  	[spmem:s3] =	stream.indirect.scatter.add.f32 [tilespmem:s31], [sflag:$0x3], $0x80, s29, s30, $0xb8;
	[tilespmem:$0x1E200] =	vst v63  }
0x70: {  	_ =	swait.ge [sflag:s20], $0x2800  }
0x71: {  	[sflag:s20] =	ssyncset.done $0x0  }
0x72: {  	[sflag:s20] =	ssyncadd.s32 $0xFFFFD800  }
0x73: {  	_ =	swait.ge [sflag:s20], $0x2800  }
0x74: {  	[sflag:s20] =	ssyncset.done $0x0  }
0x75: {  	s13 =	simm.s32 $0x0;
	[sflag:s20] =	ssyncadd.s32 $0xFFFFD800  }
0x76: {  	v7 =	vld [tilespmem:s13+$0x7A00]  }
0x77: {  	v11 =	vld [tilespmem:s13+$0x7A10]  }
0x78: {  	v5 =	vld [tilespmem:s13+$0x7A20]  }
0x79: {  	v4 =	vld [tilespmem:s13+$0x7A30]  }
0x7a: {  	v3 =	vld [tilespmem:s13+$0x7A40]  }
0x7b: {  	v2 =	vld [tilespmem:s13+$0x7A50]  }
0x7c: {  	v1 =	vld [tilespmem:s13+$0x7A60]  }
0x7d: {  	v0 =	vld [tilespmem:s13+$0x7A70]  }
0x7e: {  	v12 =	vld [tilespmem:s13+$0x2A00]  }
0x7f: {  	v13 =	vld [tilespmem:s13+$0x2A10]  }
0x80: {  	v10 =	vld [tilespmem:s13+$0x2A20]  }
0x81: {  	v9 =	vld [tilespmem:s13+$0x2A30]  }
0x82: {  	v8 =	vld [tilespmem:s13+$0x2A40]  }
0x83: {  	v6 =	vld [tilespmem:s13+$0x2A50];
	v12 =	vmul.f32 v7, v12  }
0x84: {  	s15 =	simm.s32 $0x200;
	v11 =	vmul.f32 v11, v13;
	v7 =	vld [tilespmem:s13+$0x2A60]  }
.LBB2_5:
0x85: {  	s24 =	sshra.s32 s15, $0x2;
	p0 =	sne.s32 s15, $0x9E00;
	[tilespmem:s13+$0x2A00] =	vst v12;
	v5 =	vmul.f32 v5, v10;
	v10 =	vld [tilespmem:s13+$0x2A70]  }
0x86: {  	v12 =	vld [tilespmem:s24+$0x7A00];
	[tilespmem:s13+$0x2A10] =	vst v11;
	v4 =	vmul.f32 v4, v9  }
0x87: {  	v11 =	vld [tilespmem:s24+$0x7A10];
	[tilespmem:s13+$0x2A20] =	vst v5;
	v3 =	vmul.f32 v3, v8  }
0x88: {  	v5 =	vld [tilespmem:s24+$0x7A20];
	[tilespmem:s13+$0x2A30] =	vst v4;
	v2 =	vmul.f32 v2, v6  }
0x89: {  	v4 =	vld [tilespmem:s24+$0x7A30];
	[tilespmem:s13+$0x2A40] =	vst v3;
	v1 =	vmul.f32 v1, v7  }
0x8a: {  	v3 =	vld [tilespmem:s24+$0x7A40];
	[tilespmem:s13+$0x2A50] =	vst v2;
	v0 =	vmul.f32 v0, v10  }
0x8b: {  	v2 =	vld [tilespmem:s24+$0x7A50];
	[tilespmem:s13+$0x2A60] =	vst v1  }
0x8c: {  	v1 =	vld [tilespmem:s24+$0x7A60];
	[tilespmem:s13+$0x2A70] =	vst v0;
	s13 =	smov.u32 s24  }
0x8d: {  	v0 =	vld [tilespmem:s13+$0x7A70]  }
0x8e: {  	v6 =	vld [tilespmem:s13+$0x2A00]  }
0x8f: {  	v7 =	vld [tilespmem:s13+$0x2A10]  }
.Ltmp1:
0x90: {  	v10 =	vld [tilespmem:s13+$0x2A20];
	(pc) =	sbr.rel @p0 .LBB2_5-.Ltmp1, $4  }
0x91: {  	v9 =	vld [tilespmem:s13+$0x2A30]  }
0x92: {  	v8 =	vld [tilespmem:s13+$0x2A40]  }
0x93: {  	v12 =	vmul.f32 v12, v6;
	v6 =	vld [tilespmem:s13+$0x2A50]  }
0x94: {  	s15 =	sadd.s32 $0x200, s15;
	v11 =	vmul.f32 v11, v7;
	v7 =	vld [tilespmem:s13+$0x2A60]  }
0x95: {  	[tilespmem:s13+$0x2A00] =	vst v12;
	v5 =	vmul.f32 v5, v10;
	v63 =	vld [tilespmem:s13+$0x2A70]  }
0x96: {  	[tilespmem:s13+$0x2A10] =	vst v11;
	v4 =	vmul.f32 v4, v9  }
0x97: {  	[tilespmem:s13+$0x2A20] =	vst v5;
	v3 =	vmul.f32 v3, v8  }
0x98: {  	[tilespmem:s13+$0x2A30] =	vst v4;
	v2 =	vmul.f32 v2, v6  }
0x99: {  	[tilespmem:s13+$0x2A40] =	vst v3;
	v1 =	vmul.f32 v1, v7  }
0x9a: {  	[tilespmem:s13+$0x2A50] =	vst v2;
	v0 =	vmul.f32 v0, v63  }
0x9b: {  	[tilespmem:s13+$0x2A60] =	vst v1  }
0x9c: {  	[tilespmem:s13+$0x2A70] =	vst v0;
	s13 =	smul.u32 $0xA0, s12  }
0x9d: {  	[spmem:s3] =	stream.indirect.scatter.add.f32 [tilespmem:s11], [sflag:$0x4], $0x80, s8, s30, $0xb8;
	[tilespmem:$0x1E200] =	vst v63  }
0x9e: {  	_ =	swait.ge [sflag:s21], $0x2800;
	s15 =	sadd.s32 s13, s17  }
0x9f: {  	[sflag:s21] =	ssyncset.done $0x0;
	s24 =	sshrl.u32 s15, $0x3  }
0xa0: {  	[sflag:s21] =	ssyncadd.s32 $0xFFFFD800;
	s26 =	sadd.s32 s5, s24  }
0xa1: {  	[tilespmem:s4], [sflag:$0x5] =	stream.linear.gather [hbm4b:s26+s4], $0x50, $0x38;
	[tilespmem:$0x1E200] =	vst v63  }
0xa2: {  	_ =	swait.ge [sflag:s28], $0x50  }
0xa3: {  	[sflag:s28] =	ssyncset.done $0x0  }
0xa4: {  	s24 =	sadd.s32 s6, s24;
	[sflag:s28] =	ssyncadd.s32 $0xFFFFFFB0  }
0xa5: {  	[tilespmem:s29], [sflag:$0x5] =	stream.linear.gather [hbm4b:s24+s4], $0x50, $0x38;
	[tilespmem:$0x1E200] =	vst v63  }
0xa6: {  	_ =	swait.ge [sflag:s28], $0x50  }
0xa7: {  	[sflag:s28] =	ssyncset.done $0x0  }
0xa8: {  	p0 =	seq.s32 s12, $0x3D;
	s15 =	sshll.u32 s15, $0x4;
	[sflag:s28] =	ssyncadd.s32 $0xFFFFFFB0  }
0xa9: {  	[tilespmem:s31], [sflag:$0x1] =	stream.indirect.gather [hbm4b:s2+s30], $0x80, s4, s30, $0xb8;
	[tilespmem:$0x1E200] =	vst v63  }
.Ltmp2:
0xaa: {  	s15 =	sadd.s32 s7, s15;
	(pc) =	sbr.rel @p0 .LBB2_8-.Ltmp2, $4  }
0xab: {  	[tilespmem:s0], [sflag:$0x1] =	stream.linear.gather [hbm4b:s15+s4], $0x2800, $0x38;
	[tilespmem:$0x1E200] =	vst v63  }
0xac: {  	_ =	swait.ge [sflag:s22], $0x2800  }
0xad: {  	[sflag:s22] =	ssyncset.done $0x0  }
0xae: {  	[sflag:s22] =	ssyncadd.s32 $0xFFFFD800  }
0xaf: {  	s13 =	sadd.s32 s13, s19  }
0xb0: {  	s15 =	sshrl.u32 s13, $0x3  }
0xb1: {  	s24 =	sadd.s32 s5, s15  }
0xb2: {  	[tilespmem:s1], [sflag:$0x5] =	stream.linear.gather [hbm4b:s24+s4], $0x50, $0x38;
	[tilespmem:$0x1E200] =	vst v63  }
0xb3: {  	_ =	swait.ge [sflag:s28], $0x50  }
0xb4: {  	[sflag:s28] =	ssyncset.done $0x0  }
0xb5: {  	s15 =	sadd.s32 s6, s15;
	[sflag:s28] =	ssyncadd.s32 $0xFFFFFFB0  }
0xb6: {  	[tilespmem:s8], [sflag:$0x5] =	stream.linear.gather [hbm4b:s15+s4], $0x50, $0x38;
	[tilespmem:$0x1E200] =	vst v63  }
0xb7: {  	_ =	swait.ge [sflag:s28], $0x50  }
.Ltmp3:
0xb8: {  	[sflag:s28] =	ssyncset.done $0x0;
	(pc) =	sbr.rel .LBB2_2-.Ltmp3, $4  }
0xb9: {  	s13 =	sshll.u32 s13, $0x4;
	[sflag:s28] =	ssyncadd.s32 $0xFFFFFFB0  }
0xba: {  	[tilespmem:s11], [sflag:$0x2] =	stream.indirect.gather [hbm4b:s2+s30], $0x80, s1, s30, $0xb8;
	[tilespmem:$0x1E200] =	vst v63  }
0xbb: {  	s12 =	sadd.s32 $0x1, s12;
	s13 =	sadd.s32 s7, s13  }
0xbc: {  	[tilespmem:s14], [sflag:$0x2] =	stream.linear.gather [hbm4b:s13+s4], $0x2800, $0x38;
	[tilespmem:$0x1E200] =	vst v63  }
.LBB2_8:
0xbd: {  	_ =	swait.ge [sflag:s18], $0x2800  }
0xbe: {  	[sflag:s18] =	ssyncset.done $0x0  }
0xbf: {  	[sflag:s18] =	ssyncadd.s32 $0xFFFFD800  }
0xc0: {  	_ =	swait.ge [sflag:s18], $0x2800  }
0xc1: {  	[sflag:s18] =	ssyncset.done $0x0  }
0xc2: {  	s12 =	simm.s32 $0x0;
	[sflag:s18] =	ssyncadd.s32 $0xFFFFD800  }
0xc3: {  	v7 =	vld [tilespmem:s12+$0x5200]  }
0xc4: {  	v11 =	vld [tilespmem:s12+$0x5210]  }
0xc5: {  	v5 =	vld [tilespmem:s12+$0x5220]  }
0xc6: {  	v4 =	vld [tilespmem:s12+$0x5230]  }
0xc7: {  	v3 =	vld [tilespmem:s12+$0x5240]  }
0xc8: {  	v2 =	vld [tilespmem:s12+$0x5250]  }
0xc9: {  	v1 =	vld [tilespmem:s12+$0x5260]  }
0xca: {  	v0 =	vld [tilespmem:s12+$0x5270]  }
0xcb: {  	v12 =	vld [tilespmem:s12+$0x200]  }
0xcc: {  	v13 =	vld [tilespmem:s12+$0x210]  }
0xcd: {  	v10 =	vld [tilespmem:s12+$0x220]  }
0xce: {  	v9 =	vld [tilespmem:s12+$0x230]  }
0xcf: {  	v8 =	vld [tilespmem:s12+$0x240]  }
0xd0: {  	v6 =	vld [tilespmem:s12+$0x250];
	v12 =	vmul.f32 v7, v12  }
0xd1: {  	s13 =	simm.s32 $0x200;
	v11 =	vmul.f32 v11, v13;
	v7 =	vld [tilespmem:s12+$0x260]  }
.LBB2_9:
0xd2: {  	s15 =	sshra.s32 s13, $0x2;
	p0 =	sne.s32 s13, $0x9E00;
	[tilespmem:s12+$0x200] =	vst v12;
	v5 =	vmul.f32 v5, v10;
	v10 =	vld [tilespmem:s12+$0x270]  }
0xd3: {  	v12 =	vld [tilespmem:s15+$0x5200];
	[tilespmem:s12+$0x210] =	vst v11;
	v4 =	vmul.f32 v4, v9  }
0xd4: {  	v11 =	vld [tilespmem:s15+$0x5210];
	[tilespmem:s12+$0x220] =	vst v5;
	v3 =	vmul.f32 v3, v8  }
0xd5: {  	v5 =	vld [tilespmem:s15+$0x5220];
	[tilespmem:s12+$0x230] =	vst v4;
	v2 =	vmul.f32 v2, v6  }
0xd6: {  	v4 =	vld [tilespmem:s15+$0x5230];
	[tilespmem:s12+$0x240] =	vst v3;
	v1 =	vmul.f32 v1, v7  }
0xd7: {  	v3 =	vld [tilespmem:s15+$0x5240];
	[tilespmem:s12+$0x250] =	vst v2;
	v0 =	vmul.f32 v0, v10  }
0xd8: {  	v2 =	vld [tilespmem:s15+$0x5250];
	[tilespmem:s12+$0x260] =	vst v1  }
0xd9: {  	v1 =	vld [tilespmem:s15+$0x5260];
	[tilespmem:s12+$0x270] =	vst v0;
	s12 =	smov.u32 s15  }
0xda: {  	v0 =	vld [tilespmem:s12+$0x5270]  }
0xdb: {  	v6 =	vld [tilespmem:s12+$0x200]  }
0xdc: {  	v7 =	vld [tilespmem:s12+$0x210]  }
.Ltmp4:
0xdd: {  	v10 =	vld [tilespmem:s12+$0x220];
	(pc) =	sbr.rel @p0 .LBB2_9-.Ltmp4, $4  }
0xde: {  	v9 =	vld [tilespmem:s12+$0x230]  }
0xdf: {  	v8 =	vld [tilespmem:s12+$0x240]  }
0xe0: {  	v12 =	vmul.f32 v12, v6;
	v6 =	vld [tilespmem:s12+$0x250]  }
0xe1: {  	s13 =	sadd.s32 $0x200, s13;
	v11 =	vmul.f32 v11, v7;
	v7 =	vld [tilespmem:s12+$0x260]  }
0xe2: {  	[tilespmem:s12+$0x200] =	vst v12;
	v5 =	vmul.f32 v5, v10;
	v63 =	vld [tilespmem:s12+$0x270]  }
0xe3: {  	[tilespmem:s12+$0x210] =	vst v11;
	v4 =	vmul.f32 v4, v9  }
0xe4: {  	[tilespmem:s12+$0x220] =	vst v5;
	v3 =	vmul.f32 v3, v8  }
0xe5: {  	[tilespmem:s12+$0x230] =	vst v4;
	v2 =	vmul.f32 v2, v6  }
0xe6: {  	[tilespmem:s12+$0x240] =	vst v3;
	v1 =	vmul.f32 v1, v7  }
0xe7: {  	[tilespmem:s12+$0x250] =	vst v2;
	v0 =	vmul.f32 v0, v63  }
0xe8: {  	[tilespmem:s12+$0x260] =	vst v1  }
0xe9: {  	[tilespmem:s12+$0x270] =	vst v0  }
0xea: {  	[spmem:s3] =	stream.indirect.scatter.add.f32 [tilespmem:s31], [sflag:$0x3], $0x80, s29, s30, $0xb8;
	[tilespmem:$0x1E200] =	vst v63  }
0xeb: {  	_ =	swait.ge [sflag:s21], $0x2800  }
0xec: {  	[sflag:s21] =	ssyncset.done $0x0  }
0xed: {  	[sflag:s21] =	ssyncadd.s32 $0xFFFFD800  }
0xee: {  	[bflag:$0x0] =	sbarrier.arrive $0xFFFF  }
0xef: {  	s26 =	rddreg [dreg:$0xd]  }
0xf0: {  	[hbm:s26], [sflag:s10] =	dma.local [spmem:s9], $0x2800  }
0xf1: {  	_ =	swait.ge [sflag:s28], $0x2800  }
0xf2: {  	[sflag:s28] =	ssyncset.done $0x0  }
0xf3: {  	[sflag:s28] =	ssyncadd.s32 $0xFFFFD800  }
0xf4: {  	[bflag:$0x0] =	sbarrier.arrive $0xFFFF  }
0xf5: {  	s13 =	rddreg [dreg:$0x6]  }
0xf6: {  	[spmem:s9], [sflag:s10] =	dma.local [hbm:s13], $0x2800  }
0xf7: {  	_ =	swait.ge [sflag:s28], $0x2800  }
0xf8: {  	[sflag:s28] =	ssyncset.done $0x0  }
0xf9: {  	[sflag:s28] =	ssyncadd.s32 $0xFFFFD800  }
0xfa: {  	[bflag:$0x0] =	sbarrier.arrive $0xFFFF  }
0xfb: {  	s15 =	simm.s32 $0x0;
	s13 =	rddreg [dreg:$0x8]  }
0xfc: {  	[tilespmem:s29], [sflag:$0x1] =	stream.linear.gather [hbm4b:s13+s15], $0x50, $0x38;
	[tilespmem:$0x1E200] =	vst v63  }
0xfd: {  	s16 =	rddreg [dreg:$0x9]  }
0xfe: {  	[tilespmem:s0], [sflag:$0x1] =	stream.linear.gather [hbm4b:s16+s15], $0x2800, $0x38;
	[tilespmem:$0x1E200] =	vst v63  }
0xff: {  	s24 =	rddreg [dreg:$0xb]  }
0x100: {  	[tilespmem:s8], [sflag:$0x2] =	stream.linear.gather [hbm4b:s24+s15], $0x50, $0x38;
	[tilespmem:$0x1E200] =	vst v63  }
0x101: {  	s26 =	rddreg [dreg:$0xc]  }
0x102: {  	[tilespmem:s14], [sflag:$0x2] =	stream.linear.gather [hbm4b:s26+s15], $0x2800, $0x38;
	[tilespmem:$0x1E200] =	vst v63  }
0x103: {  	_ =	swait.ge [sflag:s18], $0x50  }
0x104: {  	[sflag:s18] =	ssyncset.done $0x0  }
0x105: {  	[sflag:s18] =	ssyncadd.s32 $0xFFFFFFB0  }
0x106: {  	_ =	swait.ge [sflag:s18], $0x2800  }
0x107: {  	[sflag:s18] =	ssyncset.done $0x0  }
0x108: {  	[sflag:s18] =	ssyncadd.s32 $0xFFFFD800  }
0x109: {  	[spmem:s3] =	stream.indirect.scatter.add.f32 [tilespmem:s0], [sflag:$0x3], $0x80, s29, s30, $0xb8;
	[tilespmem:$0x1E200] =	vst v63  }
0x10a: {  	_ =	swait.ge [sflag:s20], $0x50  }
0x10b: {  	[sflag:s20] =	ssyncset.done $0x0  }
0x10c: {  	[sflag:s20] =	ssyncadd.s32 $0xFFFFFFB0  }
0x10d: {  	_ =	swait.ge [sflag:s20], $0x2800  }
0x10e: {  	[sflag:s20] =	ssyncset.done $0x0  }
0x10f: {  	[sflag:s20] =	ssyncadd.s32 $0xFFFFD800  }
0x110: {  	[spmem:s3] =	stream.indirect.scatter.add.f32 [tilespmem:s14], [sflag:$0x4], $0x80, s8, s30, $0xb8;
	[tilespmem:$0x1E200] =	vst v63  }
0x111: {  	_ =	swait.ge [sflag:s21], $0x2800  }
0x112: {  	s15 =	rddreg [dreg:$0x13]  }
0x113: {  	[sflag:s21] =	ssyncset.done $0x0;
	s13 =	sshrl.u32 s15, $0x3  }
0x114: {  	s24 =	rddreg [dreg:$0x12];
	[sflag:s21] =	ssyncadd.s32 $0xFFFFD800;
	s12 =	sadd.s32 s6, s13  }
0x115: {  	[tilespmem:s29], [sflag:$0x1] =	stream.linear.gather [hbm4b:s12+s4], $0x50, $0x38;
	[tilespmem:$0x1E200] =	vst v63  }
0x116: {  	s16 =	sadd.s32 $0xFFFFFB00, s24  }
0x117: {  	[tilespmem:s0], [sflag:$0x1] =	stream.linear.gather [hbm4b:s16+s4], $0x2800, $0x38;
	[tilespmem:$0x1E200] =	vst v63  }
0x118: {  	_ =	swait.ge [sflag:s22], $0x2800  }
0x119: {  	s26 =	sadd.s32 $0x0, s25;
	s15 =	sadd.s32 $0xA0, s15;
	[sflag:s22] =	ssyncset.done $0x0  }
0x11a: {  	s13 =	sadd.s32 $0xA00, s24;
	s12 =	simm.s32 $0x14;
	[sflag:s22] =	ssyncadd.s32 $0xFFFFD800  }
0x11b: {  	[tilespmem:s8], [sflag:$0x2] =	stream.linear.gather [hbm4b:s26+s4], $0x50, $0x38;
	[tilespmem:$0x1E200] =	vst v63  }
.LBB2_11:
0x11c: {  	[tilespmem:s14], [sflag:$0x2] =	stream.linear.gather [hbm4b:s24+s4], $0x2800, $0x38;
	[tilespmem:$0x1E200] =	vst v63  }
0x11d: {  	s26 =	smov.u32 s12;
	s24 =	smov.u32 s13  }
0x11e: {  	p0 =	sne.s32 s12, $0x4B0;
	s12 =	sadd.s32 $0x14, s12;
	_ =	swait.ge [sflag:s18], $0x50  }
0x11f: {  	[sflag:s18] =	ssyncset.done $0x0  }
0x120: {  	[sflag:s18] =	ssyncadd.s32 $0xFFFFFFB0  }
0x121: {  	_ =	swait.ge [sflag:s18], $0x2800  }
0x122: {  	[sflag:s18] =	ssyncset.done $0x0  }
0x123: {  	[sflag:s18] =	ssyncadd.s32 $0xFFFFD800  }
0x124: {  	[spmem:s3] =	stream.indirect.scatter.add.f32 [tilespmem:s0], [sflag:$0x3], $0x80, s29, s30, $0xb8;
	[tilespmem:$0x1E200] =	vst v63  }
0x125: {  	_ =	swait.ge [sflag:s20], $0x50  }
0x126: {  	[sflag:s20] =	ssyncset.done $0x0  }
0x127: {  	[sflag:s20] =	ssyncadd.s32 $0xFFFFFFB0  }
0x128: {  	_ =	swait.ge [sflag:s20], $0x2800  }
0x129: {  	[sflag:s20] =	ssyncset.done $0x0  }
0x12a: {  	[sflag:s20] =	ssyncadd.s32 $0xFFFFD800  }
0x12b: {  	[spmem:s3] =	stream.indirect.scatter.add.f32 [tilespmem:s14], [sflag:$0x4], $0x80, s8, s30, $0xb8;
	[tilespmem:$0x1E200] =	vst v63  }
0x12c: {  	_ =	swait.ge [sflag:s21], $0x2800  }
0x12d: {  	s16 =	sshrl.u32 s15, $0x3;
	[sflag:s21] =	ssyncset.done $0x0  }
0x12e: {  	s16 =	sadd.s32 s6, s16;
	[sflag:s21] =	ssyncadd.s32 $0xFFFFD800  }
0x12f: {  	[tilespmem:s29], [sflag:$0x1] =	stream.linear.gather [hbm4b:s16+s4], $0x50, $0x38;
	[tilespmem:$0x1E200] =	vst v63  }
0x130: {  	s16 =	sadd.s32 $0xFFFFFB00, s13  }
0x131: {  	[tilespmem:s0], [sflag:$0x1] =	stream.linear.gather [hbm4b:s16+s4], $0x2800, $0x38;
	[tilespmem:$0x1E200] =	vst v63  }
.Ltmp5:
0x132: {  	_ =	swait.ge [sflag:s22], $0x2800;
	(pc) =	sbr.rel @p0 .LBB2_11-.Ltmp5, $4  }
0x133: {  	[sflag:s22] =	ssyncset.done $0x0  }
0x134: {  	s16 =	sadd.s32 s26, s25;
	[sflag:s22] =	ssyncadd.s32 $0xFFFFD800  }
0x135: {  	[tilespmem:s8], [sflag:$0x2] =	stream.linear.gather [hbm4b:s16+s4], $0x50, $0x38;
	[tilespmem:$0x1E200] =	vst v63  }
0x136: {  	s15 =	sadd.s32 $0xA0, s15;
	s13 =	sadd.s32 $0xA00, s13  }
0x137: {  	[tilespmem:s14], [sflag:$0x2] =	stream.linear.gather [hbm4b:s24+s4], $0x2800, $0x38;
	[tilespmem:$0x1E200] =	vst v63  }
0x138: {  	_ =	swait.ge [sflag:s18], $0x50  }
0x139: {  	[sflag:s18] =	ssyncset.done $0x0  }
0x13a: {  	[sflag:s18] =	ssyncadd.s32 $0xFFFFFFB0  }
0x13b: {  	_ =	swait.ge [sflag:s18], $0x2800  }
0x13c: {  	[sflag:s18] =	ssyncset.done $0x0  }
0x13d: {  	[sflag:s18] =	ssyncadd.s32 $0xFFFFD800  }
0x13e: {  	[spmem:s3] =	stream.indirect.scatter.add.f32 [tilespmem:s0], [sflag:$0x3], $0x80, s29, s30, $0xb8;
	[tilespmem:$0x1E200] =	vst v63  }
0x13f: {  	_ =	swait.ge [sflag:s20], $0x50  }
0x140: {  	[sflag:s20] =	ssyncset.done $0x0  }
0x141: {  	[sflag:s20] =	ssyncadd.s32 $0xFFFFFFB0  }
0x142: {  	_ =	swait.ge [sflag:s20], $0x2800  }
0x143: {  	[sflag:s20] =	ssyncset.done $0x0  }
0x144: {  	[sflag:s20] =	ssyncadd.s32 $0xFFFFD800  }
0x145: {  	[spmem:s3] =	stream.indirect.scatter.add.f32 [tilespmem:s14], [sflag:$0x4], $0x80, s8, s30, $0xb8;
	[tilespmem:$0x1E200] =	vst v63  }
0x146: {  	_ =	swait.ge [sflag:s21], $0x2800  }
0x147: {  	[sflag:s21] =	ssyncset.done $0x0  }
0x148: {  	s12 =	rddreg [dreg:$0x10];
	[sflag:s21] =	ssyncadd.s32 $0xFFFFD800  }
0x149: {  	[tilespmem:s29], [sflag:$0x1] =	stream.linear.gather [hbm4b:s12+s4], $0x50, $0x38;
	[tilespmem:$0x1E200] =	vst v63  }
0x14a: {  	s16 =	rddreg [dreg:$0x11]  }
0x14b: {  	[tilespmem:s0], [sflag:$0x1] =	stream.linear.gather [hbm4b:s16+s4], $0x2800, $0x38;
	[tilespmem:$0x1E200] =	vst v63  }
0x14c: {  	_ =	swait.ge [sflag:s22], $0x2800  }
0x14d: {  	[sflag:s22] =	ssyncset.done $0x0  }
0x14e: {  	[sflag:s22] =	ssyncadd.s32 $0xFFFFD800  }
0x14f: {  	_ =	swait.ge [sflag:s18], $0x50  }
0x150: {  	[sflag:s18] =	ssyncset.done $0x0  }
0x151: {  	[sflag:s18] =	ssyncadd.s32 $0xFFFFFFB0  }
0x152: {  	_ =	swait.ge [sflag:s18], $0x2800  }
0x153: {  	[sflag:s18] =	ssyncset.done $0x0  }
0x154: {  	[sflag:s18] =	ssyncadd.s32 $0xFFFFD800  }
0x155: {  	[spmem:s3] =	stream.indirect.scatter.add.f32 [tilespmem:s0], [sflag:$0x3], $0x80, s29, s30, $0xb8;
	[tilespmem:$0x1E200] =	vst v63  }
0x156: {  	_ =	swait.ge [sflag:s21], $0x2800  }
0x157: {  	[sflag:s21] =	ssyncset.done $0x0  }
0x158: {  	[sflag:s21] =	ssyncadd.s32 $0xFFFFD800  }
0x159: {  	[bflag:$0x0] =	sbarrier.arrive $0xFFFF  }
0x15a: {  	s24 =	rddreg [dreg:$0xe]  }
0x15b: {  	[hbm:s24], [sflag:s10] =	dma.local [spmem:s9], $0x2800  }
0x15c: {  	_ =	swait.ge [sflag:s28], $0x2800  }
0x15d: {  	s23 =	sadd.s32 $0x1, s23;
	s26 =	rddreg [dreg:$0xf]  }
0x15e: {  	p0 =	sne.s32 s23, s26  }
.Ltmp6:
0x15f: {  	_ = 	snop;
	(pc) =	sbr.rel @p0 .LBB2_1-.Ltmp6, $3  }
0x160: {  	[sflag:s28] =	ssyncset.done $0x0  }
0x161: {  	[sflag:s28] =	ssyncadd.s32 $0xFFFFD800  }
0x162: {  	[bflag:$0x0] =	sbarrier.arrive $0xFFFF;
	_ =	sdelay $0x1  }
0x163: {  	_ =	sfence.sel $0x180000  }
0x164: {  	[bflag:$0x0] =	sbarrier.arrive $0xFFFF  }
0x165: {  	_ =	strace $0x9000004A  }
0x166: {  	s0 =	stileid.u32;
	[bflag:$0x2] =	sbarrier.arrive $0xFFFF  }
0x167: {  	p0 =	sne.s32 s0, $0x0;
	s0 =	rddreg [dreg:$0x4]  }
0x168: {  	s0 =	sadd.s32 @!p0 $0x100000, s0  }
0x169: {  	[sflag:s0] =	ssyncadd.tile.s32 @!p0 $0x1;
	_ =	shalt  }
.Lfunc_end2:
_tile_overlayer_lowered:
.L_overlay_start_2:
0x16a: {  	(tag) =	ssettag $0x2  }
0x16b: {  	s0 =	rddreg [dreg:$0x0];
	s2 =	stileid.u32  }
0x16c: {  	s1 =	rddreg [dreg:$0x1];
	p0 =	sne.s32 s2, $0x0  }
0x16d: {  	s3 =	rddreg [dreg:$0x2];
	[bflag:$0x3] =	sbarrier.arrive $0xFFFF;
	s2 =	simm.s32 @!p0 $0x1C05  }
0x16e: {  	[timem:s3], [sflag:s2] =	dma.local @!p0 [hbm:s0], s1  }
0x16f: {  	s0 =	simm.s32 @!p0 $0x5  }
0x170: {  	_ =	swait.ge @!p0 [sflag:s0], s1  }
0x171: {  	s1 =	ssub.s32 @!p0 $0x0, s1;
	[sflag:s0] =	ssyncset.done @!p0 $0x0  }
0x172: {  	[sflag:s0] =	ssyncadd.s32 @!p0 s1  }
0x173: {  	[bflag:$0x3] =	sbarrier.arrive $0xFFFF  }
0x174: {  	_ =	shalt  }

// kernel: kernel.16.cloned.1.call-start
scs
__scs_entry_jumppad:
0x0: {  	(pc) =	sbr.rel $0x88, $3  }
0x1: {  	(tag) =	ssettag $0x0;
	lr =	simm.s32 $0x1  }
0x2: {  	[smem:$0x3F86] =	sst lr;
	_ =	strace $0xD0000000  }
0x3: {  	_ = 	snop  }
0x4: {  	_ = 	snop  }
0x5: {  	_ = 	snop  }
0x6: {  	_ = 	snop  }
0x7: {  	_ = 	snop  }
__scs_overlays_trampoline_lowered:
0x8: {  	[smem:$0x3F95] =	sst s0  }
0x9: {  	[smem:$0x3F96] =	sst s1  }
0xa: {  	[smem:$0x3F97] =	sst s2  }
0xb: {  	[smem:$0x3F98] =	sst s3  }
0xc: {  	[smem:$0x3F99] =	sst s4  }
0xd: {  	[smem:$0x3F9A] =	sst s5  }
0xe: {  	[smem:$0x3F9B] =	sst s6  }
0xf: {  	[smem:$0x3F9C] =	sst s7  }
0x10: {  	[smem:$0x3F9D] =	sst s8  }
0x11: {  	[smem:$0x3F9E] =	sst s9;
	s0 =	simm.s32 @!p0 $0x0  }
0x12: {  	s1 =	sld [smem:$0x3F84];
	s0 =	simm.s32 @p0 $0x1  }
0x13: {  	[smem:$0x3F9F] =	sst s0;
	s0 =	simm.s32 @!p1 $0x0  }
0x14: {  	s2 =	sld [smem:$0x3F83];
	s0 =	simm.s32 @p1 $0x1  }
0x15: {  	[smem:$0x3FA0] =	sst s0;
	s0 =	simm.s32 @!p2 $0x0  }
0x16: {  	s3 =	sld [smem:$0x3FDB];
	s0 =	simm.s32 @p2 $0x1  }
0x17: {  	s4 =	simm.s32 $0x1BF5;
	[smem:$0x3FA2] =	sst s0  }
0x18: {  	s0 =	sld [smem:$0x3F85];
	_ =	swait.ge [sflag:s4], $0x0  }
0x19: {  	s7 =	sld [smem:$0x3F86]  }
0x1a: {  	s8 =	sadd.s32 $0xFFFFE003, lr  }
0x1b: {  	s9 =	sadd.s32 $0xFFFFFEF7, lr;
	s5 =	simm.s32 $0xFFFFFFFF;
	p2 =	slt.u32 s8, $0xFFFFF086  }
0x1c: {  	p1 =	slt.u32 s9, $0xF7A;
	s5 =	simm.s32 @!p2 $0x0  }
0x1d: {  	s5 =	simm.s32 @p1 $0x1;
	p0 =	seq.s32 s7, s2  }
0x1e: {  	s7 =	smul.u32 @!p0 $0xF7A, s2;
	p2 =	seq.s32 @!p0 s5, $0x0  }
0x1f: {  	s9 =	smul.u32 $0xF7A, s1;
	s8 =	simm.s32 @!p0 $0x1BF5;
	p2 =	por !p2, p0  }
0x20: {  	[sflag:s8] =	ssyncset.s32 @!p0 $0xFFFFF086;
	s6 =	sadd.s32 @!p0 s3, s7;
	s7 =	simm.s32 @!p0 $0x108  }
0x21: {  	s3 =	sadd.s32 s3, s9;
	s6 =	sadd.s32 @!p0 $0x88, s6;
	s7 =	simm.s32 @p2 $0x1082  }
0x22: {  	[simem:s7], [sflag:s8] =	dma.local @!p0 [hbm:s6], $0xF7A  }
0x23: {  	s9 =	sor.u32 $0xD0000000, s2;
	s6 =	simm.s32 $0x108;
	_ =	swait.ge @!p0 [sflag:s8], $0x0  }
0x24: {  	s3 =	sadd.s32 $0x88, s3;
	s6 =	simm.s32 @!p1 $0x1082;
	[sflag:s4] =	ssyncset.s32 $0xFFFFF086  }
0x25: {  	[simem:s6], [sflag:s4] =	dma.local [hbm:s3], $0xF7A  }
0x26: {  	[smem:$0x3F86] =	sst s1;
	(tag) =	ssettag s2;
	_ =	strace s9  }
0x27: {  	s1 =	sld [smem:$0x3F96]  }
0x28: {  	s2 =	sld [smem:$0x3F97]  }
0x29: {  	s4 =	sld [smem:$0x3F99]  }
0x2a: {  	p0 =	seq.s32 s5, $0x0;
	s5 =	sld [smem:$0x3F9A]  }
0x2b: {  	s6 =	sld [smem:$0x3F9B]  }
0x2c: {  	s7 =	sld [smem:$0x3F9C]  }
0x2d: {  	s3 =	simm.s32 $0x108;
	s8 =	sld [smem:$0x3F9D]  }
0x2e: {  	s3 =	simm.s32 @!p0 $0x1082;
	s9 =	sld [smem:$0x3F9E]  }
0x2f: {  	lr =	sadd.s32 s0, s3;
	s0 =	sld [smem:$0x3F95]  }
0x30: {  	s3 =	sld [smem:$0x3F98]  }
0x31: {  	[smem:$0x3FA1] =	sst s10  }
0x32: {  	s10 =	sld [smem:$0x3F9F];
	_ =	sdelay $0x3  }
0x33: {  	p0 =	seq.s32 s10, $0x1;
	s10 =	sld [smem:$0x3FA1];
	_ =	sdelay $0x3  }
0x34: {  	[smem:$0x3FA1] =	sst s10  }
0x35: {  	s10 =	sld [smem:$0x3FA0];
	_ =	sdelay $0x3  }
0x36: {  	p1 =	seq.s32 s10, $0x1;
	s10 =	sld [smem:$0x3FA1];
	_ =	sdelay $0x3  }
0x37: {  	[smem:$0x3FA1] =	sst s10  }
0x38: {  	s10 =	sld [smem:$0x3FA2]  }
0x39: {  	_ = 	snop;
	(pc) =	sbr.ind lr, $3  }
0x3a: {  	_ = 	snop  }
0x3b: {  	_ = 	snop  }
0x3c: {  	p2 =	seq.s32 s10, $0x1;
	s10 =	sld [smem:$0x3FA1]  }
0x3d: {  	_ =	shalt  }
0x3e: {  	_ =	shalt  }
0x3f: {  	_ =	shalt  }
0x40: {  	_ =	shalt  }
0x41: {  	_ =	shalt  }
0x42: {  	_ =	shalt  }
0x43: {  	_ =	shalt  }
0x44: {  	_ =	shalt  }
0x45: {  	_ =	shalt  }
0x46: {  	_ =	shalt  }
0x47: {  	_ =	shalt  }
0x48: {  	_ =	shalt  }
0x49: {  	_ =	shalt  }
0x4a: {  	_ =	shalt  }
0x4b: {  	_ =	shalt  }
0x4c: {  	_ =	shalt  }
0x4d: {  	_ =	shalt  }
0x4e: {  	_ =	shalt  }
0x4f: {  	_ =	shalt  }
0x50: {  	_ =	shalt  }
0x51: {  	_ =	shalt  }
0x52: {  	_ =	shalt  }
0x53: {  	_ =	shalt  }
0x54: {  	_ =	shalt  }
0x55: {  	_ =	shalt  }
0x56: {  	_ =	shalt  }
0x57: {  	_ =	shalt  }
0x58: {  	_ =	shalt  }
0x59: {  	_ =	shalt  }
0x5a: {  	_ =	shalt  }
0x5b: {  	_ =	shalt  }
0x5c: {  	_ =	shalt  }
0x5d: {  	_ =	shalt  }
0x5e: {  	_ =	shalt  }
0x5f: {  	_ =	shalt  }
0x60: {  	_ =	shalt  }
0x61: {  	_ =	shalt  }
0x62: {  	_ =	shalt  }
0x63: {  	_ =	shalt  }
0x64: {  	_ =	shalt  }
0x65: {  	_ =	shalt  }
0x66: {  	_ =	shalt  }
0x67: {  	_ =	shalt  }
0x68: {  	_ =	shalt  }
0x69: {  	_ =	shalt  }
0x6a: {  	_ =	shalt  }
0x6b: {  	_ =	shalt  }
0x6c: {  	_ =	shalt  }
0x6d: {  	_ =	shalt  }
0x6e: {  	_ =	shalt  }
0x6f: {  	_ =	shalt  }
0x70: {  	_ =	shalt  }
0x71: {  	_ =	shalt  }
0x72: {  	_ =	shalt  }
0x73: {  	_ =	shalt  }
0x74: {  	_ =	shalt  }
0x75: {  	_ =	shalt  }
0x76: {  	_ =	shalt  }
0x77: {  	_ =	shalt  }
0x78: {  	_ =	shalt  }
0x79: {  	_ =	shalt  }
0x7a: {  	_ =	shalt  }
0x7b: {  	_ =	shalt  }
0x7c: {  	_ =	shalt  }
0x7d: {  	_ =	shalt  }
0x7e: {  	_ =	shalt  }
0x7f: {  	_ =	shalt  }
0x80: {  	_ =	shalt  }
0x81: {  	_ =	shalt  }
0x82: {  	_ =	shalt  }
0x83: {  	_ =	shalt  }
0x84: {  	_ =	shalt  }
0x85: {  	_ =	shalt  }
0x86: {  	_ =	shalt  }
0x87: {  	_ =	shalt  }
.Lfunc_end0:
.L_simem_size_0:
called_computation.2_lowered:
.L_overlay_start_0:
0x88: {  	s2 =	sld [smem:$0x3FD9]  }
0x89: {  	s3 =	sld [smem:$0x3FFE];
	_ =	sdelay $0x1  }
0x8a: {  	s1 =	srdreg.scid  }
0x8b: {  	s0 =	sand.u32 $0x1, s1  }
0x8c: {  	s14 =	sshll.u32 s0, $0xA;
	s2 =	sadd.s32 s3, s2  }
0x8d: {  	s2 =	sadd.s32 s2, s14  }
0x8e: {  	[smem:$0x3FAD] =	sst s2  }
0x8f: {  	_ = 	snop  }
0x90: {  	s2 =	sld [smem:$0x3FD0];
	_ =	sdelay $0x2  }
0x91: {  	s15 =	simm.s32 $0xA;
	s4 =	simm.s32 $0x10  }
0x92: {  	[smem:s4], [sflag:s15] =	dma.local [hbm:s2], $0x1  }
0x93: {  	_ =	swait.eq [sflag:s15], $0x1  }
0x94: {  	[sflag:s15] =	ssyncset.done $0x0  }
0x95: {  	[sflag:s15] =	ssyncadd.s32 $0xFFFFFFFF  }
0x96: {  	s16 =	sld [smem:$0x11];
	(tm) =	ssettm $0x1  }
0x97: {  	s17 =	sld [smem:$0x3FFB];
	_ =	sdelay $0x3  }
0x98: {  	_ =	strace s17  }
0x99: {  	s3 =	sld [smem:$0x3FFC];
	_ =	sdelay $0x3  }
0x9a: {  	_ =	strace s3  }
0x9b: {  	s3 =	sld [smem:$0x3FFD];
	_ =	sdelay $0x3  }
0x9c: {  	_ =	strace s3  }
0x9d: {  	_ =	strace $0x8FFFFFFF  }
0x9e: {  	s18 =	sld [smem:$0x3FDB];
	_ =	sdelay $0x1  }
0x9f: {  	s19 =	simm.s32 $_scs_section_size  }
0xa0: {  	s5 =	simm.s32 $_size__tile_overlayer_lowered;
	s6 =	simm.s32 $_tile_overlayer_lowered  }
0xa1: {  	s22 =	simm.s32 $0x1BFF;
	s21 =	sshll.u32 s6, $0x1;
	s3 =	sadd.s32 s19, s18  }
0xa2: {  	s7 =	simm.s32 $0x0;
	s20 =	sshll.u32 s5, $0x1;
	s5 =	sadd.s32 s21, s3  }
0xa3: {  	[timem:s7], [sflag:s22] =	dma.local [hbm:s5], s20  }
0xa4: {  	_ =	swait.ge [sflag:s22], s20  }
0xa5: {  	s4 =	ssub.s32 $0x0, s20;
	[sflag:s22] =	ssyncset.done $0x0  }
0xa6: {  	[sflag:s22] =	ssyncadd.s32 s4;
	_ =	sdelay $0x1  }
0xa7: {  	s23 =	simm.s32 $0x1B8B  }
0xa8: {  	_ =	swait.ge [sflag:s23], $0x1  }
0xa9: {  	[sflag:s23] =	ssyncset.done $0x0  }
0xaa: {  	s25 =	simm.s32 $0x1B8E;
	s24 =	sld [smem:$0x3FFE];
	[sflag:s23] =	ssyncadd.s32 $0xFFFFFFFF  }
0xab: {  	s26 =	simm.s32 $execute0_lowered;
	[smem:$0x3FD2] =	sst s25  }
0xac: {  	s5 =	sshll.u32 s26, $0x1;
	_ =	strace $0x8000004C;
	[dreg:$0x1] =	wrdreg $0xFFFFFFFF  }
0xad: {  	s28 =	simm.s32 $_size_execute0_lowered;
	s3 =	sadd.s32 s3, s5;
	[dreg:$0x0] =	wrdreg $0x0  }
0xae: {  	s5 =	sshll.u32 s28, $0x1;
	[dreg:$0x2] =	wrdreg s3  }
0xaf: {  	[dreg:$0x3] =	wrdreg s5  }
0xb0: {  	[dreg:$0x4] =	wrdreg $0xC0  }
0xb1: {  	_ =	task [dreg:s7], $0x5FFFF  }
0xb2: {  	[dreg:$0x1] =	wrdreg $0xFFFFFFFF  }
0xb3: {  	[dreg:$0x0] =	wrdreg $0x60  }
0xb4: {  	[dreg:$0x2] =	wrdreg s16  }
0xb5: {  	[dreg:$0x3] =	wrdreg s24  }
0xb6: {  	[dreg:$0x4] =	wrdreg $0x9  }
0xb7: {  	_ =	task.clear_ibuf [dreg:s7], $0x5FFFF;
	_ =	strace $0x9000004C  }
0xb8: {  	s29 =	simm.s32 $0x9;
	_ =	strace $0x8000004E  }
0xb9: {  	_ =	swait.ge [sflag:s29], $0x1  }
0xba: {  	[sflag:s29] =	ssyncadd.s32 $0xFFFFFFFF  }
0xbb: {  	_ =	strace $0x9000004E  }
0xbc: {  	_ =	sfence  }
0xbd: {  	s30 =	sld [smem:$0x0];
	_ =	sdelay $0x2  }
0xbe: {  	s31 =	sshll.u32 s1, $0xD;
	s1 =	sshrl.u32 s1, $0x2  }
0xbf: {  	s3 =	sand.u32 $0x4000, s31;
	s1 =	sadd.s32 s1, s30  }
0xc0: {  	s0 =	sor.u32 s3, s0;
	s1 =	sshll.u32 s1, $0x11  }
0xc1: {  	s0 =	sor.u32 s1, s0  }
0xc2: {  	s0 =	sadd.s32 $0x8F2B, s0  }
0xc3: {  	[sflag:s0] =	ssyncadd.remote.s32 $0x1  }
0xc4: {  	_ =	sfence.sel $0xFFFF  }
0xc5: {  	[dreg:$0x0] =	wrdreg $0xFFFFFFFF;
	(pc) =	sbr.abs _section_cstart, $3  }
0xc6: {  	[dreg:$0x1] =	wrdreg $0xFFFFFFFF  }
0xc7: {  	_ =	task.clear_ibuf [dreg:s7], $0x2FFFF;
	_ =	strace $0x9FFFFFFF  }
0xc8: {  	(tm) =	ssettm $0x7FFFFFFF  }
0xc9: {  	_ =	shalt  }
tec
execute0_lowered:
.L_overlay_start_1:
0x0: {  	(tag) =	ssettag $0x1  }
0x1: {  	s2 =	rddreg [dreg:$0x0];
	s1 =	srdreg.scid  }
0x2: {  	s0 =	stileid.u32;
	s6 =	rddreg [dreg:$0x1]  }
0x3: {  	s3 =	simm.s32 $0x0;
	s12 =	simm.s32 $0x5;
	s13 =	simm.s32 $0x2780  }
0x4: {  	s14 =	simm.s32 $0x50;
	s15 =	simm.s32 $0x4F00;
	s16 =	simm.s32 $0x7700  }
0x5: {  	s17 =	simm.s32 $0x9F00;
	s18 =	simm.s32 $0x27D0;
	s19 =	simm.s32 $0xC700  }
0x6: {  	s20 =	simm.s32 $0x1;
	s21 =	simm.s32 $0x2;
	s22 =	simm.s32 $0x3  }
0x7: {  	s23 =	simm.s32 $0x4;
	s7 =	sand.u32 $0x1, s1;
	s4 =	sshll.u32 s0, $0x1  }
0x8: {  	s24 =	simm.s32 $0x0;
	s1 =	rddreg [dreg:$0x2];
	s8 =	sor.u32 s7, s4  }
0x9: {  	[smem:$0x7FF] =	sst s3;
	s7 =	ssub.s32 $0x2, s7;
	s4 =	smul.u32 $0x2710, s8  }
0xa: {  	s5 =	sadd.s32 $0x19400, s6;
	s8 =	smul.u32 $0x138800, s8;
	s10 =	sshrl.u32 s7, $0x1  }
0xb: {  	_ =	strace $0x8000004D;
	s11 =	ssub.s32 s7, s10;
	s9 =	sshrl.u32 s4, $0x3  }
0xc: {  	s31 =	sshrl.u32 s8, $0x3;
	s9 =	sadd.s32 s9, s6;
	s6 =	sadd.s32 $0x91C00, s6  }
0xd: {  	s11 =	smax.u32 s11, $0x1;
	s7 =	sadd.s32 $0xF600, s9;
	s10 =	sadd.s32 s6, s31  }
0xe: {  	s8 =	sadd.s32 $0x5800, s9;
	s9 =	sadd.s32 $0x50, s4;
	s10 =	sadd.s32 $0x26C00, s10  }
.LBB2_1:
0xf: {  	[tilespmem:s3], [sflag:$0x5] =	stream.linear.gather [hbm4b:s7+s3], $0x2710, $0x38;
	[tilespmem:$0xEF00] =	vst v63  }
0x10: {  	_ =	swait.ge [sflag:s12], $0x2710  }
0x11: {  	[sflag:s12] =	ssyncset.done $0x0  }
0x12: {  	[sflag:s12] =	ssyncadd.s32 $0xFFFFD8F0  }
0x13: {  	[tilespmem:s13], [sflag:$0x5] =	stream.linear.gather [hbm4b:s8+s3], $0x2710, $0x38;
	[tilespmem:$0xEF00] =	vst v63  }
0x14: {  	_ =	swait.ge [sflag:s12], $0x2710  }
0x15: {  	[sflag:s12] =	ssyncset.done $0x0  }
0x16: {  	[sflag:s12] =	ssyncadd.s32 $0xFFFFD8F0  }
0x17: {  	[tilespmem:s15], [sflag:$0x1] =	stream.indirect.gather [hbm4b:s2+s14], $0x80, s3, s14, $0xb8;
	[tilespmem:$0xEF00] =	vst v63  }
0x18: {  	_ = 	snop  }
0x19: {  	[tilespmem:s16], [sflag:$0x1] =	stream.indirect.gather [hbm4b:s5+s14], $0x80, s13, s14, $0xb8;
	[tilespmem:$0xEF00] =	vst v63  }
0x1a: {  	_ = 	snop  }
0x1b: {  	[tilespmem:s17], [sflag:$0x2] =	stream.indirect.gather [hbm4b:s2+s14], $0x80, s14, s14, $0xb8;
	[tilespmem:$0xEF00] =	vst v63  }
0x1c: {  	s25 =	simm.s32 $0x0  }
0x1d: {  	[tilespmem:s19], [sflag:$0x2] =	stream.indirect.gather [hbm4b:s5+s14], $0x80, s18, s14, $0xb8;
	[tilespmem:$0xEF00] =	vst v63  }
.LBB2_2:
0x1e: {  	_ =	swait.ge [sflag:s20], $0x2800  }
0x1f: {  	[sflag:s20] =	ssyncset.done $0x0  }
0x20: {  	[sflag:s20] =	ssyncadd.s32 $0xFFFFD800  }
0x21: {  	_ =	swait.ge [sflag:s20], $0x2800  }
0x22: {  	[sflag:s20] =	ssyncset.done $0x0  }
0x23: {  	s28 =	simm.s32 $0x0;
	[sflag:s20] =	ssyncadd.s32 $0xFFFFD800  }
0x24: {  	v6 =	vld [tilespmem:s28+$0x7700]  }
0x25: {  	v11 =	vld [tilespmem:s28+$0x7710]  }
0x26: {  	v5 =	vld [tilespmem:s28+$0x7720]  }
0x27: {  	v4 =	vld [tilespmem:s28+$0x7730]  }
0x28: {  	v3 =	vld [tilespmem:s28+$0x7740]  }
0x29: {  	v2 =	vld [tilespmem:s28+$0x7750]  }
0x2a: {  	v1 =	vld [tilespmem:s28+$0x7760]  }
0x2b: {  	v0 =	vld [tilespmem:s28+$0x7770]  }
0x2c: {  	v12 =	vld [tilespmem:s28+$0x4F00]  }
0x2d: {  	v13 =	vld [tilespmem:s28+$0x4F10]  }
0x2e: {  	v10 =	vld [tilespmem:s28+$0x4F20]  }
0x2f: {  	v9 =	vld [tilespmem:s28+$0x4F30]  }
0x30: {  	v8 =	vld [tilespmem:s28+$0x4F40]  }
0x31: {  	v7 =	vld [tilespmem:s28+$0x4F50];
	v12 =	vadd.f32 v6, v12  }
0x32: {  	s26 =	simm.s32 $0x200;
	v11 =	vadd.f32 v11, v13;
	v6 =	vld [tilespmem:s28+$0x4F60]  }
.LBB2_3:
0x33: {  	s29 =	sshra.s32 s26, $0x2;
	p0 =	sne.s32 s26, $0x9E00;
	[tilespmem:s28+$0x4F00] =	vst v12;
	v5 =	vadd.f32 v5, v10;
	v10 =	vld [tilespmem:s28+$0x4F70]  }
0x34: {  	v12 =	vld [tilespmem:s29+$0x7700];
	[tilespmem:s28+$0x4F10] =	vst v11;
	v4 =	vadd.f32 v4, v9  }
0x35: {  	v11 =	vld [tilespmem:s29+$0x7710];
	[tilespmem:s28+$0x4F20] =	vst v5;
	v3 =	vadd.f32 v3, v8  }
0x36: {  	v5 =	vld [tilespmem:s29+$0x7720];
	[tilespmem:s28+$0x4F30] =	vst v4;
	v2 =	vadd.f32 v2, v7  }
0x37: {  	v4 =	vld [tilespmem:s29+$0x7730];
	[tilespmem:s28+$0x4F40] =	vst v3;
	v1 =	vadd.f32 v1, v6  }
0x38: {  	v3 =	vld [tilespmem:s29+$0x7740];
	[tilespmem:s28+$0x4F50] =	vst v2;
	v0 =	vadd.f32 v0, v10  }
0x39: {  	v2 =	vld [tilespmem:s29+$0x7750];
	[tilespmem:s28+$0x4F60] =	vst v1  }
0x3a: {  	v1 =	vld [tilespmem:s29+$0x7760];
	[tilespmem:s28+$0x4F70] =	vst v0;
	s28 =	smov.u32 s29  }
0x3b: {  	v0 =	vld [tilespmem:s28+$0x7770]  }
0x3c: {  	v6 =	vld [tilespmem:s28+$0x4F00]  }
0x3d: {  	v13 =	vld [tilespmem:s28+$0x4F10]  }
.Ltmp0:
0x3e: {  	v10 =	vld [tilespmem:s28+$0x4F20];
	(pc) =	sbr.rel @p0 .LBB2_3-.Ltmp0, $4  }
0x3f: {  	v9 =	vld [tilespmem:s28+$0x4F30]  }
0x40: {  	v8 =	vld [tilespmem:s28+$0x4F40]  }
0x41: {  	v12 =	vadd.f32 v12, v6;
	v7 =	vld [tilespmem:s28+$0x4F50]  }
0x42: {  	s26 =	sadd.s32 $0x200, s26;
	v11 =	vadd.f32 v11, v13;
	v6 =	vld [tilespmem:s28+$0x4F60]  }
0x43: {  	[tilespmem:s28+$0x4F00] =	vst v12;
	v5 =	vadd.f32 v5, v10;
	v10 =	vld [tilespmem:s28+$0x4F70]  }
0x44: {  	[tilespmem:s28+$0x4F10] =	vst v11;
	v4 =	vadd.f32 v4, v9  }
0x45: {  	[tilespmem:s28+$0x4F20] =	vst v5;
	v3 =	vadd.f32 v3, v8  }
0x46: {  	s26 =	smul.u32 $0xA0, s25;
	[tilespmem:s28+$0x4F30] =	vst v4;
	v2 =	vadd.f32 v2, v7  }
0x47: {  	[tilespmem:s28+$0x4F40] =	vst v3;
	v1 =	vadd.f32 v1, v6  }
0x48: {  	s29 =	sadd.s32 s4, s26;
	[tilespmem:s28+$0x4F50] =	vst v2;
	v0 =	vadd.f32 v0, v10  }
0x49: {  	s29 =	sshll.u32 s29, $0x4;
	[tilespmem:s28+$0x4F60] =	vst v1  }
0x4a: {  	[tilespmem:s28+$0x4F70] =	vst v0;
	s28 =	sadd.s32 s6, s29;
	s29 =	simm.s32 $0x0  }
0x4b: {  	[hbm4b:s28+s29] =	stream.linear.scatter [tilespmem:s15], [sflag:$0x3], $0x2800, $0x38;
	[tilespmem:$0xEF00] =	vst v63  }
0x4c: {  	_ =	swait.ge [sflag:s21], $0x2800  }
0x4d: {  	[sflag:s21] =	ssyncset.done $0x0  }
0x4e: {  	[sflag:s21] =	ssyncadd.s32 $0xFFFFD800  }
0x4f: {  	_ =	swait.ge [sflag:s21], $0x2800  }
0x50: {  	[sflag:s21] =	ssyncset.done $0x0  }
0x51: {  	s28 =	simm.s32 $0x0;
	[sflag:s21] =	ssyncadd.s32 $0xFFFFD800  }
0x52: {  	v7 =	vld [tilespmem:s28+$0xC700]  }
0x53: {  	v11 =	vld [tilespmem:s28+$0xC710]  }
0x54: {  	v5 =	vld [tilespmem:s28+$0xC720]  }
0x55: {  	v4 =	vld [tilespmem:s28+$0xC730]  }
0x56: {  	v3 =	vld [tilespmem:s28+$0xC740]  }
0x57: {  	v2 =	vld [tilespmem:s28+$0xC750]  }
0x58: {  	v1 =	vld [tilespmem:s28+$0xC760]  }
0x59: {  	v0 =	vld [tilespmem:s28+$0xC770]  }
0x5a: {  	v12 =	vld [tilespmem:s28+$0x9F00]  }
0x5b: {  	v13 =	vld [tilespmem:s28+$0x9F10]  }
0x5c: {  	v10 =	vld [tilespmem:s28+$0x9F20]  }
0x5d: {  	v9 =	vld [tilespmem:s28+$0x9F30]  }
0x5e: {  	v8 =	vld [tilespmem:s28+$0x9F40]  }
0x5f: {  	v6 =	vld [tilespmem:s28+$0x9F50];
	v12 =	vadd.f32 v7, v12  }
0x60: {  	s29 =	simm.s32 $0x200;
	v11 =	vadd.f32 v11, v13;
	v7 =	vld [tilespmem:s28+$0x9F60]  }
.LBB2_5:
0x61: {  	s30 =	sshra.s32 s29, $0x2;
	p0 =	sne.s32 s29, $0x9E00;
	[tilespmem:s28+$0x9F00] =	vst v12;
	v5 =	vadd.f32 v5, v10;
	v10 =	vld [tilespmem:s28+$0x9F70]  }
0x62: {  	v12 =	vld [tilespmem:s30+$0xC700];
	[tilespmem:s28+$0x9F10] =	vst v11;
	v4 =	vadd.f32 v4, v9  }
0x63: {  	v11 =	vld [tilespmem:s30+$0xC710];
	[tilespmem:s28+$0x9F20] =	vst v5;
	v3 =	vadd.f32 v3, v8  }
0x64: {  	v5 =	vld [tilespmem:s30+$0xC720];
	[tilespmem:s28+$0x9F30] =	vst v4;
	v2 =	vadd.f32 v2, v6  }
0x65: {  	v4 =	vld [tilespmem:s30+$0xC730];
	[tilespmem:s28+$0x9F40] =	vst v3;
	v1 =	vadd.f32 v1, v7  }
0x66: {  	v3 =	vld [tilespmem:s30+$0xC740];
	[tilespmem:s28+$0x9F50] =	vst v2;
	v0 =	vadd.f32 v0, v10  }
0x67: {  	v2 =	vld [tilespmem:s30+$0xC750];
	[tilespmem:s28+$0x9F60] =	vst v1  }
0x68: {  	v1 =	vld [tilespmem:s30+$0xC760];
	[tilespmem:s28+$0x9F70] =	vst v0;
	s28 =	smov.u32 s30  }
0x69: {  	v0 =	vld [tilespmem:s28+$0xC770]  }
0x6a: {  	v6 =	vld [tilespmem:s28+$0x9F00]  }
0x6b: {  	v7 =	vld [tilespmem:s28+$0x9F10]  }
.Ltmp1:
0x6c: {  	v10 =	vld [tilespmem:s28+$0x9F20];
	(pc) =	sbr.rel @p0 .LBB2_5-.Ltmp1, $4  }
0x6d: {  	v9 =	vld [tilespmem:s28+$0x9F30]  }
0x6e: {  	v8 =	vld [tilespmem:s28+$0x9F40]  }
0x6f: {  	v12 =	vadd.f32 v12, v6;
	v6 =	vld [tilespmem:s28+$0x9F50]  }
0x70: {  	s29 =	sadd.s32 $0x200, s29;
	v11 =	vadd.f32 v11, v7;
	v7 =	vld [tilespmem:s28+$0x9F60]  }
0x71: {  	[tilespmem:s28+$0x9F00] =	vst v12;
	v5 =	vadd.f32 v5, v10;
	v63 =	vld [tilespmem:s28+$0x9F70]  }
0x72: {  	[tilespmem:s28+$0x9F10] =	vst v11;
	v4 =	vadd.f32 v4, v9  }
0x73: {  	[tilespmem:s28+$0x9F20] =	vst v5;
	v3 =	vadd.f32 v3, v8  }
0x74: {  	[tilespmem:s28+$0x9F30] =	vst v4;
	v2 =	vadd.f32 v2, v6  }
0x75: {  	[tilespmem:s28+$0x9F40] =	vst v3;
	v1 =	vadd.f32 v1, v7  }
0x76: {  	s29 =	sadd.s32 s26, s9;
	[tilespmem:s28+$0x9F50] =	vst v2;
	v0 =	vadd.f32 v0, v63  }
0x77: {  	s29 =	sshll.u32 s29, $0x4;
	[tilespmem:s28+$0x9F60] =	vst v1  }
0x78: {  	s29 =	sadd.s32 s6, s29;
	[tilespmem:s28+$0x9F70] =	vst v0  }
0x79: {  	[hbm4b:s29+s3] =	stream.linear.scatter [tilespmem:s17], [sflag:$0x4], $0x2800, $0x38;
	[tilespmem:$0xEF00] =	vst v63  }
0x7a: {  	_ =	swait.ge [sflag:s22], $0x2800  }
0x7b: {  	[sflag:s22] =	ssyncset.done $0x0  }
0x7c: {  	s30 =	sadd.s32 $0xA0, s26;
	p0 =	seq.s32 s25, $0x3D;
	[sflag:s22] =	ssyncadd.s32 $0xFFFFD800  }
0x7d: {  	[tilespmem:s15], [sflag:$0x1] =	stream.indirect.gather [hbm4b:s2+s14], $0x80, s30, s14, $0xb8;
	[tilespmem:$0xEF00] =	vst v63  }
.Ltmp2:
0x7e: {  	s31 =	sadd.s32 $0x2820, s26;
	(pc) =	sbr.rel @p0 .LBB2_8-.Ltmp2, $4  }
0x7f: {  	[tilespmem:s16], [sflag:$0x1] =	stream.indirect.gather [hbm4b:s5+s14], $0x80, s31, s14, $0xb8;
	[tilespmem:$0xEF00] =	vst v63  }
0x80: {  	_ =	swait.ge [sflag:s23], $0x2800  }
0x81: {  	[sflag:s23] =	ssyncset.done $0x0  }
0x82: {  	[sflag:s23] =	ssyncadd.s32 $0xFFFFD800  }
.Ltmp3:
0x83: {  	(pc) =	sbr.rel .LBB2_2-.Ltmp3, $4  }
0x84: {  	s28 =	sadd.s32 $0xF0, s26  }
0x85: {  	[tilespmem:s17], [sflag:$0x2] =	stream.indirect.gather [hbm4b:s2+s14], $0x80, s28, s14, $0xb8;
	[tilespmem:$0xEF00] =	vst v63  }
0x86: {  	s31 =	sadd.s32 $0x2870, s26;
	s25 =	sadd.s32 $0x1, s25  }
0x87: {  	[tilespmem:s19], [sflag:$0x2] =	stream.indirect.gather [hbm4b:s5+s14], $0x80, s31, s14, $0xb8;
	[tilespmem:$0xEF00] =	vst v63  }
.LBB2_8:
0x88: {  	_ =	swait.ge [sflag:s20], $0x2800  }
0x89: {  	[sflag:s20] =	ssyncset.done $0x0  }
0x8a: {  	[sflag:s20] =	ssyncadd.s32 $0xFFFFD800  }
0x8b: {  	_ =	swait.ge [sflag:s20], $0x2800  }
0x8c: {  	[sflag:s20] =	ssyncset.done $0x0  }
0x8d: {  	s25 =	simm.s32 $0x0;
	[sflag:s20] =	ssyncadd.s32 $0xFFFFD800  }
0x8e: {  	v7 =	vld [tilespmem:s25+$0x7700]  }
0x8f: {  	v11 =	vld [tilespmem:s25+$0x7710]  }
0x90: {  	v5 =	vld [tilespmem:s25+$0x7720]  }
0x91: {  	v4 =	vld [tilespmem:s25+$0x7730]  }
0x92: {  	v3 =	vld [tilespmem:s25+$0x7740]  }
0x93: {  	v2 =	vld [tilespmem:s25+$0x7750]  }
0x94: {  	v1 =	vld [tilespmem:s25+$0x7760]  }
0x95: {  	v0 =	vld [tilespmem:s25+$0x7770]  }
0x96: {  	v12 =	vld [tilespmem:s25+$0x4F00]  }
0x97: {  	v13 =	vld [tilespmem:s25+$0x4F10]  }
0x98: {  	v10 =	vld [tilespmem:s25+$0x4F20]  }
0x99: {  	v9 =	vld [tilespmem:s25+$0x4F30]  }
0x9a: {  	v8 =	vld [tilespmem:s25+$0x4F40]  }
0x9b: {  	v6 =	vld [tilespmem:s25+$0x4F50];
	v12 =	vadd.f32 v7, v12  }
0x9c: {  	s26 =	simm.s32 $0x200;
	v11 =	vadd.f32 v11, v13;
	v7 =	vld [tilespmem:s25+$0x4F60]  }
.LBB2_9:
0x9d: {  	s28 =	sshra.s32 s26, $0x2;
	p0 =	sne.s32 s26, $0x9E00;
	[tilespmem:s25+$0x4F00] =	vst v12;
	v5 =	vadd.f32 v5, v10;
	v10 =	vld [tilespmem:s25+$0x4F70]  }
0x9e: {  	v12 =	vld [tilespmem:s28+$0x7700];
	[tilespmem:s25+$0x4F10] =	vst v11;
	v4 =	vadd.f32 v4, v9  }
0x9f: {  	v11 =	vld [tilespmem:s28+$0x7710];
	[tilespmem:s25+$0x4F20] =	vst v5;
	v3 =	vadd.f32 v3, v8  }
0xa0: {  	v5 =	vld [tilespmem:s28+$0x7720];
	[tilespmem:s25+$0x4F30] =	vst v4;
	v2 =	vadd.f32 v2, v6  }
0xa1: {  	v4 =	vld [tilespmem:s28+$0x7730];
	[tilespmem:s25+$0x4F40] =	vst v3;
	v1 =	vadd.f32 v1, v7  }
0xa2: {  	v3 =	vld [tilespmem:s28+$0x7740];
	[tilespmem:s25+$0x4F50] =	vst v2;
	v0 =	vadd.f32 v0, v10  }
0xa3: {  	v2 =	vld [tilespmem:s28+$0x7750];
	[tilespmem:s25+$0x4F60] =	vst v1  }
0xa4: {  	v1 =	vld [tilespmem:s28+$0x7760];
	[tilespmem:s25+$0x4F70] =	vst v0;
	s25 =	smov.u32 s28  }
0xa5: {  	v0 =	vld [tilespmem:s25+$0x7770]  }
0xa6: {  	v6 =	vld [tilespmem:s25+$0x4F00]  }
0xa7: {  	v7 =	vld [tilespmem:s25+$0x4F10]  }
.Ltmp4:
0xa8: {  	v10 =	vld [tilespmem:s25+$0x4F20];
	(pc) =	sbr.rel @p0 .LBB2_9-.Ltmp4, $4  }
0xa9: {  	v9 =	vld [tilespmem:s25+$0x4F30]  }
0xaa: {  	v8 =	vld [tilespmem:s25+$0x4F40]  }
0xab: {  	v12 =	vadd.f32 v12, v6;
	v6 =	vld [tilespmem:s25+$0x4F50]  }
0xac: {  	s26 =	sadd.s32 $0x200, s26;
	v11 =	vadd.f32 v11, v7;
	v7 =	vld [tilespmem:s25+$0x4F60]  }
0xad: {  	[tilespmem:s25+$0x4F00] =	vst v12;
	v5 =	vadd.f32 v5, v10;
	v63 =	vld [tilespmem:s25+$0x4F70]  }
0xae: {  	[tilespmem:s25+$0x4F10] =	vst v11;
	v4 =	vadd.f32 v4, v9  }
0xaf: {  	[tilespmem:s25+$0x4F20] =	vst v5;
	v3 =	vadd.f32 v3, v8  }
0xb0: {  	[tilespmem:s25+$0x4F30] =	vst v4;
	v2 =	vadd.f32 v2, v6  }
0xb1: {  	[tilespmem:s25+$0x4F40] =	vst v3;
	v1 =	vadd.f32 v1, v7  }
0xb2: {  	s24 =	sadd.s32 $0x1, s24;
	[tilespmem:s25+$0x4F50] =	vst v2;
	v0 =	vadd.f32 v0, v63  }
0xb3: {  	p0 =	sne.s32 s24, s11;
	[tilespmem:s25+$0x4F60] =	vst v1  }
.Ltmp5:
0xb4: {  	[tilespmem:s25+$0x4F70] =	vst v0;
	(pc) =	sbr.rel @p0 .LBB2_1-.Ltmp5, $4  }
0xb5: {  	[hbm4b:s10+s3] =	stream.linear.scatter [tilespmem:s15], [sflag:$0x3], $0x2800, $0x38;
	[tilespmem:$0xEF00] =	vst v63  }
0xb6: {  	_ =	swait.ge [sflag:s22], $0x2800  }
0xb7: {  	[sflag:s22] =	ssyncset.done $0x0  }
0xb8: {  	[sflag:s22] =	ssyncadd.s32 $0xFFFFD800  }
0xb9: {  	_ =	sfence.sel $0x180000  }
0xba: {  	[bflag:$0x0] =	sbarrier.arrive $0xFFFF  }
0xbb: {  	p0 =	sne.s32 s0, $0x0;
	_ =	strace $0x9000004D  }
0xbc: {  	s0 =	sadd.s32 @!p0 $0x100000, s1;
	[bflag:$0x2] =	sbarrier.arrive $0xFFFF  }
0xbd: {  	[sflag:s0] =	ssyncadd.tile.s32 @!p0 $0x1;
	_ =	shalt  }
.Lfunc_end2:
_tile_overlayer_lowered:
.L_overlay_start_2:
0xbe: {  	(tag) =	ssettag $0x2  }
0xbf: {  	s0 =	rddreg [dreg:$0x0];
	s2 =	stileid.u32  }
0xc0: {  	s1 =	rddreg [dreg:$0x1];
	p0 =	sne.s32 s2, $0x0  }
0xc1: {  	s3 =	rddreg [dreg:$0x2];
	[bflag:$0x3] =	sbarrier.arrive $0xFFFF;
	s2 =	simm.s32 @!p0 $0x1C05  }
0xc2: {  	[timem:s3], [sflag:s2] =	dma.local @!p0 [hbm:s0], s1  }
0xc3: {  	s0 =	simm.s32 @!p0 $0x5  }
0xc4: {  	_ =	swait.ge @!p0 [sflag:s0], s1  }
0xc5: {  	s1 =	ssub.s32 @!p0 $0x0, s1;
	[sflag:s0] =	ssyncset.done @!p0 $0x0  }
0xc6: {  	[sflag:s0] =	ssyncadd.s32 @!p0 s1  }
0xc7: {  	[bflag:$0x3] =	sbarrier.arrive $0xFFFF  }
0xc8: {  	_ =	shalt  }

</sc_bundles>
